<compile_context>
chip_gen: v7x
topology: tpu7x:2x2x1
jax: 0.10.2.dev20260603
libtpu: 0.0.44.dev20260713+nightly
codegen_flags: <defaults>
</compile_context>

<pallas_src>
import functools

import jax
import jax.numpy as jnp
from jax import lax
from jax.experimental import pallas as pl
from jax.experimental.pallas import tpu as pltpu
from jax.experimental.pallas import tpu_sc as plsc

N = 10000
DIN = 128
DH = 16
DOUT = 128
E = 320000
MU = 0.1
P_EXP = 2.0
C0 = 2.0 * MU / P_EXP
EPS = 1e-8

NC = 2
NS = 16
NW = NC * NS
CH = 128
NCH = 80
EPW = NCH * CH
EP = NW * EPW
NP = 10240
RPT = NP // NS

_mesh = plsc.VectorSubcoreMesh(core_axis_name="c", subcore_axis_name="s")



def _deg_body(ei_hbm, ones_hbm, zero_hbm, out_hbm, ib0, ib1, onesv, acc,
              si0, si1):
    cid = lax.axis_index("c")
    sid = lax.axis_index("s")
    wid = sid * NC + cid
    pltpu.sync_copy(zero_hbm, acc.at[pl.ds(sid * RPT, RPT)])
    pltpu.sync_copy(ones_hbm, onesv)
    pltpu.async_copy(ei_hbm.at[wid, 0], ib0, si0)
    pltpu.async_copy(ei_hbm.at[wid, 1], ib1, si1)
    plsc.subcore_barrier()

    def body(j2, carry):
        a = 2 * j2
        b = a + 1
        pltpu.make_async_copy(ei_hbm.at[wid, a], ib0, si0).wait()
        pltpu.sync_copy(onesv, acc.at[ib0.at[0]], add=True)
        pltpu.async_copy(ei_hbm.at[wid, jnp.minimum(a + 2, NCH - 1)], ib0, si0)
        pltpu.make_async_copy(ei_hbm.at[wid, b], ib1, si1).wait()
        pltpu.sync_copy(onesv, acc.at[ib1.at[0]], add=True)
        pltpu.async_copy(ei_hbm.at[wid, jnp.minimum(b + 2, NCH - 1)], ib1, si1)
        return carry

    lax.fori_loop(0, NCH // 2, body, 0)
    pltpu.make_async_copy(ei_hbm.at[wid, 0], ib0, si0).wait()
    pltpu.make_async_copy(ei_hbm.at[wid, 0], ib1, si1).wait()
    plsc.subcore_barrier()
    pltpu.sync_copy(acc.at[pl.ds(sid * RPT, RPT)],
                    out_hbm.at[pl.ds(cid * NP + sid * RPT, RPT)])


_deg_kernel = functools.partial(
    pl.kernel,
    out_type=jax.ShapeDtypeStruct((NC * NP, DOUT), jnp.float32),
    mesh=_mesh,
    scratch_types=[
        pltpu.VMEM((2, CH), jnp.int32),
        pltpu.VMEM((2, CH), jnp.int32),
        pltpu.VMEM((CH, DOUT), jnp.float32),
        pltpu.VMEM_SHARED((NP, DOUT), jnp.float32),
        pltpu.SemaphoreType.DMA,
        pltpu.SemaphoreType.DMA,
    ],
)(_deg_body)



def _spmm_body(g_hbm, ei_hbm, zero_hbm, out_hbm,
               ib0, ib1, ib2, ib3, gv0, gv1, acc,
               si0, si1, si2, si3, sg0, sg1):
    cid = lax.axis_index("c")
    sid = lax.axis_index("s")
    wid = sid * NC + cid
    pltpu.sync_copy(zero_hbm, acc.at[pl.ds(sid * RPT, RPT)])
    pltpu.async_copy(ei_hbm.at[wid, 0], ib0, si0)
    pltpu.async_copy(ei_hbm.at[wid, 1], ib1, si1)
    pltpu.async_copy(ei_hbm.at[wid, 2], ib2, si2)
    pltpu.async_copy(ei_hbm.at[wid, 3], ib3, si3)
    plsc.subcore_barrier()
    pltpu.make_async_copy(ei_hbm.at[wid, 0], ib0, si0).wait()
    pltpu.async_copy(g_hbm.at[ib0.at[1]], gv0, sg0)
    pltpu.make_async_copy(ei_hbm.at[wid, 1], ib1, si1).wait()

    def body(j4, carry):
        c0 = 4 * j4
        pltpu.async_copy(g_hbm.at[ib1.at[1]], gv1, sg1)
        pltpu.make_async_copy(g_hbm.at[ib0.at[1]], gv0, sg0).wait()
        pltpu.sync_copy(gv0, acc.at[ib0.at[0]], add=True)
        pltpu.async_copy(ei_hbm.at[wid, jnp.minimum(c0 + 4, NCH - 1)], ib0, si0)
        pltpu.make_async_copy(ei_hbm.at[wid, 0], ib2, si2).wait()
        pltpu.async_copy(g_hbm.at[ib2.at[1]], gv0, sg0)
        pltpu.make_async_copy(g_hbm.at[ib1.at[1]], gv1, sg1).wait()
        pltpu.sync_copy(gv1, acc.at[ib1.at[0]], add=True)
        pltpu.async_copy(ei_hbm.at[wid, jnp.minimum(c0 + 5, NCH - 1)], ib1, si1)
        pltpu.make_async_copy(ei_hbm.at[wid, 0], ib3, si3).wait()
        pltpu.async_copy(g_hbm.at[ib3.at[1]], gv1, sg1)
        pltpu.make_async_copy(g_hbm.at[ib2.at[1]], gv0, sg0).wait()
        pltpu.sync_copy(gv0, acc.at[ib2.at[0]], add=True)
        pltpu.async_copy(ei_hbm.at[wid, jnp.minimum(c0 + 6, NCH - 1)], ib2, si2)
        pltpu.make_async_copy(ei_hbm.at[wid, 0], ib0, si0).wait()
        pltpu.async_copy(g_hbm.at[ib0.at[1]], gv0, sg0)
        pltpu.make_async_copy(g_hbm.at[ib3.at[1]], gv1, sg1).wait()
        pltpu.sync_copy(gv1, acc.at[ib3.at[0]], add=True)
        pltpu.async_copy(ei_hbm.at[wid, jnp.minimum(c0 + 7, NCH - 1)], ib3, si3)
        pltpu.make_async_copy(ei_hbm.at[wid, 0], ib1, si1).wait()
        return carry

    lax.fori_loop(0, NCH // 4, body, 0)
    pltpu.make_async_copy(g_hbm.at[ib0.at[1]], gv0, sg0).wait()
    pltpu.make_async_copy(ei_hbm.at[wid, 0], ib2, si2).wait()
    pltpu.make_async_copy(ei_hbm.at[wid, 0], ib3, si3).wait()
    plsc.subcore_barrier()
    pltpu.sync_copy(acc.at[pl.ds(sid * RPT, RPT)],
                    out_hbm.at[pl.ds(cid * NP + sid * RPT, RPT)])


_spmm_kernel = functools.partial(
    pl.kernel,
    out_type=jax.ShapeDtypeStruct((NC * NP, DOUT), jnp.float32),
    mesh=_mesh,
    scratch_types=[
        pltpu.VMEM((2, CH), jnp.int32),
        pltpu.VMEM((2, CH), jnp.int32),
        pltpu.VMEM((2, CH), jnp.int32),
        pltpu.VMEM((2, CH), jnp.int32),
        pltpu.VMEM((CH, DOUT), jnp.float32),
        pltpu.VMEM((CH, DOUT), jnp.float32),
        pltpu.VMEM_SHARED((NP, DOUT), jnp.float32),
        pltpu.SemaphoreType.DMA,
        pltpu.SemaphoreType.DMA,
        pltpu.SemaphoreType.DMA,
        pltpu.SemaphoreType.DMA,
        pltpu.SemaphoreType.DMA,
        pltpu.SemaphoreType.DMA,
    ],
)(_spmm_body)



_BR = 1000


def _dense_body(x_ref, w1_ref, b1_ref, w2_ref, b2_ref, h_ref):
    hm = jnp.dot(x_ref[...], w1_ref[...], preferred_element_type=jnp.float32)
    hm = jnp.maximum(hm + b1_ref[...], 0.0)
    h_ref[...] = (jnp.dot(hm, w2_ref[...], preferred_element_type=jnp.float32)
                  + b2_ref[...])


def _dense(x, w1, b1, w2, b2):
    return pl.pallas_call(
        _dense_body,
        grid=(N // _BR,),
        in_specs=[
            pl.BlockSpec((_BR, DIN), lambda i: (i, 0)),
            pl.BlockSpec((DIN, DH), lambda i: (0, 0)),
            pl.BlockSpec((1, DH), lambda i: (0, 0)),
            pl.BlockSpec((DH, DOUT), lambda i: (0, 0)),
            pl.BlockSpec((1, DOUT), lambda i: (0, 0)),
        ],
        out_specs=pl.BlockSpec((_BR, DOUT), lambda i: (i, 0)),
        out_shape=jax.ShapeDtypeStruct((N, DOUT), jnp.float32),
    )(x, w1, b1, w2, b2)



def _factors_body(d0_ref, d1_ref, h_ref, g1_ref, ad_ref, b8_ref, di_ref):
    dega = d0_ref[:, 0:1] + d1_ref[:, 0:1]
    deg = jnp.maximum(dega, EPS)
    dinv = deg ** -0.5
    msum = dega / deg
    alpha = 1.0 / (msum + C0)
    beta = C0 * alpha
    g1_ref[...] = dinv * h_ref[...]
    ad_ref[...] = jnp.broadcast_to(alpha * dinv, (_BR, 8))
    b8_ref[...] = jnp.broadcast_to(beta, (_BR, 8))
    di_ref[...] = jnp.broadcast_to(dinv, (_BR, 8))


def _factors(d0, d1, h):
    return pl.pallas_call(
        _factors_body,
        grid=(N // _BR,),
        in_specs=[
            pl.BlockSpec((_BR, DOUT), lambda i: (i, 0)),
            pl.BlockSpec((_BR, DOUT), lambda i: (i, 0)),
            pl.BlockSpec((_BR, DOUT), lambda i: (i, 0)),
        ],
        out_specs=[
            pl.BlockSpec((_BR, DOUT), lambda i: (i, 0)),
            pl.BlockSpec((_BR, 8), lambda i: (i, 0)),
            pl.BlockSpec((_BR, 8), lambda i: (i, 0)),
            pl.BlockSpec((_BR, 8), lambda i: (i, 0)),
        ],
        out_shape=[
            jax.ShapeDtypeStruct((N, DOUT), jnp.float32),
            jax.ShapeDtypeStruct((N, 8), jnp.float32),
            jax.ShapeDtypeStruct((N, 8), jnp.float32),
            jax.ShapeDtypeStruct((N, 8), jnp.float32),
        ],
    )(d0, d1, h)



def _mid_body(s0_ref, s1_ref, h_ref, ad_ref, b8_ref, di_ref, g2_ref):
    f = (ad_ref[:, 0:1] * (s0_ref[...] + s1_ref[...])
         + b8_ref[:, 0:1] * h_ref[...])
    g2_ref[...] = di_ref[:, 0:1] * f


def _mid(s0, s1, h, ad, b8, di):
    return pl.pallas_call(
        _mid_body,
        grid=(N // _BR,),
        in_specs=[
            pl.BlockSpec((_BR, DOUT), lambda i: (i, 0)),
            pl.BlockSpec((_BR, DOUT), lambda i: (i, 0)),
            pl.BlockSpec((_BR, DOUT), lambda i: (i, 0)),
            pl.BlockSpec((_BR, 8), lambda i: (i, 0)),
            pl.BlockSpec((_BR, 8), lambda i: (i, 0)),
            pl.BlockSpec((_BR, 8), lambda i: (i, 0)),
        ],
        out_specs=pl.BlockSpec((_BR, DOUT), lambda i: (i, 0)),
        out_shape=jax.ShapeDtypeStruct((N, DOUT), jnp.float32),
    )(s0, s1, h, ad, b8, di)



def _final_body(s0_ref, s1_ref, h_ref, ad_ref, b8_ref, o_ref):
    f = (ad_ref[:, 0:1] * (s0_ref[...] + s1_ref[...])
         + b8_ref[:, 0:1] * h_ref[...])
    m = jnp.max(f, axis=1, keepdims=True)
    sh = f - m
    o_ref[...] = sh - jnp.log(jnp.sum(jnp.exp(sh), axis=1, keepdims=True))


def _final(s0, s1, h, ad, b8):
    return pl.pallas_call(
        _final_body,
        grid=(N // _BR,),
        in_specs=[
            pl.BlockSpec((_BR, DOUT), lambda i: (i, 0)),
            pl.BlockSpec((_BR, DOUT), lambda i: (i, 0)),
            pl.BlockSpec((_BR, DOUT), lambda i: (i, 0)),
            pl.BlockSpec((_BR, 8), lambda i: (i, 0)),
            pl.BlockSpec((_BR, 8), lambda i: (i, 0)),
        ],
        out_specs=pl.BlockSpec((_BR, DOUT), lambda i: (i, 0)),
        out_shape=jax.ShapeDtypeStruct((N, DOUT), jnp.float32),
    )(s0, s1, h, ad, b8)



@jax.jit
def kernel(x, edge_index, W_lin1, b_lin1, W_conv, b_conv):
    pad = EP - E
    padr = N + jnp.arange(pad, dtype=jnp.int32) % (NP - N)
    padc = jnp.arange(pad, dtype=jnp.int32) % N
    row = jnp.concatenate([edge_index[0].astype(jnp.int32), padr])
    col = jnp.concatenate([edge_index[1].astype(jnp.int32), padc])
    ei2 = jnp.stack(
        [row.reshape(NW, NCH, CH), col.reshape(NW, NCH, CH)], axis=2)
    ones1 = jnp.ones((CH, DOUT), jnp.float32)
    zeroD = jnp.zeros((RPT, DOUT), jnp.float32)

    h = _dense(x, W_lin1, b_lin1.reshape(1, DH), W_conv, b_conv.reshape(1, DOUT))
    degp = _deg_kernel(ei2, ones1, zeroD)
    g1, ad, b8, di = _factors(degp[:N], degp[NP:NP + N], h)
    sp = _spmm_kernel(g1, ei2, zeroD)
    g2 = _mid(sp[:N], sp[NP:NP + N], h, ad, b8, di)
    sp2 = _spmm_kernel(g2, ei2, zeroD)
    return _final(sp2[:N], sp2[NP:NP + N], h, ad, b8)

# --- scband reference (transcript-rebuilt; emitter-appended) ---
"""Pipeline reference for scband-p-gnnnet-1-64441689309210 (READ-ONLY COPY).

The authoritative reference and input builder live on the scoring server;
editing this copy changes nothing except your own understanding.
"""

import jax, jax.numpy as jnp
import numpy as np

N_NODES = 10000
D_IN = 128
D_HID = 16
D_OUT = 128
N_EDGES = 320000
MU = 0.1
P_VAL = 2.0
K_ITERS = 2
EPS = 1e-8


def setup_inputs(seed: int = 0) -> dict:
    key = jax.random.key(seed)
    ks = jax.random.split(key, 6)
    x = jax.random.normal(ks[0], (N_NODES, D_IN), dtype=jnp.float32)
    edge_index = jax.random.randint(ks[1], (2, N_EDGES), 0, N_NODES)
    W_lin1 = jax.random.normal(ks[2], (D_IN, D_HID), dtype=jnp.float32) / np.sqrt(D_IN)
    b_lin1 = jnp.zeros((D_HID,), jnp.float32)
    W_conv = jax.random.normal(ks[3], (D_HID, D_OUT), dtype=jnp.float32) / np.sqrt(D_HID)
    b_conv = jnp.zeros((D_OUT,), jnp.float32)
    return {"x": x, "edge_index": edge_index, "W_lin1": W_lin1, "b_lin1": b_lin1, "W_conv": W_conv, "b_conv": b_conv}


def _pgnn_propagate(h, edge_index):
    # p-Laplacian message passing (Fu et al., ICML'22). F^(0) = H = lin(x),
    # then K iterations of the fixed-point update.
    n = h.shape[0]
    row = edge_index[0]
    col = edge_index[1]
    ew = jnp.ones((edge_index.shape[1],), jnp.float32)
    deg = jax.ops.segment_sum(ew, row, num_segments=n)
    deg = jnp.maximum(deg, EPS)
    dinv = deg ** -0.5
    c = 2.0 * MU / P_VAL
    f = h
    for _ in range(K_ITERS):
        # graph gradient on each edge
        diff = dinv[col][:, None] * f[col] - dinv[row][:, None] * f[row]
        grad = jnp.sqrt(ew)[:, None] * diff
        gnorm = jnp.sqrt(jnp.sum(grad * grad, axis=1) + EPS)
        M = ew * gnorm ** (P_VAL - 2.0)
        msum = jax.ops.segment_sum(M, row, num_segments=n) / deg
        alpha = 1.0 / (msum + c)
        beta = c * alpha
        coef = M * dinv[row] * dinv[col]
        agg = jax.ops.segment_sum(coef[:, None] * f[col], row, num_segments=n)
        f = alpha[:, None] * agg + beta[:, None] * h
    return f


def reference(x, edge_index, W_lin1, b_lin1, W_conv, b_conv):
    h = jax.nn.relu(x @ W_lin1 + b_lin1)
    # dropout is identity in eval mode
    h = h @ W_conv + b_conv  # conv's internal linear (num_hid -> out_channels)
    f = _pgnn_propagate(h, edge_index)
    return jax.nn.log_softmax(f, axis=1)

if __name__ == "__main__":
    import jax
    _d = setup_inputs()
    print(jax.jit(kernel)(*tuple(_d.values())))

</pallas_src>

<mosaic_0001>
#map = affine_map<(d0, d1) -> (0, 0)>
#map1 = affine_map<(d0, d1) -> (0, 0, 0, 0)>
module attributes {stable_mosaic.version = 14 : i64} {
  func.func @_spmm_body(%arg0: i32, %arg1: i32, %arg2: memref<10000x128xf32, #tpu.memory_space<hbm>>, %arg3: memref<32x80x2x128xi32, #tpu.memory_space<hbm>>, %arg4: memref<640x128xf32, #tpu.memory_space<hbm>>, %arg5: memref<20480x128xf32, #tpu.memory_space<hbm>>, %arg6: memref<2x128xi32, #tpu.memory_space<vmem>>, %arg7: memref<2x128xi32, #tpu.memory_space<vmem>>, %arg8: memref<2x128xi32, #tpu.memory_space<vmem>>, %arg9: memref<2x128xi32, #tpu.memory_space<vmem>>, %arg10: memref<128x128xf32, #tpu.memory_space<vmem>>, %arg11: memref<128x128xf32, #tpu.memory_space<vmem>>, %arg12: memref<10240x128xf32, #tpu.memory_space<vmem_shared>>, %arg13: memref<!tpu.dma_semaphore, #tpu.memory_space<semaphore_mem>>, %arg14: memref<!tpu.dma_semaphore, #tpu.memory_space<semaphore_mem>>, %arg15: memref<!tpu.dma_semaphore, #tpu.memory_space<semaphore_mem>>, %arg16: memref<!tpu.dma_semaphore, #tpu.memory_space<semaphore_mem>>, %arg17: memref<!tpu.dma_semaphore, #tpu.memory_space<semaphore_mem>>, %arg18: memref<!tpu.dma_semaphore, #tpu.memory_space<semaphore_mem>>) attributes {dimension_semantics = [#tpu.dimension_semantics<core_parallel>, #tpu.dimension_semantics<subcore_parallel>], iteration_bounds = array<i64: 2, 16>, scalar_prefetch = 0 : i64, scratch_operands = 13 : i64, tpu.core_type = #tpu.core_type<sc_vector_subcore>, window_params = [{transform_indices = #map}, {transform_indices = #map1}, {transform_indices = #map}, {transform_indices = #map}]} {
    %mul3A = arith.constant 2 : i32
    %mul3A_0 = arith.muli %arg1, %mul3A : i32
    %add3A = arith.addi %mul3A_0, %arg0 : i32
    %mul3A_1 = arith.constant 640 : i32
    %mul3A_2 = arith.muli %arg1, %mul3A_1 : i32
    "tpu.region"() ({
      %run_scoped3A = tpu.sem_alloc : memref<!tpu.dma_semaphore, #tpu.memory_space<semaphore_mem>>
      %dma_start3A_100 = arith.constant 0 : i32
      %dma_start3A_101 = tpu.memref_slice %arg12[%mul3A_2, %dma_start3A_100] : memref<10240x128xf32, #tpu.memory_space<vmem_shared>> -> memref<640x128xf32, #tpu.memory_space<vmem_shared>>
      tpu.enqueue_dma source(%arg4 : memref<640x128xf32, #tpu.memory_space<hbm>>) target(%dma_start3A_101 : memref<640x128xf32, #tpu.memory_space<vmem_shared>>) target_semaphore(%run_scoped3A : memref<!tpu.dma_semaphore, #tpu.memory_space<semaphore_mem>>)
      %dma_wait3A_102 = arith.constant 0 : i32
      %dma_wait3A_103 = tpu.memref_slice %arg12[%mul3A_2, %dma_wait3A_102] : memref<10240x128xf32, #tpu.memory_space<vmem_shared>> -> memref<640x128xf32, #tpu.memory_space<vmem_shared>>
      tpu.wait_dma2 semaphore(%run_scoped3A : memref<!tpu.dma_semaphore, #tpu.memory_space<semaphore_mem>>) src(%arg4 : memref<640x128xf32, #tpu.memory_space<hbm>>) dst(%dma_wait3A_103 : memref<640x128xf32, #tpu.memory_space<vmem_shared>>)
      tpu.yield
    }) : () -> ()
    %dma_start3A = arith.constant 0 : i32
    %dma_start3A_3 = arith.constant 0 : i32
    %dma_start3A_4 = arith.constant 0 : i32
    %dma_start3A_5 = tpu.memref_slice %arg3[%add3A, %dma_start3A, %dma_start3A_3, %dma_start3A_4] : memref<32x80x2x128xi32, #tpu.memory_space<hbm>> -> memref<1x1x2x128xi32, #tpu.memory_space<hbm>>
    %dma_start3A_6 = tpu.memref_squeeze %dma_start3A_5 : memref<1x1x2x128xi32, #tpu.memory_space<hbm>> -> memref<2x128xi32, #tpu.memory_space<hbm>>
    %dma_start3A_7 = arith.constant 0 : i32
    %dma_start3A_8 = arith.constant 0 : i32
    %dma_start3A_9 = tpu.memref_slice %arg3[%add3A, %dma_start3A, %dma_start3A_7, %dma_start3A_8] : memref<32x80x2x128xi32, #tpu.memory_space<hbm>> -> memref<1x1x2x128xi32, #tpu.memory_space<hbm>>
    %dma_start3A_10 = tpu.memref_squeeze %dma_start3A_9 : memref<1x1x2x128xi32, #tpu.memory_space<hbm>> -> memref<2x128xi32, #tpu.memory_space<hbm>>
    tpu.enqueue_dma source(%dma_start3A_10 : memref<2x128xi32, #tpu.memory_space<hbm>>) target(%arg6 : memref<2x128xi32, #tpu.memory_space<vmem>>) target_semaphore(%arg13 : memref<!tpu.dma_semaphore, #tpu.memory_space<semaphore_mem>>)
    %dma_start3A_11 = arith.constant 1 : i32
    %dma_start3A_12 = arith.constant 0 : i32
    %dma_start3A_13 = arith.constant 0 : i32
    %dma_start3A_14 = tpu.memref_slice %arg3[%add3A, %dma_start3A_11, %dma_start3A_12, %dma_start3A_13] : memref<32x80x2x128xi32, #tpu.memory_space<hbm>> -> memref<1x1x2x128xi32, #tpu.memory_space<hbm>>
    %dma_start3A_15 = tpu.memref_squeeze %dma_start3A_14 : memref<1x1x2x128xi32, #tpu.memory_space<hbm>> -> memref<2x128xi32, #tpu.memory_space<hbm>>
    %dma_start3A_16 = arith.constant 0 : i32
    %dma_start3A_17 = arith.constant 0 : i32
    %dma_start3A_18 = tpu.memref_slice %arg3[%add3A, %dma_start3A_11, %dma_start3A_16, %dma_start3A_17] : memref<32x80x2x128xi32, #tpu.memory_space<hbm>> -> memref<1x1x2x128xi32, #tpu.memory_space<hbm>>
    %dma_start3A_19 = tpu.memref_squeeze %dma_start3A_18 : memref<1x1x2x128xi32, #tpu.memory_space<hbm>> -> memref<2x128xi32, #tpu.memory_space<hbm>>
    tpu.enqueue_dma source(%dma_start3A_19 : memref<2x128xi32, #tpu.memory_space<hbm>>) target(%arg7 : memref<2x128xi32, #tpu.memory_space<vmem>>) target_semaphore(%arg14 : memref<!tpu.dma_semaphore, #tpu.memory_space<semaphore_mem>>)
    %dma_start3A_20 = arith.constant 2 : i32
    %dma_start3A_21 = arith.constant 0 : i32
    %dma_start3A_22 = arith.constant 0 : i32
    %dma_start3A_23 = tpu.memref_slice %arg3[%add3A, %dma_start3A_20, %dma_start3A_21, %dma_start3A_22] : memref<32x80x2x128xi32, #tpu.memory_space<hbm>> -> memref<1x1x2x128xi32, #tpu.memory_space<hbm>>
    %dma_start3A_24 = tpu.memref_squeeze %dma_start3A_23 : memref<1x1x2x128xi32, #tpu.memory_space<hbm>> -> memref<2x128xi32, #tpu.memory_space<hbm>>
    %dma_start3A_25 = arith.constant 0 : i32
    %dma_start3A_26 = arith.constant 0 : i32
    %dma_start3A_27 = tpu.memref_slice %arg3[%add3A, %dma_start3A_20, %dma_start3A_25, %dma_start3A_26] : memref<32x80x2x128xi32, #tpu.memory_space<hbm>> -> memref<1x1x2x128xi32, #tpu.memory_space<hbm>>
    %dma_start3A_28 = tpu.memref_squeeze %dma_start3A_27 : memref<1x1x2x128xi32, #tpu.memory_space<hbm>> -> memref<2x128xi32, #tpu.memory_space<hbm>>
    tpu.enqueue_dma source(%dma_start3A_28 : memref<2x128xi32, #tpu.memory_space<hbm>>) target(%arg8 : memref<2x128xi32, #tpu.memory_space<vmem>>) target_semaphore(%arg15 : memref<!tpu.dma_semaphore, #tpu.memory_space<semaphore_mem>>)
    %dma_start3A_29 = arith.constant 3 : i32
    %dma_start3A_30 = arith.constant 0 : i32
    %dma_start3A_31 = arith.constant 0 : i32
    %dma_start3A_32 = tpu.memref_slice %arg3[%add3A, %dma_start3A_29, %dma_start3A_30, %dma_start3A_31] : memref<32x80x2x128xi32, #tpu.memory_space<hbm>> -> memref<1x1x2x128xi32, #tpu.memory_space<hbm>>
    %dma_start3A_33 = tpu.memref_squeeze %dma_start3A_32 : memref<1x1x2x128xi32, #tpu.memory_space<hbm>> -> memref<2x128xi32, #tpu.memory_space<hbm>>
    %dma_start3A_34 = arith.constant 0 : i32
    %dma_start3A_35 = arith.constant 0 : i32
    %dma_start3A_36 = tpu.memref_slice %arg3[%add3A, %dma_start3A_29, %dma_start3A_34, %dma_start3A_35] : memref<32x80x2x128xi32, #tpu.memory_space<hbm>> -> memref<1x1x2x128xi32, #tpu.memory_space<hbm>>
    %dma_start3A_37 = tpu.memref_squeeze %dma_start3A_36 : memref<1x1x2x128xi32, #tpu.memory_space<hbm>> -> memref<2x128xi32, #tpu.memory_space<hbm>>
    tpu.enqueue_dma source(%dma_start3A_37 : memref<2x128xi32, #tpu.memory_space<hbm>>) target(%arg9 : memref<2x128xi32, #tpu.memory_space<vmem>>) target_semaphore(%arg16 : memref<!tpu.dma_semaphore, #tpu.memory_space<semaphore_mem>>)
    %barrier3A = arith.constant 0 : index
    tpu.barrier barrier_id(%barrier3A)
    %dma_wait3A = arith.constant 0 : i32
    %dma_wait3A_38 = arith.constant 0 : i32
    %dma_wait3A_39 = arith.constant 0 : i32
    %dma_wait3A_40 = tpu.memref_slice %arg3[%add3A, %dma_wait3A, %dma_wait3A_38, %dma_wait3A_39] : memref<32x80x2x128xi32, #tpu.memory_space<hbm>> -> memref<1x1x2x128xi32, #tpu.memory_space<hbm>>
    %dma_wait3A_41 = tpu.memref_squeeze %dma_wait3A_40 : memref<1x1x2x128xi32, #tpu.memory_space<hbm>> -> memref<2x128xi32, #tpu.memory_space<hbm>>
    %dma_wait3A_42 = arith.constant 0 : i32
    %dma_wait3A_43 = arith.constant 0 : i32
    %dma_wait3A_44 = tpu.memref_slice %arg3[%add3A, %dma_wait3A, %dma_wait3A_42, %dma_wait3A_43] : memref<32x80x2x128xi32, #tpu.memory_space<hbm>> -> memref<1x1x2x128xi32, #tpu.memory_space<hbm>>
    %dma_wait3A_45 = tpu.memref_squeeze %dma_wait3A_44 : memref<1x1x2x128xi32, #tpu.memory_space<hbm>> -> memref<2x128xi32, #tpu.memory_space<hbm>>
    tpu.wait_dma2 semaphore(%arg13 : memref<!tpu.dma_semaphore, #tpu.memory_space<semaphore_mem>>) src(%dma_wait3A_45 : memref<2x128xi32, #tpu.memory_space<hbm>>) dst(%arg6 : memref<2x128xi32, #tpu.memory_space<vmem>>)
    %dma_start3A_46 = arith.constant 1 : i32
    %dma_start3A_47 = arith.constant 0 : i32
    %dma_start3A_48 = tpu.memref_slice %arg6[%dma_start3A_46, %dma_start3A_47] : memref<2x128xi32, #tpu.memory_space<vmem>> -> memref<1x128xi32, #tpu.memory_space<vmem>>
    %dma_start3A_49 = tpu.memref_squeeze %dma_start3A_48 : memref<1x128xi32, #tpu.memory_space<vmem>> -> memref<128xi32, #tpu.memory_space<vmem>>
    %dma_start3A_50 = arith.constant 0 : i32
    %dma_start3A_51 = arith.constant 0 : i32
    %dma_start3A_52 = tpu.memref_slice %arg2[%dma_start3A_50, %dma_start3A_51] : memref<10000x128xf32, #tpu.memory_space<hbm>> -> memref<10000x128xf32, #tpu.memory_space<hbm>>
    tpu.enqueue_indirect_dma source(%dma_start3A_52 : memref<10000x128xf32, #tpu.memory_space<hbm>>) target(%arg10 : memref<128x128xf32, #tpu.memory_space<vmem>>) offsets(%dma_start3A_49 : memref<128xi32, #tpu.memory_space<vmem>>) semaphore(%arg17 : memref<!tpu.dma_semaphore, #tpu.memory_space<semaphore_mem>>)
    %dma_wait3A_53 = arith.constant 1 : i32
    %dma_wait3A_54 = arith.constant 0 : i32
    %dma_wait3A_55 = arith.constant 0 : i32
    %dma_wait3A_56 = tpu.memref_slice %arg3[%add3A, %dma_wait3A_53, %dma_wait3A_54, %dma_wait3A_55] : memref<32x80x2x128xi32, #tpu.memory_space<hbm>> -> memref<1x1x2x128xi32, #tpu.memory_space<hbm>>
    %dma_wait3A_57 = tpu.memref_squeeze %dma_wait3A_56 : memref<1x1x2x128xi32, #tpu.memory_space<hbm>> -> memref<2x128xi32, #tpu.memory_space<hbm>>
    %dma_wait3A_58 = arith.constant 0 : i32
    %dma_wait3A_59 = arith.constant 0 : i32
    %dma_wait3A_60 = tpu.memref_slice %arg3[%add3A, %dma_wait3A_53, %dma_wait3A_58, %dma_wait3A_59] : memref<32x80x2x128xi32, #tpu.memory_space<hbm>> -> memref<1x1x2x128xi32, #tpu.memory_space<hbm>>
    %dma_wait3A_61 = tpu.memref_squeeze %dma_wait3A_60 : memref<1x1x2x128xi32, #tpu.memory_space<hbm>> -> memref<2x128xi32, #tpu.memory_space<hbm>>
    tpu.wait_dma2 semaphore(%arg14 : memref<!tpu.dma_semaphore, #tpu.memory_space<semaphore_mem>>) src(%dma_wait3A_61 : memref<2x128xi32, #tpu.memory_space<hbm>>) dst(%arg7 : memref<2x128xi32, #tpu.memory_space<vmem>>)
    %scan3A = arith.constant 0 : i32
    %scan3A_62 = arith.constant 0 : i32
    %scan3A_63 = arith.constant 20 : i32
    %scan3A_64 = arith.addi %scan3A_62, %scan3A_63 : i32
    %scan3A_65 = arith.constant 1 : i32
    scf.for %scan3A_100 = %scan3A_62 to %scan3A_64 step %scan3A_65  : i32 {
      %mul3A_101 = arith.constant 4 : i32
      %mul3A_102 = arith.muli %mul3A_101, %scan3A_100 : i32
      %dma_start3A_103 = arith.constant 1 : i32
      %dma_start3A_104 = arith.constant 0 : i32
      %dma_start3A_105 = tpu.memref_slice %arg7[%dma_start3A_103, %dma_start3A_104] : memref<2x128xi32, #tpu.memory_space<vmem>> -> memref<1x128xi32, #tpu.memory_space<vmem>>
      %dma_start3A_106 = tpu.memref_squeeze %dma_start3A_105 : memref<1x128xi32, #tpu.memory_space<vmem>> -> memref<128xi32, #tpu.memory_space<vmem>>
      %dma_start3A_107 = arith.constant 0 : i32
      %dma_start3A_108 = arith.constant 0 : i32
      %dma_start3A_109 = tpu.memref_slice %arg2[%dma_start3A_107, %dma_start3A_108] : memref<10000x128xf32, #tpu.memory_space<hbm>> -> memref<10000x128xf32, #tpu.memory_space<hbm>>
      tpu.enqueue_indirect_dma source(%dma_start3A_109 : memref<10000x128xf32, #tpu.memory_space<hbm>>) target(%arg11 : memref<128x128xf32, #tpu.memory_space<vmem>>) offsets(%dma_start3A_106 : memref<128xi32, #tpu.memory_space<vmem>>) semaphore(%arg18 : memref<!tpu.dma_semaphore, #tpu.memory_space<semaphore_mem>>)
      %dma_wait3A_110 = arith.constant 1 : i32
      %dma_wait3A_111 = arith.constant 0 : i32
      %dma_wait3A_112 = tpu.memref_slice %arg6[%dma_wait3A_110, %dma_wait3A_111] : memref<2x128xi32, #tpu.memory_space<vmem>> -> memref<1x128xi32, #tpu.memory_space<vmem>>
      %dma_wait3A_113 = tpu.memref_squeeze %dma_wait3A_112 : memref<1x128xi32, #tpu.memory_space<vmem>> -> memref<128xi32, #tpu.memory_space<vmem>>
      %dma_wait3A_114 = arith.constant 0 : i32
      %dma_wait3A_115 = arith.constant 0 : i32
      %dma_wait3A_116 = tpu.memref_slice %arg2[%dma_wait3A_114, %dma_wait3A_115] : memref<10000x128xf32, #tpu.memory_space<hbm>> -> memref<10000x128xf32, #tpu.memory_space<hbm>>
      tpu.wait_indirect_dma semaphore(%arg17 : memref<!tpu.dma_semaphore, #tpu.memory_space<semaphore_mem>>) src(%dma_wait3A_116 : memref<10000x128xf32, #tpu.memory_space<hbm>>) dst(%arg10 : memref<128x128xf32, #tpu.memory_space<vmem>>)
      %run_scoped3A = arith.constant 0 : i32
      "tpu.region"() ({
        %run_scoped3A_245 = tpu.sem_alloc : memref<!tpu.dma_semaphore, #tpu.memory_space<semaphore_mem>>
        %dma_start3A_246 = arith.constant 0 : i32
        %dma_start3A_247 = tpu.memref_slice %arg6[%run_scoped3A, %dma_start3A_246] : memref<2x128xi32, #tpu.memory_space<vmem>> -> memref<1x128xi32, #tpu.memory_space<vmem>>
        %dma_start3A_248 = tpu.memref_squeeze %dma_start3A_247 : memref<1x128xi32, #tpu.memory_space<vmem>> -> memref<128xi32, #tpu.memory_space<vmem>>
        %dma_start3A_249 = arith.constant 0 : i32
        %dma_start3A_250 = arith.constant 0 : i32
        %dma_start3A_251 = tpu.memref_slice %arg12[%dma_start3A_249, %dma_start3A_250] : memref<10240x128xf32, #tpu.memory_space<vmem_shared>> -> memref<10240x128xf32, #tpu.memory_space<vmem_shared>>
        tpu.enqueue_indirect_dma source(%arg10 : memref<128x128xf32, #tpu.memory_space<vmem>>) target(%dma_start3A_251 : memref<10240x128xf32, #tpu.memory_space<vmem_shared>>) offsets(%dma_start3A_248 : memref<128xi32, #tpu.memory_space<vmem>>) semaphore(%run_scoped3A_245 : memref<!tpu.dma_semaphore, #tpu.memory_space<semaphore_mem>>) {add = true}
        %dma_wait3A_252 = arith.constant 0 : i32
        %dma_wait3A_253 = tpu.memref_slice %arg6[%run_scoped3A, %dma_wait3A_252] : memref<2x128xi32, #tpu.memory_space<vmem>> -> memref<1x128xi32, #tpu.memory_space<vmem>>
        %dma_wait3A_254 = tpu.memref_squeeze %dma_wait3A_253 : memref<1x128xi32, #tpu.memory_space<vmem>> -> memref<128xi32, #tpu.memory_space<vmem>>
        %dma_wait3A_255 = arith.constant 0 : i32
        %dma_wait3A_256 = arith.constant 0 : i32
        %dma_wait3A_257 = tpu.memref_slice %arg12[%dma_wait3A_255, %dma_wait3A_256] : memref<10240x128xf32, #tpu.memory_space<vmem_shared>> -> memref<10240x128xf32, #tpu.memory_space<vmem_shared>>
        tpu.wait_indirect_dma semaphore(%run_scoped3A_245 : memref<!tpu.dma_semaphore, #tpu.memory_space<semaphore_mem>>) src(%arg10 : memref<128x128xf32, #tpu.memory_space<vmem>>) dst(%dma_wait3A_257 : memref<10240x128xf32, #tpu.memory_space<vmem_shared>>)
        tpu.yield
      }) : () -> ()
      %add3A_117 = arith.constant 4 : i32
      %add3A_118 = arith.addi %mul3A_102, %add3A_117 : i32
      %min3A = arith.constant 79 : i32
      %min3A_119 = arith.minsi %add3A_118, %min3A : i32
      %dma_start3A_120 = arith.constant 0 : i32
      %dma_start3A_121 = arith.constant 0 : i32
      %dma_start3A_122 = tpu.memref_slice %arg3[%add3A, %min3A_119, %dma_start3A_120, %dma_start3A_121] : memref<32x80x2x128xi32, #tpu.memory_space<hbm>> -> memref<1x1x2x128xi32, #tpu.memory_space<hbm>>
      %dma_start3A_123 = tpu.memref_squeeze %dma_start3A_122 : memref<1x1x2x128xi32, #tpu.memory_space<hbm>> -> memref<2x128xi32, #tpu.memory_space<hbm>>
      %dma_start3A_124 = arith.constant 0 : i32
      %dma_start3A_125 = arith.constant 0 : i32
      %dma_start3A_126 = tpu.memref_slice %arg3[%add3A, %min3A_119, %dma_start3A_124, %dma_start3A_125] : memref<32x80x2x128xi32, #tpu.memory_space<hbm>> -> memref<1x1x2x128xi32, #tpu.memory_space<hbm>>
      %dma_start3A_127 = tpu.memref_squeeze %dma_start3A_126 : memref<1x1x2x128xi32, #tpu.memory_space<hbm>> -> memref<2x128xi32, #tpu.memory_space<hbm>>
      tpu.enqueue_dma source(%dma_start3A_127 : memref<2x128xi32, #tpu.memory_space<hbm>>) target(%arg6 : memref<2x128xi32, #tpu.memory_space<vmem>>) target_semaphore(%arg13 : memref<!tpu.dma_semaphore, #tpu.memory_space<semaphore_mem>>)
      %dma_wait3A_128 = arith.constant 0 : i32
      %dma_wait3A_129 = arith.constant 0 : i32
      %dma_wait3A_130 = arith.constant 0 : i32
      %dma_wait3A_131 = tpu.memref_slice %arg3[%add3A, %dma_wait3A_128, %dma_wait3A_129, %dma_wait3A_130] : memref<32x80x2x128xi32, #tpu.memory_space<hbm>> -> memref<1x1x2x128xi32, #tpu.memory_space<hbm>>
      %dma_wait3A_132 = tpu.memref_squeeze %dma_wait3A_131 : memref<1x1x2x128xi32, #tpu.memory_space<hbm>> -> memref<2x128xi32, #tpu.memory_space<hbm>>
      %dma_wait3A_133 = arith.constant 0 : i32
      %dma_wait3A_134 = arith.constant 0 : i32
      %dma_wait3A_135 = tpu.memref_slice %arg3[%add3A, %dma_wait3A_128, %dma_wait3A_133, %dma_wait3A_134] : memref<32x80x2x128xi32, #tpu.memory_space<hbm>> -> memref<1x1x2x128xi32, #tpu.memory_space<hbm>>
      %dma_wait3A_136 = tpu.memref_squeeze %dma_wait3A_135 : memref<1x1x2x128xi32, #tpu.memory_space<hbm>> -> memref<2x128xi32, #tpu.memory_space<hbm>>
      tpu.wait_dma2 semaphore(%arg15 : memref<!tpu.dma_semaphore, #tpu.memory_space<semaphore_mem>>) src(%dma_wait3A_136 : memref<2x128xi32, #tpu.memory_space<hbm>>) dst(%arg8 : memref<2x128xi32, #tpu.memory_space<vmem>>)
      %dma_start3A_137 = arith.constant 1 : i32
      %dma_start3A_138 = arith.constant 0 : i32
      %dma_start3A_139 = tpu.memref_slice %arg8[%dma_start3A_137, %dma_start3A_138] : memref<2x128xi32, #tpu.memory_space<vmem>> -> memref<1x128xi32, #tpu.memory_space<vmem>>
      %dma_start3A_140 = tpu.memref_squeeze %dma_start3A_139 : memref<1x128xi32, #tpu.memory_space<vmem>> -> memref<128xi32, #tpu.memory_space<vmem>>
      %dma_start3A_141 = arith.constant 0 : i32
      %dma_start3A_142 = arith.constant 0 : i32
      %dma_start3A_143 = tpu.memref_slice %arg2[%dma_start3A_141, %dma_start3A_142] : memref<10000x128xf32, #tpu.memory_space<hbm>> -> memref<10000x128xf32, #tpu.memory_space<hbm>>
      tpu.enqueue_indirect_dma source(%dma_start3A_143 : memref<10000x128xf32, #tpu.memory_space<hbm>>) target(%arg10 : memref<128x128xf32, #tpu.memory_space<vmem>>) offsets(%dma_start3A_140 : memref<128xi32, #tpu.memory_space<vmem>>) semaphore(%arg17 : memref<!tpu.dma_semaphore, #tpu.memory_space<semaphore_mem>>)
      %dma_wait3A_144 = arith.constant 1 : i32
      %dma_wait3A_145 = arith.constant 0 : i32
      %dma_wait3A_146 = tpu.memref_slice %arg7[%dma_wait3A_144, %dma_wait3A_145] : memref<2x128xi32, #tpu.memory_space<vmem>> -> memref<1x128xi32, #tpu.memory_space<vmem>>
      %dma_wait3A_147 = tpu.memref_squeeze %dma_wait3A_146 : memref<1x128xi32, #tpu.memory_space<vmem>> -> memref<128xi32, #tpu.memory_space<vmem>>
      %dma_wait3A_148 = arith.constant 0 : i32
      %dma_wait3A_149 = arith.constant 0 : i32
      %dma_wait3A_150 = tpu.memref_slice %arg2[%dma_wait3A_148, %dma_wait3A_149] : memref<10000x128xf32, #tpu.memory_space<hbm>> -> memref<10000x128xf32, #tpu.memory_space<hbm>>
      tpu.wait_indirect_dma semaphore(%arg18 : memref<!tpu.dma_semaphore, #tpu.memory_space<semaphore_mem>>) src(%dma_wait3A_150 : memref<10000x128xf32, #tpu.memory_space<hbm>>) dst(%arg11 : memref<128x128xf32, #tpu.memory_space<vmem>>)
      %run_scoped3A_151 = arith.constant 0 : i32
      "tpu.region"() ({
        %run_scoped3A_245 = tpu.sem_alloc : memref<!tpu.dma_semaphore, #tpu.memory_space<semaphore_mem>>
        %dma_start3A_246 = arith.constant 0 : i32
        %dma_start3A_247 = tpu.memref_slice %arg7[%run_scoped3A_151, %dma_start3A_246] : memref<2x128xi32, #tpu.memory_space<vmem>> -> memref<1x128xi32, #tpu.memory_space<vmem>>
        %dma_start3A_248 = tpu.memref_squeeze %dma_start3A_247 : memref<1x128xi32, #tpu.memory_space<vmem>> -> memref<128xi32, #tpu.memory_space<vmem>>
        %dma_start3A_249 = arith.constant 0 : i32
        %dma_start3A_250 = arith.constant 0 : i32
        %dma_start3A_251 = tpu.memref_slice %arg12[%dma_start3A_249, %dma_start3A_250] : memref<10240x128xf32, #tpu.memory_space<vmem_shared>> -> memref<10240x128xf32, #tpu.memory_space<vmem_shared>>
        tpu.enqueue_indirect_dma source(%arg11 : memref<128x128xf32, #tpu.memory_space<vmem>>) target(%dma_start3A_251 : memref<10240x128xf32, #tpu.memory_space<vmem_shared>>) offsets(%dma_start3A_248 : memref<128xi32, #tpu.memory_space<vmem>>) semaphore(%run_scoped3A_245 : memref<!tpu.dma_semaphore, #tpu.memory_space<semaphore_mem>>) {add = true}
        %dma_wait3A_252 = arith.constant 0 : i32
        %dma_wait3A_253 = tpu.memref_slice %arg7[%run_scoped3A_151, %dma_wait3A_252] : memref<2x128xi32, #tpu.memory_space<vmem>> -> memref<1x128xi32, #tpu.memory_space<vmem>>
        %dma_wait3A_254 = tpu.memref_squeeze %dma_wait3A_253 : memref<1x128xi32, #tpu.memory_space<vmem>> -> memref<128xi32, #tpu.memory_space<vmem>>
        %dma_wait3A_255 = arith.constant 0 : i32
        %dma_wait3A_256 = arith.constant 0 : i32
        %dma_wait3A_257 = tpu.memref_slice %arg12[%dma_wait3A_255, %dma_wait3A_256] : memref<10240x128xf32, #tpu.memory_space<vmem_shared>> -> memref<10240x128xf32, #tpu.memory_space<vmem_shared>>
        tpu.wait_indirect_dma semaphore(%run_scoped3A_245 : memref<!tpu.dma_semaphore, #tpu.memory_space<semaphore_mem>>) src(%arg11 : memref<128x128xf32, #tpu.memory_space<vmem>>) dst(%dma_wait3A_257 : memref<10240x128xf32, #tpu.memory_space<vmem_shared>>)
        tpu.yield
      }) : () -> ()
      %add3A_152 = arith.constant 5 : i32
      %add3A_153 = arith.addi %mul3A_102, %add3A_152 : i32
      %min3A_154 = arith.constant 79 : i32
      %min3A_155 = arith.minsi %add3A_153, %min3A_154 : i32
      %dma_start3A_156 = arith.constant 0 : i32
      %dma_start3A_157 = arith.constant 0 : i32
      %dma_start3A_158 = tpu.memref_slice %arg3[%add3A, %min3A_155, %dma_start3A_156, %dma_start3A_157] : memref<32x80x2x128xi32, #tpu.memory_space<hbm>> -> memref<1x1x2x128xi32, #tpu.memory_space<hbm>>
      %dma_start3A_159 = tpu.memref_squeeze %dma_start3A_158 : memref<1x1x2x128xi32, #tpu.memory_space<hbm>> -> memref<2x128xi32, #tpu.memory_space<hbm>>
      %dma_start3A_160 = arith.constant 0 : i32
      %dma_start3A_161 = arith.constant 0 : i32
      %dma_start3A_162 = tpu.memref_slice %arg3[%add3A, %min3A_155, %dma_start3A_160, %dma_start3A_161] : memref<32x80x2x128xi32, #tpu.memory_space<hbm>> -> memref<1x1x2x128xi32, #tpu.memory_space<hbm>>
      %dma_start3A_163 = tpu.memref_squeeze %dma_start3A_162 : memref<1x1x2x128xi32, #tpu.memory_space<hbm>> -> memref<2x128xi32, #tpu.memory_space<hbm>>
      tpu.enqueue_dma source(%dma_start3A_163 : memref<2x128xi32, #tpu.memory_space<hbm>>) target(%arg7 : memref<2x128xi32, #tpu.memory_space<vmem>>) target_semaphore(%arg14 : memref<!tpu.dma_semaphore, #tpu.memory_space<semaphore_mem>>)
      %dma_wait3A_164 = arith.constant 0 : i32
      %dma_wait3A_165 = arith.constant 0 : i32
      %dma_wait3A_166 = arith.constant 0 : i32
      %dma_wait3A_167 = tpu.memref_slice %arg3[%add3A, %dma_wait3A_164, %dma_wait3A_165, %dma_wait3A_166] : memref<32x80x2x128xi32, #tpu.memory_space<hbm>> -> memref<1x1x2x128xi32, #tpu.memory_space<hbm>>
      %dma_wait3A_168 = tpu.memref_squeeze %dma_wait3A_167 : memref<1x1x2x128xi32, #tpu.memory_space<hbm>> -> memref<2x128xi32, #tpu.memory_space<hbm>>
      %dma_wait3A_169 = arith.constant 0 : i32
      %dma_wait3A_170 = arith.constant 0 : i32
      %dma_wait3A_171 = tpu.memref_slice %arg3[%add3A, %dma_wait3A_164, %dma_wait3A_169, %dma_wait3A_170] : memref<32x80x2x128xi32, #tpu.memory_space<hbm>> -> memref<1x1x2x128xi32, #tpu.memory_space<hbm>>
      %dma_wait3A_172 = tpu.memref_squeeze %dma_wait3A_171 : memref<1x1x2x128xi32, #tpu.memory_space<hbm>> -> memref<2x128xi32, #tpu.memory_space<hbm>>
      tpu.wait_dma2 semaphore(%arg16 : memref<!tpu.dma_semaphore, #tpu.memory_space<semaphore_mem>>) src(%dma_wait3A_172 : memref<2x128xi32, #tpu.memory_space<hbm>>) dst(%arg9 : memref<2x128xi32, #tpu.memory_space<vmem>>)
      %dma_start3A_173 = arith.constant 1 : i32
      %dma_start3A_174 = arith.constant 0 : i32
      %dma_start3A_175 = tpu.memref_slice %arg9[%dma_start3A_173, %dma_start3A_174] : memref<2x128xi32, #tpu.memory_space<vmem>> -> memref<1x128xi32, #tpu.memory_space<vmem>>
      %dma_start3A_176 = tpu.memref_squeeze %dma_start3A_175 : memref<1x128xi32, #tpu.memory_space<vmem>> -> memref<128xi32, #tpu.memory_space<vmem>>
      %dma_start3A_177 = arith.constant 0 : i32
      %dma_start3A_178 = arith.constant 0 : i32
      %dma_start3A_179 = tpu.memref_slice %arg2[%dma_start3A_177, %dma_start3A_178] : memref<10000x128xf32, #tpu.memory_space<hbm>> -> memref<10000x128xf32, #tpu.memory_space<hbm>>
      tpu.enqueue_indirect_dma source(%dma_start3A_179 : memref<10000x128xf32, #tpu.memory_space<hbm>>) target(%arg11 : memref<128x128xf32, #tpu.memory_space<vmem>>) offsets(%dma_start3A_176 : memref<128xi32, #tpu.memory_space<vmem>>) semaphore(%arg18 : memref<!tpu.dma_semaphore, #tpu.memory_space<semaphore_mem>>)
      %dma_wait3A_180 = arith.constant 1 : i32
      %dma_wait3A_181 = arith.constant 0 : i32
      %dma_wait3A_182 = tpu.memref_slice %arg8[%dma_wait3A_180, %dma_wait3A_181] : memref<2x128xi32, #tpu.memory_space<vmem>> -> memref<1x128xi32, #tpu.memory_space<vmem>>
      %dma_wait3A_183 = tpu.memref_squeeze %dma_wait3A_182 : memref<1x128xi32, #tpu.memory_space<vmem>> -> memref<128xi32, #tpu.memory_space<vmem>>
      %dma_wait3A_184 = arith.constant 0 : i32
      %dma_wait3A_185 = arith.constant 0 : i32
      %dma_wait3A_186 = tpu.memref_slice %arg2[%dma_wait3A_184, %dma_wait3A_185] : memref<10000x128xf32, #tpu.memory_space<hbm>> -> memref<10000x128xf32, #tpu.memory_space<hbm>>
      tpu.wait_indirect_dma semaphore(%arg17 : memref<!tpu.dma_semaphore, #tpu.memory_space<semaphore_mem>>) src(%dma_wait3A_186 : memref<10000x128xf32, #tpu.memory_space<hbm>>) dst(%arg10 : memref<128x128xf32, #tpu.memory_space<vmem>>)
      %run_scoped3A_187 = arith.constant 0 : i32
      "tpu.region"() ({
        %run_scoped3A_245 = tpu.sem_alloc : memref<!tpu.dma_semaphore, #tpu.memory_space<semaphore_mem>>
        %dma_start3A_246 = arith.constant 0 : i32
        %dma_start3A_247 = tpu.memref_slice %arg8[%run_scoped3A_187, %dma_start3A_246] : memref<2x128xi32, #tpu.memory_space<vmem>> -> memref<1x128xi32, #tpu.memory_space<vmem>>
        %dma_start3A_248 = tpu.memref_squeeze %dma_start3A_247 : memref<1x128xi32, #tpu.memory_space<vmem>> -> memref<128xi32, #tpu.memory_space<vmem>>
        %dma_start3A_249 = arith.constant 0 : i32
        %dma_start3A_250 = arith.constant 0 : i32
        %dma_start3A_251 = tpu.memref_slice %arg12[%dma_start3A_249, %dma_start3A_250] : memref<10240x128xf32, #tpu.memory_space<vmem_shared>> -> memref<10240x128xf32, #tpu.memory_space<vmem_shared>>
        tpu.enqueue_indirect_dma source(%arg10 : memref<128x128xf32, #tpu.memory_space<vmem>>) target(%dma_start3A_251 : memref<10240x128xf32, #tpu.memory_space<vmem_shared>>) offsets(%dma_start3A_248 : memref<128xi32, #tpu.memory_space<vmem>>) semaphore(%run_scoped3A_245 : memref<!tpu.dma_semaphore, #tpu.memory_space<semaphore_mem>>) {add = true}
        %dma_wait3A_252 = arith.constant 0 : i32
        %dma_wait3A_253 = tpu.memref_slice %arg8[%run_scoped3A_187, %dma_wait3A_252] : memref<2x128xi32, #tpu.memory_space<vmem>> -> memref<1x128xi32, #tpu.memory_space<vmem>>
        %dma_wait3A_254 = tpu.memref_squeeze %dma_wait3A_253 : memref<1x128xi32, #tpu.memory_space<vmem>> -> memref<128xi32, #tpu.memory_space<vmem>>
        %dma_wait3A_255 = arith.constant 0 : i32
        %dma_wait3A_256 = arith.constant 0 : i32
        %dma_wait3A_257 = tpu.memref_slice %arg12[%dma_wait3A_255, %dma_wait3A_256] : memref<10240x128xf32, #tpu.memory_space<vmem_shared>> -> memref<10240x128xf32, #tpu.memory_space<vmem_shared>>
        tpu.wait_indirect_dma semaphore(%run_scoped3A_245 : memref<!tpu.dma_semaphore, #tpu.memory_space<semaphore_mem>>) src(%arg10 : memref<128x128xf32, #tpu.memory_space<vmem>>) dst(%dma_wait3A_257 : memref<10240x128xf32, #tpu.memory_space<vmem_shared>>)
        tpu.yield
      }) : () -> ()
      %add3A_188 = arith.constant 6 : i32
      %add3A_189 = arith.addi %mul3A_102, %add3A_188 : i32
      %min3A_190 = arith.constant 79 : i32
      %min3A_191 = arith.minsi %add3A_189, %min3A_190 : i32
      %dma_start3A_192 = arith.constant 0 : i32
      %dma_start3A_193 = arith.constant 0 : i32
      %dma_start3A_194 = tpu.memref_slice %arg3[%add3A, %min3A_191, %dma_start3A_192, %dma_start3A_193] : memref<32x80x2x128xi32, #tpu.memory_space<hbm>> -> memref<1x1x2x128xi32, #tpu.memory_space<hbm>>
      %dma_start3A_195 = tpu.memref_squeeze %dma_start3A_194 : memref<1x1x2x128xi32, #tpu.memory_space<hbm>> -> memref<2x128xi32, #tpu.memory_space<hbm>>
      %dma_start3A_196 = arith.constant 0 : i32
      %dma_start3A_197 = arith.constant 0 : i32
      %dma_start3A_198 = tpu.memref_slice %arg3[%add3A, %min3A_191, %dma_start3A_196, %dma_start3A_197] : memref<32x80x2x128xi32, #tpu.memory_space<hbm>> -> memref<1x1x2x128xi32, #tpu.memory_space<hbm>>
      %dma_start3A_199 = tpu.memref_squeeze %dma_start3A_198 : memref<1x1x2x128xi32, #tpu.memory_space<hbm>> -> memref<2x128xi32, #tpu.memory_space<hbm>>
      tpu.enqueue_dma source(%dma_start3A_199 : memref<2x128xi32, #tpu.memory_space<hbm>>) target(%arg8 : memref<2x128xi32, #tpu.memory_space<vmem>>) target_semaphore(%arg15 : memref<!tpu.dma_semaphore, #tpu.memory_space<semaphore_mem>>)
      %dma_wait3A_200 = arith.constant 0 : i32
      %dma_wait3A_201 = arith.constant 0 : i32
      %dma_wait3A_202 = arith.constant 0 : i32
      %dma_wait3A_203 = tpu.memref_slice %arg3[%add3A, %dma_wait3A_200, %dma_wait3A_201, %dma_wait3A_202] : memref<32x80x2x128xi32, #tpu.memory_space<hbm>> -> memref<1x1x2x128xi32, #tpu.memory_space<hbm>>
      %dma_wait3A_204 = tpu.memref_squeeze %dma_wait3A_203 : memref<1x1x2x128xi32, #tpu.memory_space<hbm>> -> memref<2x128xi32, #tpu.memory_space<hbm>>
      %dma_wait3A_205 = arith.constant 0 : i32
      %dma_wait3A_206 = arith.constant 0 : i32
      %dma_wait3A_207 = tpu.memref_slice %arg3[%add3A, %dma_wait3A_200, %dma_wait3A_205, %dma_wait3A_206] : memref<32x80x2x128xi32, #tpu.memory_space<hbm>> -> memref<1x1x2x128xi32, #tpu.memory_space<hbm>>
      %dma_wait3A_208 = tpu.memref_squeeze %dma_wait3A_207 : memref<1x1x2x128xi32, #tpu.memory_space<hbm>> -> memref<2x128xi32, #tpu.memory_space<hbm>>
      tpu.wait_dma2 semaphore(%arg13 : memref<!tpu.dma_semaphore, #tpu.memory_space<semaphore_mem>>) src(%dma_wait3A_208 : memref<2x128xi32, #tpu.memory_space<hbm>>) dst(%arg6 : memref<2x128xi32, #tpu.memory_space<vmem>>)
      %dma_start3A_209 = arith.constant 1 : i32
      %dma_start3A_210 = arith.constant 0 : i32
      %dma_start3A_211 = tpu.memref_slice %arg6[%dma_start3A_209, %dma_start3A_210] : memref<2x128xi32, #tpu.memory_space<vmem>> -> memref<1x128xi32, #tpu.memory_space<vmem>>
      %dma_start3A_212 = tpu.memref_squeeze %dma_start3A_211 : memref<1x128xi32, #tpu.memory_space<vmem>> -> memref<128xi32, #tpu.memory_space<vmem>>
      %dma_start3A_213 = arith.constant 0 : i32
      %dma_start3A_214 = arith.constant 0 : i32
      %dma_start3A_215 = tpu.memref_slice %arg2[%dma_start3A_213, %dma_start3A_214] : memref<10000x128xf32, #tpu.memory_space<hbm>> -> memref<10000x128xf32, #tpu.memory_space<hbm>>
      tpu.enqueue_indirect_dma source(%dma_start3A_215 : memref<10000x128xf32, #tpu.memory_space<hbm>>) target(%arg10 : memref<128x128xf32, #tpu.memory_space<vmem>>) offsets(%dma_start3A_212 : memref<128xi32, #tpu.memory_space<vmem>>) semaphore(%arg17 : memref<!tpu.dma_semaphore, #tpu.memory_space<semaphore_mem>>)
      %dma_wait3A_216 = arith.constant 1 : i32
      %dma_wait3A_217 = arith.constant 0 : i32
      %dma_wait3A_218 = tpu.memref_slice %arg9[%dma_wait3A_216, %dma_wait3A_217] : memref<2x128xi32, #tpu.memory_space<vmem>> -> memref<1x128xi32, #tpu.memory_space<vmem>>
      %dma_wait3A_219 = tpu.memref_squeeze %dma_wait3A_218 : memref<1x128xi32, #tpu.memory_space<vmem>> -> memref<128xi32, #tpu.memory_space<vmem>>
      %dma_wait3A_220 = arith.constant 0 : i32
      %dma_wait3A_221 = arith.constant 0 : i32
      %dma_wait3A_222 = tpu.memref_slice %arg2[%dma_wait3A_220, %dma_wait3A_221] : memref<10000x128xf32, #tpu.memory_space<hbm>> -> memref<10000x128xf32, #tpu.memory_space<hbm>>
      tpu.wait_indirect_dma semaphore(%arg18 : memref<!tpu.dma_semaphore, #tpu.memory_space<semaphore_mem>>) src(%dma_wait3A_222 : memref<10000x128xf32, #tpu.memory_space<hbm>>) dst(%arg11 : memref<128x128xf32, #tpu.memory_space<vmem>>)
      %run_scoped3A_223 = arith.constant 0 : i32
      "tpu.region"() ({
        %run_scoped3A_245 = tpu.sem_alloc : memref<!tpu.dma_semaphore, #tpu.memory_space<semaphore_mem>>
        %dma_start3A_246 = arith.constant 0 : i32
        %dma_start3A_247 = tpu.memref_slice %arg9[%run_scoped3A_223, %dma_start3A_246] : memref<2x128xi32, #tpu.memory_space<vmem>> -> memref<1x128xi32, #tpu.memory_space<vmem>>
        %dma_start3A_248 = tpu.memref_squeeze %dma_start3A_247 : memref<1x128xi32, #tpu.memory_space<vmem>> -> memref<128xi32, #tpu.memory_space<vmem>>
        %dma_start3A_249 = arith.constant 0 : i32
        %dma_start3A_250 = arith.constant 0 : i32
        %dma_start3A_251 = tpu.memref_slice %arg12[%dma_start3A_249, %dma_start3A_250] : memref<10240x128xf32, #tpu.memory_space<vmem_shared>> -> memref<10240x128xf32, #tpu.memory_space<vmem_shared>>
        tpu.enqueue_indirect_dma source(%arg11 : memref<128x128xf32, #tpu.memory_space<vmem>>) target(%dma_start3A_251 : memref<10240x128xf32, #tpu.memory_space<vmem_shared>>) offsets(%dma_start3A_248 : memref<128xi32, #tpu.memory_space<vmem>>) semaphore(%run_scoped3A_245 : memref<!tpu.dma_semaphore, #tpu.memory_space<semaphore_mem>>) {add = true}
        %dma_wait3A_252 = arith.constant 0 : i32
        %dma_wait3A_253 = tpu.memref_slice %arg9[%run_scoped3A_223, %dma_wait3A_252] : memref<2x128xi32, #tpu.memory_space<vmem>> -> memref<1x128xi32, #tpu.memory_space<vmem>>
        %dma_wait3A_254 = tpu.memref_squeeze %dma_wait3A_253 : memref<1x128xi32, #tpu.memory_space<vmem>> -> memref<128xi32, #tpu.memory_space<vmem>>
        %dma_wait3A_255 = arith.constant 0 : i32
        %dma_wait3A_256 = arith.constant 0 : i32
        %dma_wait3A_257 = tpu.memref_slice %arg12[%dma_wait3A_255, %dma_wait3A_256] : memref<10240x128xf32, #tpu.memory_space<vmem_shared>> -> memref<10240x128xf32, #tpu.memory_space<vmem_shared>>
        tpu.wait_indirect_dma semaphore(%run_scoped3A_245 : memref<!tpu.dma_semaphore, #tpu.memory_space<semaphore_mem>>) src(%arg11 : memref<128x128xf32, #tpu.memory_space<vmem>>) dst(%dma_wait3A_257 : memref<10240x128xf32, #tpu.memory_space<vmem_shared>>)
        tpu.yield
      }) : () -> ()
      %add3A_224 = arith.constant 7 : i32
      %add3A_225 = arith.addi %mul3A_102, %add3A_224 : i32
      %min3A_226 = arith.constant 79 : i32
      %min3A_227 = arith.minsi %add3A_225, %min3A_226 : i32
      %dma_start3A_228 = arith.constant 0 : i32
      %dma_start3A_229 = arith.constant 0 : i32
      %dma_start3A_230 = tpu.memref_slice %arg3[%add3A, %min3A_227, %dma_start3A_228, %dma_start3A_229] : memref<32x80x2x128xi32, #tpu.memory_space<hbm>> -> memref<1x1x2x128xi32, #tpu.memory_space<hbm>>
      %dma_start3A_231 = tpu.memref_squeeze %dma_start3A_230 : memref<1x1x2x128xi32, #tpu.memory_space<hbm>> -> memref<2x128xi32, #tpu.memory_space<hbm>>
      %dma_start3A_232 = arith.constant 0 : i32
      %dma_start3A_233 = arith.constant 0 : i32
      %dma_start3A_234 = tpu.memref_slice %arg3[%add3A, %min3A_227, %dma_start3A_232, %dma_start3A_233] : memref<32x80x2x128xi32, #tpu.memory_space<hbm>> -> memref<1x1x2x128xi32, #tpu.memory_space<hbm>>
      %dma_start3A_235 = tpu.memref_squeeze %dma_start3A_234 : memref<1x1x2x128xi32, #tpu.memory_space<hbm>> -> memref<2x128xi32, #tpu.memory_space<hbm>>
      tpu.enqueue_dma source(%dma_start3A_235 : memref<2x128xi32, #tpu.memory_space<hbm>>) target(%arg9 : memref<2x128xi32, #tpu.memory_space<vmem>>) target_semaphore(%arg16 : memref<!tpu.dma_semaphore, #tpu.memory_space<semaphore_mem>>)
      %dma_wait3A_236 = arith.constant 0 : i32
      %dma_wait3A_237 = arith.constant 0 : i32
      %dma_wait3A_238 = arith.constant 0 : i32
      %dma_wait3A_239 = tpu.memref_slice %arg3[%add3A, %dma_wait3A_236, %dma_wait3A_237, %dma_wait3A_238] : memref<32x80x2x128xi32, #tpu.memory_space<hbm>> -> memref<1x1x2x128xi32, #tpu.memory_space<hbm>>
      %dma_wait3A_240 = tpu.memref_squeeze %dma_wait3A_239 : memref<1x1x2x128xi32, #tpu.memory_space<hbm>> -> memref<2x128xi32, #tpu.memory_space<hbm>>
      %dma_wait3A_241 = arith.constant 0 : i32
      %dma_wait3A_242 = arith.constant 0 : i32
      %dma_wait3A_243 = tpu.memref_slice %arg3[%add3A, %dma_wait3A_236, %dma_wait3A_241, %dma_wait3A_242] : memref<32x80x2x128xi32, #tpu.memory_space<hbm>> -> memref<1x1x2x128xi32, #tpu.memory_space<hbm>>
      %dma_wait3A_244 = tpu.memref_squeeze %dma_wait3A_243 : memref<1x1x2x128xi32, #tpu.memory_space<hbm>> -> memref<2x128xi32, #tpu.memory_space<hbm>>
      tpu.wait_dma2 semaphore(%arg14 : memref<!tpu.dma_semaphore, #tpu.memory_space<semaphore_mem>>) src(%dma_wait3A_244 : memref<2x128xi32, #tpu.memory_space<hbm>>) dst(%arg7 : memref<2x128xi32, #tpu.memory_space<vmem>>)
    }
    %scan3A_66 = arith.constant 20 : i32
    %dma_wait3A_67 = arith.constant 1 : i32
    %dma_wait3A_68 = arith.constant 0 : i32
    %dma_wait3A_69 = tpu.memref_slice %arg6[%dma_wait3A_67, %dma_wait3A_68] : memref<2x128xi32, #tpu.memory_space<vmem>> -> memref<1x128xi32, #tpu.memory_space<vmem>>
    %dma_wait3A_70 = tpu.memref_squeeze %dma_wait3A_69 : memref<1x128xi32, #tpu.memory_space<vmem>> -> memref<128xi32, #tpu.memory_space<vmem>>
    %dma_wait3A_71 = arith.constant 0 : i32
    %dma_wait3A_72 = arith.constant 0 : i32
    %dma_wait3A_73 = tpu.memref_slice %arg2[%dma_wait3A_71, %dma_wait3A_72] : memref<10000x128xf32, #tpu.memory_space<hbm>> -> memref<10000x128xf32, #tpu.memory_space<hbm>>
    tpu.wait_indirect_dma semaphore(%arg17 : memref<!tpu.dma_semaphore, #tpu.memory_space<semaphore_mem>>) src(%dma_wait3A_73 : memref<10000x128xf32, #tpu.memory_space<hbm>>) dst(%arg10 : memref<128x128xf32, #tpu.memory_space<vmem>>)
    %dma_wait3A_74 = arith.constant 0 : i32
    %dma_wait3A_75 = arith.constant 0 : i32
    %dma_wait3A_76 = arith.constant 0 : i32
    %dma_wait3A_77 = tpu.memref_slice %arg3[%add3A, %dma_wait3A_74, %dma_wait3A_75, %dma_wait3A_76] : memref<32x80x2x128xi32, #tpu.memory_space<hbm>> -> memref<1x1x2x128xi32, #tpu.memory_space<hbm>>
    %dma_wait3A_78 = tpu.memref_squeeze %dma_wait3A_77 : memref<1x1x2x128xi32, #tpu.memory_space<hbm>> -> memref<2x128xi32, #tpu.memory_space<hbm>>
    %dma_wait3A_79 = arith.constant 0 : i32
    %dma_wait3A_80 = arith.constant 0 : i32
    %dma_wait3A_81 = tpu.memref_slice %arg3[%add3A, %dma_wait3A_74, %dma_wait3A_79, %dma_wait3A_80] : memref<32x80x2x128xi32, #tpu.memory_space<hbm>> -> memref<1x1x2x128xi32, #tpu.memory_space<hbm>>
    %dma_wait3A_82 = tpu.memref_squeeze %dma_wait3A_81 : memref<1x1x2x128xi32, #tpu.memory_space<hbm>> -> memref<2x128xi32, #tpu.memory_space<hbm>>
    tpu.wait_dma2 semaphore(%arg15 : memref<!tpu.dma_semaphore, #tpu.memory_space<semaphore_mem>>) src(%dma_wait3A_82 : memref<2x128xi32, #tpu.memory_space<hbm>>) dst(%arg8 : memref<2x128xi32, #tpu.memory_space<vmem>>)
    %dma_wait3A_83 = arith.constant 0 : i32
    %dma_wait3A_84 = arith.constant 0 : i32
    %dma_wait3A_85 = arith.constant 0 : i32
    %dma_wait3A_86 = tpu.memref_slice %arg3[%add3A, %dma_wait3A_83, %dma_wait3A_84, %dma_wait3A_85] : memref<32x80x2x128xi32, #tpu.memory_space<hbm>> -> memref<1x1x2x128xi32, #tpu.memory_space<hbm>>
    %dma_wait3A_87 = tpu.memref_squeeze %dma_wait3A_86 : memref<1x1x2x128xi32, #tpu.memory_space<hbm>> -> memref<2x128xi32, #tpu.memory_space<hbm>>
    %dma_wait3A_88 = arith.constant 0 : i32
    %dma_wait3A_89 = arith.constant 0 : i32
    %dma_wait3A_90 = tpu.memref_slice %arg3[%add3A, %dma_wait3A_83, %dma_wait3A_88, %dma_wait3A_89] : memref<32x80x2x128xi32, #tpu.memory_space<hbm>> -> memref<1x1x2x128xi32, #tpu.memory_space<hbm>>
    %dma_wait3A_91 = tpu.memref_squeeze %dma_wait3A_90 : memref<1x1x2x128xi32, #tpu.memory_space<hbm>> -> memref<2x128xi32, #tpu.memory_space<hbm>>
    tpu.wait_dma2 semaphore(%arg16 : memref<!tpu.dma_semaphore, #tpu.memory_space<semaphore_mem>>) src(%dma_wait3A_91 : memref<2x128xi32, #tpu.memory_space<hbm>>) dst(%arg9 : memref<2x128xi32, #tpu.memory_space<vmem>>)
    %barrier3A_92 = arith.constant 0 : index
    tpu.barrier barrier_id(%barrier3A_92)
    %mul3A_93 = arith.constant 640 : i32
    %mul3A_94 = arith.muli %arg1, %mul3A_93 : i32
    %mul3A_95 = arith.constant 10240 : i32
    %mul3A_96 = arith.muli %arg0, %mul3A_95 : i32
    %mul3A_97 = arith.constant 640 : i32
    %mul3A_98 = arith.muli %arg1, %mul3A_97 : i32
    %add3A_99 = arith.addi %mul3A_96, %mul3A_98 : i32
    "tpu.region"() ({
      %run_scoped3A = tpu.sem_alloc : memref<!tpu.dma_semaphore, #tpu.memory_space<semaphore_mem>>
      %dma_start3A_100 = arith.constant 0 : i32
      %dma_start3A_101 = tpu.memref_slice %arg5[%add3A_99, %dma_start3A_100] : memref<20480x128xf32, #tpu.memory_space<hbm>> -> memref<640x128xf32, #tpu.memory_space<hbm>>
      %dma_start3A_102 = arith.constant 0 : i32
      %dma_start3A_103 = tpu.memref_slice %arg12[%mul3A_94, %dma_start3A_102] : memref<10240x128xf32, #tpu.memory_space<vmem_shared>> -> memref<640x128xf32, #tpu.memory_space<vmem_shared>>
      tpu.enqueue_dma source(%dma_start3A_103 : memref<640x128xf32, #tpu.memory_space<vmem_shared>>) target(%dma_start3A_101 : memref<640x128xf32, #tpu.memory_space<hbm>>) target_semaphore(%run_scoped3A : memref<!tpu.dma_semaphore, #tpu.memory_space<semaphore_mem>>)
      %dma_wait3A_104 = arith.constant 0 : i32
      %dma_wait3A_105 = tpu.memref_slice %arg5[%add3A_99, %dma_wait3A_104] : memref<20480x128xf32, #tpu.memory_space<hbm>> -> memref<640x128xf32, #tpu.memory_space<hbm>>
      %dma_wait3A_106 = arith.constant 0 : i32
      %dma_wait3A_107 = tpu.memref_slice %arg12[%mul3A_94, %dma_wait3A_106] : memref<10240x128xf32, #tpu.memory_space<vmem_shared>> -> memref<640x128xf32, #tpu.memory_space<vmem_shared>>
      tpu.wait_dma2 semaphore(%run_scoped3A : memref<!tpu.dma_semaphore, #tpu.memory_space<semaphore_mem>>) src(%dma_wait3A_107 : memref<640x128xf32, #tpu.memory_space<vmem_shared>>) dst(%dma_wait3A_105 : memref<640x128xf32, #tpu.memory_space<hbm>>)
      tpu.yield
    }) : () -> ()
    return
  }
}

#map = affine_map<(d0, d1) -> (0, 0, 0, 0)>
#map1 = affine_map<(d0, d1) -> (0, 0)>
module attributes {stable_mosaic.version = 14 : i64} {
  func.func @_deg_body(%arg0: i32, %arg1: i32, %arg2: memref<32x80x2x128xi32, #tpu.memory_space<hbm>>, %arg3: memref<128x128xf32, #tpu.memory_space<hbm>>, %arg4: memref<640x128xf32, #tpu.memory_space<hbm>>, %arg5: memref<20480x128xf32, #tpu.memory_space<hbm>>, %arg6: memref<2x128xi32, #tpu.memory_space<vmem>>, %arg7: memref<2x128xi32, #tpu.memory_space<vmem>>, %arg8: memref<128x128xf32, #tpu.memory_space<vmem>>, %arg9: memref<10240x128xf32, #tpu.memory_space<vmem_shared>>, %arg10: memref<!tpu.dma_semaphore, #tpu.memory_space<semaphore_mem>>, %arg11: memref<!tpu.dma_semaphore, #tpu.memory_space<semaphore_mem>>) attributes {dimension_semantics = [#tpu.dimension_semantics<core_parallel>, #tpu.dimension_semantics<subcore_parallel>], iteration_bounds = array<i64: 2, 16>, scalar_prefetch = 0 : i64, scratch_operands = 6 : i64, tpu.core_type = #tpu.core_type<sc_vector_subcore>, window_params = [{transform_indices = #map}, {transform_indices = #map1}, {transform_indices = #map1}, {transform_indices = #map1}]} {
    %mul3A = arith.constant 2 : i32
    %mul3A_0 = arith.muli %arg1, %mul3A : i32
    %add3A = arith.addi %mul3A_0, %arg0 : i32
    %mul3A_1 = arith.constant 640 : i32
    %mul3A_2 = arith.muli %arg1, %mul3A_1 : i32
    "tpu.region"() ({
      %run_scoped3A = tpu.sem_alloc : memref<!tpu.dma_semaphore, #tpu.memory_space<semaphore_mem>>
      %dma_start3A_50 = arith.constant 0 : i32
      %dma_start3A_51 = tpu.memref_slice %arg9[%mul3A_2, %dma_start3A_50] : memref<10240x128xf32, #tpu.memory_space<vmem_shared>> -> memref<640x128xf32, #tpu.memory_space<vmem_shared>>
      tpu.enqueue_dma source(%arg4 : memref<640x128xf32, #tpu.memory_space<hbm>>) target(%dma_start3A_51 : memref<640x128xf32, #tpu.memory_space<vmem_shared>>) target_semaphore(%run_scoped3A : memref<!tpu.dma_semaphore, #tpu.memory_space<semaphore_mem>>)
      %dma_wait3A_52 = arith.constant 0 : i32
      %dma_wait3A_53 = tpu.memref_slice %arg9[%mul3A_2, %dma_wait3A_52] : memref<10240x128xf32, #tpu.memory_space<vmem_shared>> -> memref<640x128xf32, #tpu.memory_space<vmem_shared>>
      tpu.wait_dma2 semaphore(%run_scoped3A : memref<!tpu.dma_semaphore, #tpu.memory_space<semaphore_mem>>) src(%arg4 : memref<640x128xf32, #tpu.memory_space<hbm>>) dst(%dma_wait3A_53 : memref<640x128xf32, #tpu.memory_space<vmem_shared>>)
      tpu.yield
    }) : () -> ()
    "tpu.region"() ({
      %run_scoped3A = tpu.sem_alloc : memref<!tpu.dma_semaphore, #tpu.memory_space<semaphore_mem>>
      tpu.enqueue_dma source(%arg3 : memref<128x128xf32, #tpu.memory_space<hbm>>) target(%arg8 : memref<128x128xf32, #tpu.memory_space<vmem>>) target_semaphore(%run_scoped3A : memref<!tpu.dma_semaphore, #tpu.memory_space<semaphore_mem>>)
      tpu.wait_dma2 semaphore(%run_scoped3A : memref<!tpu.dma_semaphore, #tpu.memory_space<semaphore_mem>>) src(%arg3 : memref<128x128xf32, #tpu.memory_space<hbm>>) dst(%arg8 : memref<128x128xf32, #tpu.memory_space<vmem>>)
      tpu.yield
    }) : () -> ()
    %dma_start3A = arith.constant 0 : i32
    %dma_start3A_3 = arith.constant 0 : i32
    %dma_start3A_4 = arith.constant 0 : i32
    %dma_start3A_5 = tpu.memref_slice %arg2[%add3A, %dma_start3A, %dma_start3A_3, %dma_start3A_4] : memref<32x80x2x128xi32, #tpu.memory_space<hbm>> -> memref<1x1x2x128xi32, #tpu.memory_space<hbm>>
    %dma_start3A_6 = tpu.memref_squeeze %dma_start3A_5 : memref<1x1x2x128xi32, #tpu.memory_space<hbm>> -> memref<2x128xi32, #tpu.memory_space<hbm>>
    %dma_start3A_7 = arith.constant 0 : i32
    %dma_start3A_8 = arith.constant 0 : i32
    %dma_start3A_9 = tpu.memref_slice %arg2[%add3A, %dma_start3A, %dma_start3A_7, %dma_start3A_8] : memref<32x80x2x128xi32, #tpu.memory_space<hbm>> -> memref<1x1x2x128xi32, #tpu.memory_space<hbm>>
    %dma_start3A_10 = tpu.memref_squeeze %dma_start3A_9 : memref<1x1x2x128xi32, #tpu.memory_space<hbm>> -> memref<2x128xi32, #tpu.memory_space<hbm>>
    tpu.enqueue_dma source(%dma_start3A_10 : memref<2x128xi32, #tpu.memory_space<hbm>>) target(%arg6 : memref<2x128xi32, #tpu.memory_space<vmem>>) target_semaphore(%arg10 : memref<!tpu.dma_semaphore, #tpu.memory_space<semaphore_mem>>)
    %dma_start3A_11 = arith.constant 1 : i32
    %dma_start3A_12 = arith.constant 0 : i32
    %dma_start3A_13 = arith.constant 0 : i32
    %dma_start3A_14 = tpu.memref_slice %arg2[%add3A, %dma_start3A_11, %dma_start3A_12, %dma_start3A_13] : memref<32x80x2x128xi32, #tpu.memory_space<hbm>> -> memref<1x1x2x128xi32, #tpu.memory_space<hbm>>
    %dma_start3A_15 = tpu.memref_squeeze %dma_start3A_14 : memref<1x1x2x128xi32, #tpu.memory_space<hbm>> -> memref<2x128xi32, #tpu.memory_space<hbm>>
    %dma_start3A_16 = arith.constant 0 : i32
    %dma_start3A_17 = arith.constant 0 : i32
    %dma_start3A_18 = tpu.memref_slice %arg2[%add3A, %dma_start3A_11, %dma_start3A_16, %dma_start3A_17] : memref<32x80x2x128xi32, #tpu.memory_space<hbm>> -> memref<1x1x2x128xi32, #tpu.memory_space<hbm>>
    %dma_start3A_19 = tpu.memref_squeeze %dma_start3A_18 : memref<1x1x2x128xi32, #tpu.memory_space<hbm>> -> memref<2x128xi32, #tpu.memory_space<hbm>>
    tpu.enqueue_dma source(%dma_start3A_19 : memref<2x128xi32, #tpu.memory_space<hbm>>) target(%arg7 : memref<2x128xi32, #tpu.memory_space<vmem>>) target_semaphore(%arg11 : memref<!tpu.dma_semaphore, #tpu.memory_space<semaphore_mem>>)
    %barrier3A = arith.constant 0 : index
    tpu.barrier barrier_id(%barrier3A)
    %scan3A = arith.constant 0 : i32
    %scan3A_20 = arith.constant 0 : i32
    %scan3A_21 = arith.constant 40 : i32
    %scan3A_22 = arith.addi %scan3A_20, %scan3A_21 : i32
    %scan3A_23 = arith.constant 1 : i32
    scf.for %scan3A_50 = %scan3A_20 to %scan3A_22 step %scan3A_23  : i32 {
      %mul3A_51 = arith.constant 2 : i32
      %mul3A_52 = arith.muli %mul3A_51, %scan3A_50 : i32
      %add3A_53 = arith.constant 1 : i32
      %add3A_54 = arith.addi %mul3A_52, %add3A_53 : i32
      %dma_wait3A_55 = arith.constant 0 : i32
      %dma_wait3A_56 = arith.constant 0 : i32
      %dma_wait3A_57 = tpu.memref_slice %arg2[%add3A, %mul3A_52, %dma_wait3A_55, %dma_wait3A_56] : memref<32x80x2x128xi32, #tpu.memory_space<hbm>> -> memref<1x1x2x128xi32, #tpu.memory_space<hbm>>
      %dma_wait3A_58 = tpu.memref_squeeze %dma_wait3A_57 : memref<1x1x2x128xi32, #tpu.memory_space<hbm>> -> memref<2x128xi32, #tpu.memory_space<hbm>>
      %dma_wait3A_59 = arith.constant 0 : i32
      %dma_wait3A_60 = arith.constant 0 : i32
      %dma_wait3A_61 = tpu.memref_slice %arg2[%add3A, %mul3A_52, %dma_wait3A_59, %dma_wait3A_60] : memref<32x80x2x128xi32, #tpu.memory_space<hbm>> -> memref<1x1x2x128xi32, #tpu.memory_space<hbm>>
      %dma_wait3A_62 = tpu.memref_squeeze %dma_wait3A_61 : memref<1x1x2x128xi32, #tpu.memory_space<hbm>> -> memref<2x128xi32, #tpu.memory_space<hbm>>
      tpu.wait_dma2 semaphore(%arg10 : memref<!tpu.dma_semaphore, #tpu.memory_space<semaphore_mem>>) src(%dma_wait3A_62 : memref<2x128xi32, #tpu.memory_space<hbm>>) dst(%arg6 : memref<2x128xi32, #tpu.memory_space<vmem>>)
      %run_scoped3A = arith.constant 0 : i32
      "tpu.region"() ({
        %run_scoped3A_95 = tpu.sem_alloc : memref<!tpu.dma_semaphore, #tpu.memory_space<semaphore_mem>>
        %dma_start3A_96 = arith.constant 0 : i32
        %dma_start3A_97 = tpu.memref_slice %arg6[%run_scoped3A, %dma_start3A_96] : memref<2x128xi32, #tpu.memory_space<vmem>> -> memref<1x128xi32, #tpu.memory_space<vmem>>
        %dma_start3A_98 = tpu.memref_squeeze %dma_start3A_97 : memref<1x128xi32, #tpu.memory_space<vmem>> -> memref<128xi32, #tpu.memory_space<vmem>>
        %dma_start3A_99 = arith.constant 0 : i32
        %dma_start3A_100 = arith.constant 0 : i32
        %dma_start3A_101 = tpu.memref_slice %arg9[%dma_start3A_99, %dma_start3A_100] : memref<10240x128xf32, #tpu.memory_space<vmem_shared>> -> memref<10240x128xf32, #tpu.memory_space<vmem_shared>>
        tpu.enqueue_indirect_dma source(%arg8 : memref<128x128xf32, #tpu.memory_space<vmem>>) target(%dma_start3A_101 : memref<10240x128xf32, #tpu.memory_space<vmem_shared>>) offsets(%dma_start3A_98 : memref<128xi32, #tpu.memory_space<vmem>>) semaphore(%run_scoped3A_95 : memref<!tpu.dma_semaphore, #tpu.memory_space<semaphore_mem>>) {add = true}
        %dma_wait3A_102 = arith.constant 0 : i32
        %dma_wait3A_103 = tpu.memref_slice %arg6[%run_scoped3A, %dma_wait3A_102] : memref<2x128xi32, #tpu.memory_space<vmem>> -> memref<1x128xi32, #tpu.memory_space<vmem>>
        %dma_wait3A_104 = tpu.memref_squeeze %dma_wait3A_103 : memref<1x128xi32, #tpu.memory_space<vmem>> -> memref<128xi32, #tpu.memory_space<vmem>>
        %dma_wait3A_105 = arith.constant 0 : i32
        %dma_wait3A_106 = arith.constant 0 : i32
        %dma_wait3A_107 = tpu.memref_slice %arg9[%dma_wait3A_105, %dma_wait3A_106] : memref<10240x128xf32, #tpu.memory_space<vmem_shared>> -> memref<10240x128xf32, #tpu.memory_space<vmem_shared>>
        tpu.wait_indirect_dma semaphore(%run_scoped3A_95 : memref<!tpu.dma_semaphore, #tpu.memory_space<semaphore_mem>>) src(%arg8 : memref<128x128xf32, #tpu.memory_space<vmem>>) dst(%dma_wait3A_107 : memref<10240x128xf32, #tpu.memory_space<vmem_shared>>)
        tpu.yield
      }) : () -> ()
      %add3A_63 = arith.constant 2 : i32
      %add3A_64 = arith.addi %mul3A_52, %add3A_63 : i32
      %min3A = arith.constant 79 : i32
      %min3A_65 = arith.minsi %add3A_64, %min3A : i32
      %dma_start3A_66 = arith.constant 0 : i32
      %dma_start3A_67 = arith.constant 0 : i32
      %dma_start3A_68 = tpu.memref_slice %arg2[%add3A, %min3A_65, %dma_start3A_66, %dma_start3A_67] : memref<32x80x2x128xi32, #tpu.memory_space<hbm>> -> memref<1x1x2x128xi32, #tpu.memory_space<hbm>>
      %dma_start3A_69 = tpu.memref_squeeze %dma_start3A_68 : memref<1x1x2x128xi32, #tpu.memory_space<hbm>> -> memref<2x128xi32, #tpu.memory_space<hbm>>
      %dma_start3A_70 = arith.constant 0 : i32
      %dma_start3A_71 = arith.constant 0 : i32
      %dma_start3A_72 = tpu.memref_slice %arg2[%add3A, %min3A_65, %dma_start3A_70, %dma_start3A_71] : memref<32x80x2x128xi32, #tpu.memory_space<hbm>> -> memref<1x1x2x128xi32, #tpu.memory_space<hbm>>
      %dma_start3A_73 = tpu.memref_squeeze %dma_start3A_72 : memref<1x1x2x128xi32, #tpu.memory_space<hbm>> -> memref<2x128xi32, #tpu.memory_space<hbm>>
      tpu.enqueue_dma source(%dma_start3A_73 : memref<2x128xi32, #tpu.memory_space<hbm>>) target(%arg6 : memref<2x128xi32, #tpu.memory_space<vmem>>) target_semaphore(%arg10 : memref<!tpu.dma_semaphore, #tpu.memory_space<semaphore_mem>>)
      %dma_wait3A_74 = arith.constant 0 : i32
      %dma_wait3A_75 = arith.constant 0 : i32
      %dma_wait3A_76 = tpu.memref_slice %arg2[%add3A, %add3A_54, %dma_wait3A_74, %dma_wait3A_75] : memref<32x80x2x128xi32, #tpu.memory_space<hbm>> -> memref<1x1x2x128xi32, #tpu.memory_space<hbm>>
      %dma_wait3A_77 = tpu.memref_squeeze %dma_wait3A_76 : memref<1x1x2x128xi32, #tpu.memory_space<hbm>> -> memref<2x128xi32, #tpu.memory_space<hbm>>
      %dma_wait3A_78 = arith.constant 0 : i32
      %dma_wait3A_79 = arith.constant 0 : i32
      %dma_wait3A_80 = tpu.memref_slice %arg2[%add3A, %add3A_54, %dma_wait3A_78, %dma_wait3A_79] : memref<32x80x2x128xi32, #tpu.memory_space<hbm>> -> memref<1x1x2x128xi32, #tpu.memory_space<hbm>>
      %dma_wait3A_81 = tpu.memref_squeeze %dma_wait3A_80 : memref<1x1x2x128xi32, #tpu.memory_space<hbm>> -> memref<2x128xi32, #tpu.memory_space<hbm>>
      tpu.wait_dma2 semaphore(%arg11 : memref<!tpu.dma_semaphore, #tpu.memory_space<semaphore_mem>>) src(%dma_wait3A_81 : memref<2x128xi32, #tpu.memory_space<hbm>>) dst(%arg7 : memref<2x128xi32, #tpu.memory_space<vmem>>)
      %run_scoped3A_82 = arith.constant 0 : i32
      "tpu.region"() ({
        %run_scoped3A_95 = tpu.sem_alloc : memref<!tpu.dma_semaphore, #tpu.memory_space<semaphore_mem>>
        %dma_start3A_96 = arith.constant 0 : i32
        %dma_start3A_97 = tpu.memref_slice %arg7[%run_scoped3A_82, %dma_start3A_96] : memref<2x128xi32, #tpu.memory_space<vmem>> -> memref<1x128xi32, #tpu.memory_space<vmem>>
        %dma_start3A_98 = tpu.memref_squeeze %dma_start3A_97 : memref<1x128xi32, #tpu.memory_space<vmem>> -> memref<128xi32, #tpu.memory_space<vmem>>
        %dma_start3A_99 = arith.constant 0 : i32
        %dma_start3A_100 = arith.constant 0 : i32
        %dma_start3A_101 = tpu.memref_slice %arg9[%dma_start3A_99, %dma_start3A_100] : memref<10240x128xf32, #tpu.memory_space<vmem_shared>> -> memref<10240x128xf32, #tpu.memory_space<vmem_shared>>
        tpu.enqueue_indirect_dma source(%arg8 : memref<128x128xf32, #tpu.memory_space<vmem>>) target(%dma_start3A_101 : memref<10240x128xf32, #tpu.memory_space<vmem_shared>>) offsets(%dma_start3A_98 : memref<128xi32, #tpu.memory_space<vmem>>) semaphore(%run_scoped3A_95 : memref<!tpu.dma_semaphore, #tpu.memory_space<semaphore_mem>>) {add = true}
        %dma_wait3A_102 = arith.constant 0 : i32
        %dma_wait3A_103 = tpu.memref_slice %arg7[%run_scoped3A_82, %dma_wait3A_102] : memref<2x128xi32, #tpu.memory_space<vmem>> -> memref<1x128xi32, #tpu.memory_space<vmem>>
        %dma_wait3A_104 = tpu.memref_squeeze %dma_wait3A_103 : memref<1x128xi32, #tpu.memory_space<vmem>> -> memref<128xi32, #tpu.memory_space<vmem>>
        %dma_wait3A_105 = arith.constant 0 : i32
        %dma_wait3A_106 = arith.constant 0 : i32
        %dma_wait3A_107 = tpu.memref_slice %arg9[%dma_wait3A_105, %dma_wait3A_106] : memref<10240x128xf32, #tpu.memory_space<vmem_shared>> -> memref<10240x128xf32, #tpu.memory_space<vmem_shared>>
        tpu.wait_indirect_dma semaphore(%run_scoped3A_95 : memref<!tpu.dma_semaphore, #tpu.memory_space<semaphore_mem>>) src(%arg8 : memref<128x128xf32, #tpu.memory_space<vmem>>) dst(%dma_wait3A_107 : memref<10240x128xf32, #tpu.memory_space<vmem_shared>>)
        tpu.yield
      }) : () -> ()
      %add3A_83 = arith.constant 2 : i32
      %add3A_84 = arith.addi %add3A_54, %add3A_83 : i32
      %min3A_85 = arith.constant 79 : i32
      %min3A_86 = arith.minsi %add3A_84, %min3A_85 : i32
      %dma_start3A_87 = arith.constant 0 : i32
      %dma_start3A_88 = arith.constant 0 : i32
      %dma_start3A_89 = tpu.memref_slice %arg2[%add3A, %min3A_86, %dma_start3A_87, %dma_start3A_88] : memref<32x80x2x128xi32, #tpu.memory_space<hbm>> -> memref<1x1x2x128xi32, #tpu.memory_space<hbm>>
      %dma_start3A_90 = tpu.memref_squeeze %dma_start3A_89 : memref<1x1x2x128xi32, #tpu.memory_space<hbm>> -> memref<2x128xi32, #tpu.memory_space<hbm>>
      %dma_start3A_91 = arith.constant 0 : i32
      %dma_start3A_92 = arith.constant 0 : i32
      %dma_start3A_93 = tpu.memref_slice %arg2[%add3A, %min3A_86, %dma_start3A_91, %dma_start3A_92] : memref<32x80x2x128xi32, #tpu.memory_space<hbm>> -> memref<1x1x2x128xi32, #tpu.memory_space<hbm>>
      %dma_start3A_94 = tpu.memref_squeeze %dma_start3A_93 : memref<1x1x2x128xi32, #tpu.memory_space<hbm>> -> memref<2x128xi32, #tpu.memory_space<hbm>>
      tpu.enqueue_dma source(%dma_start3A_94 : memref<2x128xi32, #tpu.memory_space<hbm>>) target(%arg7 : memref<2x128xi32, #tpu.memory_space<vmem>>) target_semaphore(%arg11 : memref<!tpu.dma_semaphore, #tpu.memory_space<semaphore_mem>>)
    }
    %scan3A_24 = arith.constant 40 : i32
    %dma_wait3A = arith.constant 0 : i32
    %dma_wait3A_25 = arith.constant 0 : i32
    %dma_wait3A_26 = arith.constant 0 : i32
    %dma_wait3A_27 = tpu.memref_slice %arg2[%add3A, %dma_wait3A, %dma_wait3A_25, %dma_wait3A_26] : memref<32x80x2x128xi32, #tpu.memory_space<hbm>> -> memref<1x1x2x128xi32, #tpu.memory_space<hbm>>
    %dma_wait3A_28 = tpu.memref_squeeze %dma_wait3A_27 : memref<1x1x2x128xi32, #tpu.memory_space<hbm>> -> memref<2x128xi32, #tpu.memory_space<hbm>>
    %dma_wait3A_29 = arith.constant 0 : i32
    %dma_wait3A_30 = arith.constant 0 : i32
    %dma_wait3A_31 = tpu.memref_slice %arg2[%add3A, %dma_wait3A, %dma_wait3A_29, %dma_wait3A_30] : memref<32x80x2x128xi32, #tpu.memory_space<hbm>> -> memref<1x1x2x128xi32, #tpu.memory_space<hbm>>
    %dma_wait3A_32 = tpu.memref_squeeze %dma_wait3A_31 : memref<1x1x2x128xi32, #tpu.memory_space<hbm>> -> memref<2x128xi32, #tpu.memory_space<hbm>>
    tpu.wait_dma2 semaphore(%arg10 : memref<!tpu.dma_semaphore, #tpu.memory_space<semaphore_mem>>) src(%dma_wait3A_32 : memref<2x128xi32, #tpu.memory_space<hbm>>) dst(%arg6 : memref<2x128xi32, #tpu.memory_space<vmem>>)
    %dma_wait3A_33 = arith.constant 0 : i32
    %dma_wait3A_34 = arith.constant 0 : i32
    %dma_wait3A_35 = arith.constant 0 : i32
    %dma_wait3A_36 = tpu.memref_slice %arg2[%add3A, %dma_wait3A_33, %dma_wait3A_34, %dma_wait3A_35] : memref<32x80x2x128xi32, #tpu.memory_space<hbm>> -> memref<1x1x2x128xi32, #tpu.memory_space<hbm>>
    %dma_wait3A_37 = tpu.memref_squeeze %dma_wait3A_36 : memref<1x1x2x128xi32, #tpu.memory_space<hbm>> -> memref<2x128xi32, #tpu.memory_space<hbm>>
    %dma_wait3A_38 = arith.constant 0 : i32
    %dma_wait3A_39 = arith.constant 0 : i32
    %dma_wait3A_40 = tpu.memref_slice %arg2[%add3A, %dma_wait3A_33, %dma_wait3A_38, %dma_wait3A_39] : memref<32x80x2x128xi32, #tpu.memory_space<hbm>> -> memref<1x1x2x128xi32, #tpu.memory_space<hbm>>
    %dma_wait3A_41 = tpu.memref_squeeze %dma_wait3A_40 : memref<1x1x2x128xi32, #tpu.memory_space<hbm>> -> memref<2x128xi32, #tpu.memory_space<hbm>>
    tpu.wait_dma2 semaphore(%arg11 : memref<!tpu.dma_semaphore, #tpu.memory_space<semaphore_mem>>) src(%dma_wait3A_41 : memref<2x128xi32, #tpu.memory_space<hbm>>) dst(%arg7 : memref<2x128xi32, #tpu.memory_space<vmem>>)
    %barrier3A_42 = arith.constant 0 : index
    tpu.barrier barrier_id(%barrier3A_42)
    %mul3A_43 = arith.constant 640 : i32
    %mul3A_44 = arith.muli %arg1, %mul3A_43 : i32
    %mul3A_45 = arith.constant 10240 : i32
    %mul3A_46 = arith.muli %arg0, %mul3A_45 : i32
    %mul3A_47 = arith.constant 640 : i32
    %mul3A_48 = arith.muli %arg1, %mul3A_47 : i32
    %add3A_49 = arith.addi %mul3A_46, %mul3A_48 : i32
    "tpu.region"() ({
      %run_scoped3A = tpu.sem_alloc : memref<!tpu.dma_semaphore, #tpu.memory_space<semaphore_mem>>
      %dma_start3A_50 = arith.constant 0 : i32
      %dma_start3A_51 = tpu.memref_slice %arg5[%add3A_49, %dma_start3A_50] : memref<20480x128xf32, #tpu.memory_space<hbm>> -> memref<640x128xf32, #tpu.memory_space<hbm>>
      %dma_start3A_52 = arith.constant 0 : i32
      %dma_start3A_53 = tpu.memref_slice %arg9[%mul3A_44, %dma_start3A_52] : memref<10240x128xf32, #tpu.memory_space<vmem_shared>> -> memref<640x128xf32, #tpu.memory_space<vmem_shared>>
      tpu.enqueue_dma source(%dma_start3A_53 : memref<640x128xf32, #tpu.memory_space<vmem_shared>>) target(%dma_start3A_51 : memref<640x128xf32, #tpu.memory_space<hbm>>) target_semaphore(%run_scoped3A : memref<!tpu.dma_semaphore, #tpu.memory_space<semaphore_mem>>)
      %dma_wait3A_54 = arith.constant 0 : i32
      %dma_wait3A_55 = tpu.memref_slice %arg5[%add3A_49, %dma_wait3A_54] : memref<20480x128xf32, #tpu.memory_space<hbm>> -> memref<640x128xf32, #tpu.memory_space<hbm>>
      %dma_wait3A_56 = arith.constant 0 : i32
      %dma_wait3A_57 = tpu.memref_slice %arg9[%mul3A_44, %dma_wait3A_56] : memref<10240x128xf32, #tpu.memory_space<vmem_shared>> -> memref<640x128xf32, #tpu.memory_space<vmem_shared>>
      tpu.wait_dma2 semaphore(%run_scoped3A : memref<!tpu.dma_semaphore, #tpu.memory_space<semaphore_mem>>) src(%dma_wait3A_57 : memref<640x128xf32, #tpu.memory_space<vmem_shared>>) dst(%dma_wait3A_55 : memref<640x128xf32, #tpu.memory_space<hbm>>)
      tpu.yield
    }) : () -> ()
    return
  }
}

#map = affine_map<(d0, d1) -> (0, 0)>
#map1 = affine_map<(d0, d1) -> (0, 0, 0, 0)>
module attributes {stable_mosaic.version = 14 : i64} {
  func.func @_spmm_body(%arg0: i32, %arg1: i32, %arg2: memref<10000x128xf32, #tpu.memory_space<hbm>>, %arg3: memref<32x80x2x128xi32, #tpu.memory_space<hbm>>, %arg4: memref<640x128xf32, #tpu.memory_space<hbm>>, %arg5: memref<20480x128xf32, #tpu.memory_space<hbm>>, %arg6: memref<2x128xi32, #tpu.memory_space<vmem>>, %arg7: memref<2x128xi32, #tpu.memory_space<vmem>>, %arg8: memref<2x128xi32, #tpu.memory_space<vmem>>, %arg9: memref<2x128xi32, #tpu.memory_space<vmem>>, %arg10: memref<128x128xf32, #tpu.memory_space<vmem>>, %arg11: memref<128x128xf32, #tpu.memory_space<vmem>>, %arg12: memref<10240x128xf32, #tpu.memory_space<vmem_shared>>, %arg13: memref<!tpu.dma_semaphore, #tpu.memory_space<semaphore_mem>>, %arg14: memref<!tpu.dma_semaphore, #tpu.memory_space<semaphore_mem>>, %arg15: memref<!tpu.dma_semaphore, #tpu.memory_space<semaphore_mem>>, %arg16: memref<!tpu.dma_semaphore, #tpu.memory_space<semaphore_mem>>, %arg17: memref<!tpu.dma_semaphore, #tpu.memory_space<semaphore_mem>>, %arg18: memref<!tpu.dma_semaphore, #tpu.memory_space<semaphore_mem>>) attributes {dimension_semantics = [#tpu.dimension_semantics<core_parallel>, #tpu.dimension_semantics<subcore_parallel>], iteration_bounds = array<i64: 2, 16>, scalar_prefetch = 0 : i64, scratch_operands = 13 : i64, tpu.core_type = #tpu.core_type<sc_vector_subcore>, window_params = [{transform_indices = #map}, {transform_indices = #map1}, {transform_indices = #map}, {transform_indices = #map}]} {
    %mul3A = arith.constant 2 : i32
    %mul3A_0 = arith.muli %arg1, %mul3A : i32
    %add3A = arith.addi %mul3A_0, %arg0 : i32
    %mul3A_1 = arith.constant 640 : i32
    %mul3A_2 = arith.muli %arg1, %mul3A_1 : i32
    "tpu.region"() ({
      %run_scoped3A = tpu.sem_alloc : memref<!tpu.dma_semaphore, #tpu.memory_space<semaphore_mem>>
      %dma_start3A_100 = arith.constant 0 : i32
      %dma_start3A_101 = tpu.memref_slice %arg12[%mul3A_2, %dma_start3A_100] : memref<10240x128xf32, #tpu.memory_space<vmem_shared>> -> memref<640x128xf32, #tpu.memory_space<vmem_shared>>
      tpu.enqueue_dma source(%arg4 : memref<640x128xf32, #tpu.memory_space<hbm>>) target(%dma_start3A_101 : memref<640x128xf32, #tpu.memory_space<vmem_shared>>) target_semaphore(%run_scoped3A : memref<!tpu.dma_semaphore, #tpu.memory_space<semaphore_mem>>)
      %dma_wait3A_102 = arith.constant 0 : i32
      %dma_wait3A_103 = tpu.memref_slice %arg12[%mul3A_2, %dma_wait3A_102] : memref<10240x128xf32, #tpu.memory_space<vmem_shared>> -> memref<640x128xf32, #tpu.memory_space<vmem_shared>>
      tpu.wait_dma2 semaphore(%run_scoped3A : memref<!tpu.dma_semaphore, #tpu.memory_space<semaphore_mem>>) src(%arg4 : memref<640x128xf32, #tpu.memory_space<hbm>>) dst(%dma_wait3A_103 : memref<640x128xf32, #tpu.memory_space<vmem_shared>>)
      tpu.yield
    }) : () -> ()
    %dma_start3A = arith.constant 0 : i32
    %dma_start3A_3 = arith.constant 0 : i32
    %dma_start3A_4 = arith.constant 0 : i32
    %dma_start3A_5 = tpu.memref_slice %arg3[%add3A, %dma_start3A, %dma_start3A_3, %dma_start3A_4] : memref<32x80x2x128xi32, #tpu.memory_space<hbm>> -> memref<1x1x2x128xi32, #tpu.memory_space<hbm>>
    %dma_start3A_6 = tpu.memref_squeeze %dma_start3A_5 : memref<1x1x2x128xi32, #tpu.memory_space<hbm>> -> memref<2x128xi32, #tpu.memory_space<hbm>>
    %dma_start3A_7 = arith.constant 0 : i32
    %dma_start3A_8 = arith.constant 0 : i32
    %dma_start3A_9 = tpu.memref_slice %arg3[%add3A, %dma_start3A, %dma_start3A_7, %dma_start3A_8] : memref<32x80x2x128xi32, #tpu.memory_space<hbm>> -> memref<1x1x2x128xi32, #tpu.memory_space<hbm>>
    %dma_start3A_10 = tpu.memref_squeeze %dma_start3A_9 : memref<1x1x2x128xi32, #tpu.memory_space<hbm>> -> memref<2x128xi32, #tpu.memory_space<hbm>>
    tpu.enqueue_dma source(%dma_start3A_10 : memref<2x128xi32, #tpu.memory_space<hbm>>) target(%arg6 : memref<2x128xi32, #tpu.memory_space<vmem>>) target_semaphore(%arg13 : memref<!tpu.dma_semaphore, #tpu.memory_space<semaphore_mem>>)
    %dma_start3A_11 = arith.constant 1 : i32
    %dma_start3A_12 = arith.constant 0 : i32
    %dma_start3A_13 = arith.constant 0 : i32
    %dma_start3A_14 = tpu.memref_slice %arg3[%add3A, %dma_start3A_11, %dma_start3A_12, %dma_start3A_13] : memref<32x80x2x128xi32, #tpu.memory_space<hbm>> -> memref<1x1x2x128xi32, #tpu.memory_space<hbm>>
    %dma_start3A_15 = tpu.memref_squeeze %dma_start3A_14 : memref<1x1x2x128xi32, #tpu.memory_space<hbm>> -> memref<2x128xi32, #tpu.memory_space<hbm>>
    %dma_start3A_16 = arith.constant 0 : i32
    %dma_start3A_17 = arith.constant 0 : i32
    %dma_start3A_18 = tpu.memref_slice %arg3[%add3A, %dma_start3A_11, %dma_start3A_16, %dma_start3A_17] : memref<32x80x2x128xi32, #tpu.memory_space<hbm>> -> memref<1x1x2x128xi32, #tpu.memory_space<hbm>>
    %dma_start3A_19 = tpu.memref_squeeze %dma_start3A_18 : memref<1x1x2x128xi32, #tpu.memory_space<hbm>> -> memref<2x128xi32, #tpu.memory_space<hbm>>
    tpu.enqueue_dma source(%dma_start3A_19 : memref<2x128xi32, #tpu.memory_space<hbm>>) target(%arg7 : memref<2x128xi32, #tpu.memory_space<vmem>>) target_semaphore(%arg14 : memref<!tpu.dma_semaphore, #tpu.memory_space<semaphore_mem>>)
    %dma_start3A_20 = arith.constant 2 : i32
    %dma_start3A_21 = arith.constant 0 : i32
    %dma_start3A_22 = arith.constant 0 : i32
    %dma_start3A_23 = tpu.memref_slice %arg3[%add3A, %dma_start3A_20, %dma_start3A_21, %dma_start3A_22] : memref<32x80x2x128xi32, #tpu.memory_space<hbm>> -> memref<1x1x2x128xi32, #tpu.memory_space<hbm>>
    %dma_start3A_24 = tpu.memref_squeeze %dma_start3A_23 : memref<1x1x2x128xi32, #tpu.memory_space<hbm>> -> memref<2x128xi32, #tpu.memory_space<hbm>>
    %dma_start3A_25 = arith.constant 0 : i32
    %dma_start3A_26 = arith.constant 0 : i32
    %dma_start3A_27 = tpu.memref_slice %arg3[%add3A, %dma_start3A_20, %dma_start3A_25, %dma_start3A_26] : memref<32x80x2x128xi32, #tpu.memory_space<hbm>> -> memref<1x1x2x128xi32, #tpu.memory_space<hbm>>
    %dma_start3A_28 = tpu.memref_squeeze %dma_start3A_27 : memref<1x1x2x128xi32, #tpu.memory_space<hbm>> -> memref<2x128xi32, #tpu.memory_space<hbm>>
    tpu.enqueue_dma source(%dma_start3A_28 : memref<2x128xi32, #tpu.memory_space<hbm>>) target(%arg8 : memref<2x128xi32, #tpu.memory_space<vmem>>) target_semaphore(%arg15 : memref<!tpu.dma_semaphore, #tpu.memory_space<semaphore_mem>>)
    %dma_start3A_29 = arith.constant 3 : i32
    %dma_start3A_30 = arith.constant 0 : i32
    %dma_start3A_31 = arith.constant 0 : i32
    %dma_start3A_32 = tpu.memref_slice %arg3[%add3A, %dma_start3A_29, %dma_start3A_30, %dma_start3A_31] : memref<32x80x2x128xi32, #tpu.memory_space<hbm>> -> memref<1x1x2x128xi32, #tpu.memory_space<hbm>>
    %dma_start3A_33 = tpu.memref_squeeze %dma_start3A_32 : memref<1x1x2x128xi32, #tpu.memory_space<hbm>> -> memref<2x128xi32, #tpu.memory_space<hbm>>
    %dma_start3A_34 = arith.constant 0 : i32
    %dma_start3A_35 = arith.constant 0 : i32
    %dma_start3A_36 = tpu.memref_slice %arg3[%add3A, %dma_start3A_29, %dma_start3A_34, %dma_start3A_35] : memref<32x80x2x128xi32, #tpu.memory_space<hbm>> -> memref<1x1x2x128xi32, #tpu.memory_space<hbm>>
    %dma_start3A_37 = tpu.memref_squeeze %dma_start3A_36 : memref<1x1x2x128xi32, #tpu.memory_space<hbm>> -> memref<2x128xi32, #tpu.memory_space<hbm>>
    tpu.enqueue_dma source(%dma_start3A_37 : memref<2x128xi32, #tpu.memory_space<hbm>>) target(%arg9 : memref<2x128xi32, #tpu.memory_space<vmem>>) target_semaphore(%arg16 : memref<!tpu.dma_semaphore, #tpu.memory_space<semaphore_mem>>)
    %barrier3A = arith.constant 0 : index
    tpu.barrier barrier_id(%barrier3A)
    %dma_wait3A = arith.constant 0 : i32
    %dma_wait3A_38 = arith.constant 0 : i32
    %dma_wait3A_39 = arith.constant 0 : i32
    %dma_wait3A_40 = tpu.memref_slice %arg3[%add3A, %dma_wait3A, %dma_wait3A_38, %dma_wait3A_39] : memref<32x80x2x128xi32, #tpu.memory_space<hbm>> -> memref<1x1x2x128xi32, #tpu.memory_space<hbm>>
    %dma_wait3A_41 = tpu.memref_squeeze %dma_wait3A_40 : memref<1x1x2x128xi32, #tpu.memory_space<hbm>> -> memref<2x128xi32, #tpu.memory_space<hbm>>
    %dma_wait3A_42 = arith.constant 0 : i32
    %dma_wait3A_43 = arith.constant 0 : i32
    %dma_wait3A_44 = tpu.memref_slice %arg3[%add3A, %dma_wait3A, %dma_wait3A_42, %dma_wait3A_43] : memref<32x80x2x128xi32, #tpu.memory_space<hbm>> -> memref<1x1x2x128xi32, #tpu.memory_space<hbm>>
    %dma_wait3A_45 = tpu.memref_squeeze %dma_wait3A_44 : memref<1x1x2x128xi32, #tpu.memory_space<hbm>> -> memref<2x128xi32, #tpu.memory_space<hbm>>
    tpu.wait_dma2 semaphore(%arg13 : memref<!tpu.dma_semaphore, #tpu.memory_space<semaphore_mem>>) src(%dma_wait3A_45 : memref<2x128xi32, #tpu.memory_space<hbm>>) dst(%arg6 : memref<2x128xi32, #tpu.memory_space<vmem>>)
    %dma_start3A_46 = arith.constant 1 : i32
    %dma_start3A_47 = arith.constant 0 : i32
    %dma_start3A_48 = tpu.memref_slice %arg6[%dma_start3A_46, %dma_start3A_47] : memref<2x128xi32, #tpu.memory_space<vmem>> -> memref<1x128xi32, #tpu.memory_space<vmem>>
    %dma_start3A_49 = tpu.memref_squeeze %dma_start3A_48 : memref<1x128xi32, #tpu.memory_space<vmem>> -> memref<128xi32, #tpu.memory_space<vmem>>
    %dma_start3A_50 = arith.constant 0 : i32
    %dma_start3A_51 = arith.constant 0 : i32
    %dma_start3A_52 = tpu.memref_slice %arg2[%dma_start3A_50, %dma_start3A_51] : memref<10000x128xf32, #tpu.memory_space<hbm>> -> memref<10000x128xf32, #tpu.memory_space<hbm>>
    tpu.enqueue_indirect_dma source(%dma_start3A_52 : memref<10000x128xf32, #tpu.memory_space<hbm>>) target(%arg10 : memref<128x128xf32, #tpu.memory_space<vmem>>) offsets(%dma_start3A_49 : memref<128xi32, #tpu.memory_space<vmem>>) semaphore(%arg17 : memref<!tpu.dma_semaphore, #tpu.memory_space<semaphore_mem>>)
    %dma_wait3A_53 = arith.constant 1 : i32
    %dma_wait3A_54 = arith.constant 0 : i32
    %dma_wait3A_55 = arith.constant 0 : i32
    %dma_wait3A_56 = tpu.memref_slice %arg3[%add3A, %dma_wait3A_53, %dma_wait3A_54, %dma_wait3A_55] : memref<32x80x2x128xi32, #tpu.memory_space<hbm>> -> memref<1x1x2x128xi32, #tpu.memory_space<hbm>>
    %dma_wait3A_57 = tpu.memref_squeeze %dma_wait3A_56 : memref<1x1x2x128xi32, #tpu.memory_space<hbm>> -> memref<2x128xi32, #tpu.memory_space<hbm>>
    %dma_wait3A_58 = arith.constant 0 : i32
    %dma_wait3A_59 = arith.constant 0 : i32
    %dma_wait3A_60 = tpu.memref_slice %arg3[%add3A, %dma_wait3A_53, %dma_wait3A_58, %dma_wait3A_59] : memref<32x80x2x128xi32, #tpu.memory_space<hbm>> -> memref<1x1x2x128xi32, #tpu.memory_space<hbm>>
    %dma_wait3A_61 = tpu.memref_squeeze %dma_wait3A_60 : memref<1x1x2x128xi32, #tpu.memory_space<hbm>> -> memref<2x128xi32, #tpu.memory_space<hbm>>
    tpu.wait_dma2 semaphore(%arg14 : memref<!tpu.dma_semaphore, #tpu.memory_space<semaphore_mem>>) src(%dma_wait3A_61 : memref<2x128xi32, #tpu.memory_space<hbm>>) dst(%arg7 : memref<2x128xi32, #tpu.memory_space<vmem>>)
    %scan3A = arith.constant 0 : i32
    %scan3A_62 = arith.constant 0 : i32
    %scan3A_63 = arith.constant 20 : i32
    %scan3A_64 = arith.addi %scan3A_62, %scan3A_63 : i32
    %scan3A_65 = arith.constant 1 : i32
    scf.for %scan3A_100 = %scan3A_62 to %scan3A_64 step %scan3A_65  : i32 {
      %mul3A_101 = arith.constant 4 : i32
      %mul3A_102 = arith.muli %mul3A_101, %scan3A_100 : i32
      %dma_start3A_103 = arith.constant 1 : i32
      %dma_start3A_104 = arith.constant 0 : i32
      %dma_start3A_105 = tpu.memref_slice %arg7[%dma_start3A_103, %dma_start3A_104] : memref<2x128xi32, #tpu.memory_space<vmem>> -> memref<1x128xi32, #tpu.memory_space<vmem>>
      %dma_start3A_106 = tpu.memref_squeeze %dma_start3A_105 : memref<1x128xi32, #tpu.memory_space<vmem>> -> memref<128xi32, #tpu.memory_space<vmem>>
      %dma_start3A_107 = arith.constant 0 : i32
      %dma_start3A_108 = arith.constant 0 : i32
      %dma_start3A_109 = tpu.memref_slice %arg2[%dma_start3A_107, %dma_start3A_108] : memref<10000x128xf32, #tpu.memory_space<hbm>> -> memref<10000x128xf32, #tpu.memory_space<hbm>>
      tpu.enqueue_indirect_dma source(%dma_start3A_109 : memref<10000x128xf32, #tpu.memory_space<hbm>>) target(%arg11 : memref<128x128xf32, #tpu.memory_space<vmem>>) offsets(%dma_start3A_106 : memref<128xi32, #tpu.memory_space<vmem>>) semaphore(%arg18 : memref<!tpu.dma_semaphore, #tpu.memory_space<semaphore_mem>>)
      %dma_wait3A_110 = arith.constant 1 : i32
      %dma_wait3A_111 = arith.constant 0 : i32
      %dma_wait3A_112 = tpu.memref_slice %arg6[%dma_wait3A_110, %dma_wait3A_111] : memref<2x128xi32, #tpu.memory_space<vmem>> -> memref<1x128xi32, #tpu.memory_space<vmem>>
      %dma_wait3A_113 = tpu.memref_squeeze %dma_wait3A_112 : memref<1x128xi32, #tpu.memory_space<vmem>> -> memref<128xi32, #tpu.memory_space<vmem>>
      %dma_wait3A_114 = arith.constant 0 : i32
      %dma_wait3A_115 = arith.constant 0 : i32
      %dma_wait3A_116 = tpu.memref_slice %arg2[%dma_wait3A_114, %dma_wait3A_115] : memref<10000x128xf32, #tpu.memory_space<hbm>> -> memref<10000x128xf32, #tpu.memory_space<hbm>>
      tpu.wait_indirect_dma semaphore(%arg17 : memref<!tpu.dma_semaphore, #tpu.memory_space<semaphore_mem>>) src(%dma_wait3A_116 : memref<10000x128xf32, #tpu.memory_space<hbm>>) dst(%arg10 : memref<128x128xf32, #tpu.memory_space<vmem>>)
      %run_scoped3A = arith.constant 0 : i32
      "tpu.region"() ({
        %run_scoped3A_245 = tpu.sem_alloc : memref<!tpu.dma_semaphore, #tpu.memory_space<semaphore_mem>>
        %dma_start3A_246 = arith.constant 0 : i32
        %dma_start3A_247 = tpu.memref_slice %arg6[%run_scoped3A, %dma_start3A_246] : memref<2x128xi32, #tpu.memory_space<vmem>> -> memref<1x128xi32, #tpu.memory_space<vmem>>
        %dma_start3A_248 = tpu.memref_squeeze %dma_start3A_247 : memref<1x128xi32, #tpu.memory_space<vmem>> -> memref<128xi32, #tpu.memory_space<vmem>>
        %dma_start3A_249 = arith.constant 0 : i32
        %dma_start3A_250 = arith.constant 0 : i32
        %dma_start3A_251 = tpu.memref_slice %arg12[%dma_start3A_249, %dma_start3A_250] : memref<10240x128xf32, #tpu.memory_space<vmem_shared>> -> memref<10240x128xf32, #tpu.memory_space<vmem_shared>>
        tpu.enqueue_indirect_dma source(%arg10 : memref<128x128xf32, #tpu.memory_space<vmem>>) target(%dma_start3A_251 : memref<10240x128xf32, #tpu.memory_space<vmem_shared>>) offsets(%dma_start3A_248 : memref<128xi32, #tpu.memory_space<vmem>>) semaphore(%run_scoped3A_245 : memref<!tpu.dma_semaphore, #tpu.memory_space<semaphore_mem>>) {add = true}
        %dma_wait3A_252 = arith.constant 0 : i32
        %dma_wait3A_253 = tpu.memref_slice %arg6[%run_scoped3A, %dma_wait3A_252] : memref<2x128xi32, #tpu.memory_space<vmem>> -> memref<1x128xi32, #tpu.memory_space<vmem>>
        %dma_wait3A_254 = tpu.memref_squeeze %dma_wait3A_253 : memref<1x128xi32, #tpu.memory_space<vmem>> -> memref<128xi32, #tpu.memory_space<vmem>>
        %dma_wait3A_255 = arith.constant 0 : i32
        %dma_wait3A_256 = arith.constant 0 : i32
        %dma_wait3A_257 = tpu.memref_slice %arg12[%dma_wait3A_255, %dma_wait3A_256] : memref<10240x128xf32, #tpu.memory_space<vmem_shared>> -> memref<10240x128xf32, #tpu.memory_space<vmem_shared>>
        tpu.wait_indirect_dma semaphore(%run_scoped3A_245 : memref<!tpu.dma_semaphore, #tpu.memory_space<semaphore_mem>>) src(%arg10 : memref<128x128xf32, #tpu.memory_space<vmem>>) dst(%dma_wait3A_257 : memref<10240x128xf32, #tpu.memory_space<vmem_shared>>)
        tpu.yield
      }) : () -> ()
      %add3A_117 = arith.constant 4 : i32
      %add3A_118 = arith.addi %mul3A_102, %add3A_117 : i32
      %min3A = arith.constant 79 : i32
      %min3A_119 = arith.minsi %add3A_118, %min3A : i32
      %dma_start3A_120 = arith.constant 0 : i32
      %dma_start3A_121 = arith.constant 0 : i32
      %dma_start3A_122 = tpu.memref_slice %arg3[%add3A, %min3A_119, %dma_start3A_120, %dma_start3A_121] : memref<32x80x2x128xi32, #tpu.memory_space<hbm>> -> memref<1x1x2x128xi32, #tpu.memory_space<hbm>>
      %dma_start3A_123 = tpu.memref_squeeze %dma_start3A_122 : memref<1x1x2x128xi32, #tpu.memory_space<hbm>> -> memref<2x128xi32, #tpu.memory_space<hbm>>
      %dma_start3A_124 = arith.constant 0 : i32
      %dma_start3A_125 = arith.constant 0 : i32
      %dma_start3A_126 = tpu.memref_slice %arg3[%add3A, %min3A_119, %dma_start3A_124, %dma_start3A_125] : memref<32x80x2x128xi32, #tpu.memory_space<hbm>> -> memref<1x1x2x128xi32, #tpu.memory_space<hbm>>
      %dma_start3A_127 = tpu.memref_squeeze %dma_start3A_126 : memref<1x1x2x128xi32, #tpu.memory_space<hbm>> -> memref<2x128xi32, #tpu.memory_space<hbm>>
      tpu.enqueue_dma source(%dma_start3A_127 : memref<2x128xi32, #tpu.memory_space<hbm>>) target(%arg6 : memref<2x128xi32, #tpu.memory_space<vmem>>) target_semaphore(%arg13 : memref<!tpu.dma_semaphore, #tpu.memory_space<semaphore_mem>>)
      %dma_wait3A_128 = arith.constant 0 : i32
      %dma_wait3A_129 = arith.constant 0 : i32
      %dma_wait3A_130 = arith.constant 0 : i32
      %dma_wait3A_131 = tpu.memref_slice %arg3[%add3A, %dma_wait3A_128, %dma_wait3A_129, %dma_wait3A_130] : memref<32x80x2x128xi32, #tpu.memory_space<hbm>> -> memref<1x1x2x128xi32, #tpu.memory_space<hbm>>
      %dma_wait3A_132 = tpu.memref_squeeze %dma_wait3A_131 : memref<1x1x2x128xi32, #tpu.memory_space<hbm>> -> memref<2x128xi32, #tpu.memory_space<hbm>>
      %dma_wait3A_133 = arith.constant 0 : i32
      %dma_wait3A_134 = arith.constant 0 : i32
      %dma_wait3A_135 = tpu.memref_slice %arg3[%add3A, %dma_wait3A_128, %dma_wait3A_133, %dma_wait3A_134] : memref<32x80x2x128xi32, #tpu.memory_space<hbm>> -> memref<1x1x2x128xi32, #tpu.memory_space<hbm>>
      %dma_wait3A_136 = tpu.memref_squeeze %dma_wait3A_135 : memref<1x1x2x128xi32, #tpu.memory_space<hbm>> -> memref<2x128xi32, #tpu.memory_space<hbm>>
      tpu.wait_dma2 semaphore(%arg15 : memref<!tpu.dma_semaphore, #tpu.memory_space<semaphore_mem>>) src(%dma_wait3A_136 : memref<2x128xi32, #tpu.memory_space<hbm>>) dst(%arg8 : memref<2x128xi32, #tpu.memory_space<vmem>>)
      %dma_start3A_137 = arith.constant 1 : i32
      %dma_start3A_138 = arith.constant 0 : i32
      %dma_start3A_139 = tpu.memref_slice %arg8[%dma_start3A_137, %dma_start3A_138] : memref<2x128xi32, #tpu.memory_space<vmem>> -> memref<1x128xi32, #tpu.memory_space<vmem>>
      %dma_start3A_140 = tpu.memref_squeeze %dma_start3A_139 : memref<1x128xi32, #tpu.memory_space<vmem>> -> memref<128xi32, #tpu.memory_space<vmem>>
      %dma_start3A_141 = arith.constant 0 : i32
      %dma_start3A_142 = arith.constant 0 : i32
      %dma_start3A_143 = tpu.memref_slice %arg2[%dma_start3A_141, %dma_start3A_142] : memref<10000x128xf32, #tpu.memory_space<hbm>> -> memref<10000x128xf32, #tpu.memory_space<hbm>>
      tpu.enqueue_indirect_dma source(%dma_start3A_143 : memref<10000x128xf32, #tpu.memory_space<hbm>>) target(%arg10 : memref<128x128xf32, #tpu.memory_space<vmem>>) offsets(%dma_start3A_140 : memref<128xi32, #tpu.memory_space<vmem>>) semaphore(%arg17 : memref<!tpu.dma_semaphore, #tpu.memory_space<semaphore_mem>>)
      %dma_wait3A_144 = arith.constant 1 : i32
      %dma_wait3A_145 = arith.constant 0 : i32
      %dma_wait3A_146 = tpu.memref_slice %arg7[%dma_wait3A_144, %dma_wait3A_145] : memref<2x128xi32, #tpu.memory_space<vmem>> -> memref<1x128xi32, #tpu.memory_space<vmem>>
      %dma_wait3A_147 = tpu.memref_squeeze %dma_wait3A_146 : memref<1x128xi32, #tpu.memory_space<vmem>> -> memref<128xi32, #tpu.memory_space<vmem>>
      %dma_wait3A_148 = arith.constant 0 : i32
      %dma_wait3A_149 = arith.constant 0 : i32
      %dma_wait3A_150 = tpu.memref_slice %arg2[%dma_wait3A_148, %dma_wait3A_149] : memref<10000x128xf32, #tpu.memory_space<hbm>> -> memref<10000x128xf32, #tpu.memory_space<hbm>>
      tpu.wait_indirect_dma semaphore(%arg18 : memref<!tpu.dma_semaphore, #tpu.memory_space<semaphore_mem>>) src(%dma_wait3A_150 : memref<10000x128xf32, #tpu.memory_space<hbm>>) dst(%arg11 : memref<128x128xf32, #tpu.memory_space<vmem>>)
      %run_scoped3A_151 = arith.constant 0 : i32
      "tpu.region"() ({
        %run_scoped3A_245 = tpu.sem_alloc : memref<!tpu.dma_semaphore, #tpu.memory_space<semaphore_mem>>
        %dma_start3A_246 = arith.constant 0 : i32
        %dma_start3A_247 = tpu.memref_slice %arg7[%run_scoped3A_151, %dma_start3A_246] : memref<2x128xi32, #tpu.memory_space<vmem>> -> memref<1x128xi32, #tpu.memory_space<vmem>>
        %dma_start3A_248 = tpu.memref_squeeze %dma_start3A_247 : memref<1x128xi32, #tpu.memory_space<vmem>> -> memref<128xi32, #tpu.memory_space<vmem>>
        %dma_start3A_249 = arith.constant 0 : i32
        %dma_start3A_250 = arith.constant 0 : i32
        %dma_start3A_251 = tpu.memref_slice %arg12[%dma_start3A_249, %dma_start3A_250] : memref<10240x128xf32, #tpu.memory_space<vmem_shared>> -> memref<10240x128xf32, #tpu.memory_space<vmem_shared>>
        tpu.enqueue_indirect_dma source(%arg11 : memref<128x128xf32, #tpu.memory_space<vmem>>) target(%dma_start3A_251 : memref<10240x128xf32, #tpu.memory_space<vmem_shared>>) offsets(%dma_start3A_248 : memref<128xi32, #tpu.memory_space<vmem>>) semaphore(%run_scoped3A_245 : memref<!tpu.dma_semaphore, #tpu.memory_space<semaphore_mem>>) {add = true}
        %dma_wait3A_252 = arith.constant 0 : i32
        %dma_wait3A_253 = tpu.memref_slice %arg7[%run_scoped3A_151, %dma_wait3A_252] : memref<2x128xi32, #tpu.memory_space<vmem>> -> memref<1x128xi32, #tpu.memory_space<vmem>>
        %dma_wait3A_254 = tpu.memref_squeeze %dma_wait3A_253 : memref<1x128xi32, #tpu.memory_space<vmem>> -> memref<128xi32, #tpu.memory_space<vmem>>
        %dma_wait3A_255 = arith.constant 0 : i32
        %dma_wait3A_256 = arith.constant 0 : i32
        %dma_wait3A_257 = tpu.memref_slice %arg12[%dma_wait3A_255, %dma_wait3A_256] : memref<10240x128xf32, #tpu.memory_space<vmem_shared>> -> memref<10240x128xf32, #tpu.memory_space<vmem_shared>>
        tpu.wait_indirect_dma semaphore(%run_scoped3A_245 : memref<!tpu.dma_semaphore, #tpu.memory_space<semaphore_mem>>) src(%arg11 : memref<128x128xf32, #tpu.memory_space<vmem>>) dst(%dma_wait3A_257 : memref<10240x128xf32, #tpu.memory_space<vmem_shared>>)
        tpu.yield
      }) : () -> ()
      %add3A_152 = arith.constant 5 : i32
      %add3A_153 = arith.addi %mul3A_102, %add3A_152 : i32
      %min3A_154 = arith.constant 79 : i32
      %min3A_155 = arith.minsi %add3A_153, %min3A_154 : i32
      %dma_start3A_156 = arith.constant 0 : i32
      %dma_start3A_157 = arith.constant 0 : i32
      %dma_start3A_158 = tpu.memref_slice %arg3[%add3A, %min3A_155, %dma_start3A_156, %dma_start3A_157] : memref<32x80x2x128xi32, #tpu.memory_space<hbm>> -> memref<1x1x2x128xi32, #tpu.memory_space<hbm>>
      %dma_start3A_159 = tpu.memref_squeeze %dma_start3A_158 : memref<1x1x2x128xi32, #tpu.memory_space<hbm>> -> memref<2x128xi32, #tpu.memory_space<hbm>>
      %dma_start3A_160 = arith.constant 0 : i32
      %dma_start3A_161 = arith.constant 0 : i32
      %dma_start3A_162 = tpu.memref_slice %arg3[%add3A, %min3A_155, %dma_start3A_160, %dma_start3A_161] : memref<32x80x2x128xi32, #tpu.memory_space<hbm>> -> memref<1x1x2x128xi32, #tpu.memory_space<hbm>>
      %dma_start3A_163 = tpu.memref_squeeze %dma_start3A_162 : memref<1x1x2x128xi32, #tpu.memory_space<hbm>> -> memref<2x128xi32, #tpu.memory_space<hbm>>
      tpu.enqueue_dma source(%dma_start3A_163 : memref<2x128xi32, #tpu.memory_space<hbm>>) target(%arg7 : memref<2x128xi32, #tpu.memory_space<vmem>>) target_semaphore(%arg14 : memref<!tpu.dma_semaphore, #tpu.memory_space<semaphore_mem>>)
      %dma_wait3A_164 = arith.constant 0 : i32
      %dma_wait3A_165 = arith.constant 0 : i32
      %dma_wait3A_166 = arith.constant 0 : i32
      %dma_wait3A_167 = tpu.memref_slice %arg3[%add3A, %dma_wait3A_164, %dma_wait3A_165, %dma_wait3A_166] : memref<32x80x2x128xi32, #tpu.memory_space<hbm>> -> memref<1x1x2x128xi32, #tpu.memory_space<hbm>>
      %dma_wait3A_168 = tpu.memref_squeeze %dma_wait3A_167 : memref<1x1x2x128xi32, #tpu.memory_space<hbm>> -> memref<2x128xi32, #tpu.memory_space<hbm>>
      %dma_wait3A_169 = arith.constant 0 : i32
      %dma_wait3A_170 = arith.constant 0 : i32
      %dma_wait3A_171 = tpu.memref_slice %arg3[%add3A, %dma_wait3A_164, %dma_wait3A_169, %dma_wait3A_170] : memref<32x80x2x128xi32, #tpu.memory_space<hbm>> -> memref<1x1x2x128xi32, #tpu.memory_space<hbm>>
      %dma_wait3A_172 = tpu.memref_squeeze %dma_wait3A_171 : memref<1x1x2x128xi32, #tpu.memory_space<hbm>> -> memref<2x128xi32, #tpu.memory_space<hbm>>
      tpu.wait_dma2 semaphore(%arg16 : memref<!tpu.dma_semaphore, #tpu.memory_space<semaphore_mem>>) src(%dma_wait3A_172 : memref<2x128xi32, #tpu.memory_space<hbm>>) dst(%arg9 : memref<2x128xi32, #tpu.memory_space<vmem>>)
      %dma_start3A_173 = arith.constant 1 : i32
      %dma_start3A_174 = arith.constant 0 : i32
      %dma_start3A_175 = tpu.memref_slice %arg9[%dma_start3A_173, %dma_start3A_174] : memref<2x128xi32, #tpu.memory_space<vmem>> -> memref<1x128xi32, #tpu.memory_space<vmem>>
      %dma_start3A_176 = tpu.memref_squeeze %dma_start3A_175 : memref<1x128xi32, #tpu.memory_space<vmem>> -> memref<128xi32, #tpu.memory_space<vmem>>
      %dma_start3A_177 = arith.constant 0 : i32
      %dma_start3A_178 = arith.constant 0 : i32
      %dma_start3A_179 = tpu.memref_slice %arg2[%dma_start3A_177, %dma_start3A_178] : memref<10000x128xf32, #tpu.memory_space<hbm>> -> memref<10000x128xf32, #tpu.memory_space<hbm>>
      tpu.enqueue_indirect_dma source(%dma_start3A_179 : memref<10000x128xf32, #tpu.memory_space<hbm>>) target(%arg11 : memref<128x128xf32, #tpu.memory_space<vmem>>) offsets(%dma_start3A_176 : memref<128xi32, #tpu.memory_space<vmem>>) semaphore(%arg18 : memref<!tpu.dma_semaphore, #tpu.memory_space<semaphore_mem>>)
      %dma_wait3A_180 = arith.constant 1 : i32
      %dma_wait3A_181 = arith.constant 0 : i32
      %dma_wait3A_182 = tpu.memref_slice %arg8[%dma_wait3A_180, %dma_wait3A_181] : memref<2x128xi32, #tpu.memory_space<vmem>> -> memref<1x128xi32, #tpu.memory_space<vmem>>
      %dma_wait3A_183 = tpu.memref_squeeze %dma_wait3A_182 : memref<1x128xi32, #tpu.memory_space<vmem>> -> memref<128xi32, #tpu.memory_space<vmem>>
      %dma_wait3A_184 = arith.constant 0 : i32
      %dma_wait3A_185 = arith.constant 0 : i32
      %dma_wait3A_186 = tpu.memref_slice %arg2[%dma_wait3A_184, %dma_wait3A_185] : memref<10000x128xf32, #tpu.memory_space<hbm>> -> memref<10000x128xf32, #tpu.memory_space<hbm>>
      tpu.wait_indirect_dma semaphore(%arg17 : memref<!tpu.dma_semaphore, #tpu.memory_space<semaphore_mem>>) src(%dma_wait3A_186 : memref<10000x128xf32, #tpu.memory_space<hbm>>) dst(%arg10 : memref<128x128xf32, #tpu.memory_space<vmem>>)
      %run_scoped3A_187 = arith.constant 0 : i32
      "tpu.region"() ({
        %run_scoped3A_245 = tpu.sem_alloc : memref<!tpu.dma_semaphore, #tpu.memory_space<semaphore_mem>>
        %dma_start3A_246 = arith.constant 0 : i32
        %dma_start3A_247 = tpu.memref_slice %arg8[%run_scoped3A_187, %dma_start3A_246] : memref<2x128xi32, #tpu.memory_space<vmem>> -> memref<1x128xi32, #tpu.memory_space<vmem>>
        %dma_start3A_248 = tpu.memref_squeeze %dma_start3A_247 : memref<1x128xi32, #tpu.memory_space<vmem>> -> memref<128xi32, #tpu.memory_space<vmem>>
        %dma_start3A_249 = arith.constant 0 : i32
        %dma_start3A_250 = arith.constant 0 : i32
        %dma_start3A_251 = tpu.memref_slice %arg12[%dma_start3A_249, %dma_start3A_250] : memref<10240x128xf32, #tpu.memory_space<vmem_shared>> -> memref<10240x128xf32, #tpu.memory_space<vmem_shared>>
        tpu.enqueue_indirect_dma source(%arg10 : memref<128x128xf32, #tpu.memory_space<vmem>>) target(%dma_start3A_251 : memref<10240x128xf32, #tpu.memory_space<vmem_shared>>) offsets(%dma_start3A_248 : memref<128xi32, #tpu.memory_space<vmem>>) semaphore(%run_scoped3A_245 : memref<!tpu.dma_semaphore, #tpu.memory_space<semaphore_mem>>) {add = true}
        %dma_wait3A_252 = arith.constant 0 : i32
        %dma_wait3A_253 = tpu.memref_slice %arg8[%run_scoped3A_187, %dma_wait3A_252] : memref<2x128xi32, #tpu.memory_space<vmem>> -> memref<1x128xi32, #tpu.memory_space<vmem>>
        %dma_wait3A_254 = tpu.memref_squeeze %dma_wait3A_253 : memref<1x128xi32, #tpu.memory_space<vmem>> -> memref<128xi32, #tpu.memory_space<vmem>>
        %dma_wait3A_255 = arith.constant 0 : i32
        %dma_wait3A_256 = arith.constant 0 : i32
        %dma_wait3A_257 = tpu.memref_slice %arg12[%dma_wait3A_255, %dma_wait3A_256] : memref<10240x128xf32, #tpu.memory_space<vmem_shared>> -> memref<10240x128xf32, #tpu.memory_space<vmem_shared>>
        tpu.wait_indirect_dma semaphore(%run_scoped3A_245 : memref<!tpu.dma_semaphore, #tpu.memory_space<semaphore_mem>>) src(%arg10 : memref<128x128xf32, #tpu.memory_space<vmem>>) dst(%dma_wait3A_257 : memref<10240x128xf32, #tpu.memory_space<vmem_shared>>)
        tpu.yield
      }) : () -> ()
      %add3A_188 = arith.constant 6 : i32
      %add3A_189 = arith.addi %mul3A_102, %add3A_188 : i32
      %min3A_190 = arith.constant 79 : i32
      %min3A_191 = arith.minsi %add3A_189, %min3A_190 : i32
      %dma_start3A_192 = arith.constant 0 : i32
      %dma_start3A_193 = arith.constant 0 : i32
      %dma_start3A_194 = tpu.memref_slice %arg3[%add3A, %min3A_191, %dma_start3A_192, %dma_start3A_193] : memref<32x80x2x128xi32, #tpu.memory_space<hbm>> -> memref<1x1x2x128xi32, #tpu.memory_space<hbm>>
      %dma_start3A_195 = tpu.memref_squeeze %dma_start3A_194 : memref<1x1x2x128xi32, #tpu.memory_space<hbm>> -> memref<2x128xi32, #tpu.memory_space<hbm>>
      %dma_start3A_196 = arith.constant 0 : i32
      %dma_start3A_197 = arith.constant 0 : i32
      %dma_start3A_198 = tpu.memref_slice %arg3[%add3A, %min3A_191, %dma_start3A_196, %dma_start3A_197] : memref<32x80x2x128xi32, #tpu.memory_space<hbm>> -> memref<1x1x2x128xi32, #tpu.memory_space<hbm>>
      %dma_start3A_199 = tpu.memref_squeeze %dma_start3A_198 : memref<1x1x2x128xi32, #tpu.memory_space<hbm>> -> memref<2x128xi32, #tpu.memory_space<hbm>>
      tpu.enqueue_dma source(%dma_start3A_199 : memref<2x128xi32, #tpu.memory_space<hbm>>) target(%arg8 : memref<2x128xi32, #tpu.memory_space<vmem>>) target_semaphore(%arg15 : memref<!tpu.dma_semaphore, #tpu.memory_space<semaphore_mem>>)
      %dma_wait3A_200 = arith.constant 0 : i32
      %dma_wait3A_201 = arith.constant 0 : i32
      %dma_wait3A_202 = arith.constant 0 : i32
      %dma_wait3A_203 = tpu.memref_slice %arg3[%add3A, %dma_wait3A_200, %dma_wait3A_201, %dma_wait3A_202] : memref<32x80x2x128xi32, #tpu.memory_space<hbm>> -> memref<1x1x2x128xi32, #tpu.memory_space<hbm>>
      %dma_wait3A_204 = tpu.memref_squeeze %dma_wait3A_203 : memref<1x1x2x128xi32, #tpu.memory_space<hbm>> -> memref<2x128xi32, #tpu.memory_space<hbm>>
      %dma_wait3A_205 = arith.constant 0 : i32
      %dma_wait3A_206 = arith.constant 0 : i32
      %dma_wait3A_207 = tpu.memref_slice %arg3[%add3A, %dma_wait3A_200, %dma_wait3A_205, %dma_wait3A_206] : memref<32x80x2x128xi32, #tpu.memory_space<hbm>> -> memref<1x1x2x128xi32, #tpu.memory_space<hbm>>
      %dma_wait3A_208 = tpu.memref_squeeze %dma_wait3A_207 : memref<1x1x2x128xi32, #tpu.memory_space<hbm>> -> memref<2x128xi32, #tpu.memory_space<hbm>>
      tpu.wait_dma2 semaphore(%arg13 : memref<!tpu.dma_semaphore, #tpu.memory_space<semaphore_mem>>) src(%dma_wait3A_208 : memref<2x128xi32, #tpu.memory_space<hbm>>) dst(%arg6 : memref<2x128xi32, #tpu.memory_space<vmem>>)
      %dma_start3A_209 = arith.constant 1 : i32
      %dma_start3A_210 = arith.constant 0 : i32
      %dma_start3A_211 = tpu.memref_slice %arg6[%dma_start3A_209, %dma_start3A_210] : memref<2x128xi32, #tpu.memory_space<vmem>> -> memref<1x128xi32, #tpu.memory_space<vmem>>
      %dma_start3A_212 = tpu.memref_squeeze %dma_start3A_211 : memref<1x128xi32, #tpu.memory_space<vmem>> -> memref<128xi32, #tpu.memory_space<vmem>>
      %dma_start3A_213 = arith.constant 0 : i32
      %dma_start3A_214 = arith.constant 0 : i32
      %dma_start3A_215 = tpu.memref_slice %arg2[%dma_start3A_213, %dma_start3A_214] : memref<10000x128xf32, #tpu.memory_space<hbm>> -> memref<10000x128xf32, #tpu.memory_space<hbm>>
      tpu.enqueue_indirect_dma source(%dma_start3A_215 : memref<10000x128xf32, #tpu.memory_space<hbm>>) target(%arg10 : memref<128x128xf32, #tpu.memory_space<vmem>>) offsets(%dma_start3A_212 : memref<128xi32, #tpu.memory_space<vmem>>) semaphore(%arg17 : memref<!tpu.dma_semaphore, #tpu.memory_space<semaphore_mem>>)
      %dma_wait3A_216 = arith.constant 1 : i32
      %dma_wait3A_217 = arith.constant 0 : i32
      %dma_wait3A_218 = tpu.memref_slice %arg9[%dma_wait3A_216, %dma_wait3A_217] : memref<2x128xi32, #tpu.memory_space<vmem>> -> memref<1x128xi32, #tpu.memory_space<vmem>>
      %dma_wait3A_219 = tpu.memref_squeeze %dma_wait3A_218 : memref<1x128xi32, #tpu.memory_space<vmem>> -> memref<128xi32, #tpu.memory_space<vmem>>
      %dma_wait3A_220 = arith.constant 0 : i32
      %dma_wait3A_221 = arith.constant 0 : i32
      %dma_wait3A_222 = tpu.memref_slice %arg2[%dma_wait3A_220, %dma_wait3A_221] : memref<10000x128xf32, #tpu.memory_space<hbm>> -> memref<10000x128xf32, #tpu.memory_space<hbm>>
      tpu.wait_indirect_dma semaphore(%arg18 : memref<!tpu.dma_semaphore, #tpu.memory_space<semaphore_mem>>) src(%dma_wait3A_222 : memref<10000x128xf32, #tpu.memory_space<hbm>>) dst(%arg11 : memref<128x128xf32, #tpu.memory_space<vmem>>)
      %run_scoped3A_223 = arith.constant 0 : i32
      "tpu.region"() ({
        %run_scoped3A_245 = tpu.sem_alloc : memref<!tpu.dma_semaphore, #tpu.memory_space<semaphore_mem>>
        %dma_start3A_246 = arith.constant 0 : i32
        %dma_start3A_247 = tpu.memref_slice %arg9[%run_scoped3A_223, %dma_start3A_246] : memref<2x128xi32, #tpu.memory_space<vmem>> -> memref<1x128xi32, #tpu.memory_space<vmem>>
        %dma_start3A_248 = tpu.memref_squeeze %dma_start3A_247 : memref<1x128xi32, #tpu.memory_space<vmem>> -> memref<128xi32, #tpu.memory_space<vmem>>
        %dma_start3A_249 = arith.constant 0 : i32
        %dma_start3A_250 = arith.constant 0 : i32
        %dma_start3A_251 = tpu.memref_slice %arg12[%dma_start3A_249, %dma_start3A_250] : memref<10240x128xf32, #tpu.memory_space<vmem_shared>> -> memref<10240x128xf32, #tpu.memory_space<vmem_shared>>
        tpu.enqueue_indirect_dma source(%arg11 : memref<128x128xf32, #tpu.memory_space<vmem>>) target(%dma_start3A_251 : memref<10240x128xf32, #tpu.memory_space<vmem_shared>>) offsets(%dma_start3A_248 : memref<128xi32, #tpu.memory_space<vmem>>) semaphore(%run_scoped3A_245 : memref<!tpu.dma_semaphore, #tpu.memory_space<semaphore_mem>>) {add = true}
        %dma_wait3A_252 = arith.constant 0 : i32
        %dma_wait3A_253 = tpu.memref_slice %arg9[%run_scoped3A_223, %dma_wait3A_252] : memref<2x128xi32, #tpu.memory_space<vmem>> -> memref<1x128xi32, #tpu.memory_space<vmem>>
        %dma_wait3A_254 = tpu.memref_squeeze %dma_wait3A_253 : memref<1x128xi32, #tpu.memory_space<vmem>> -> memref<128xi32, #tpu.memory_space<vmem>>
        %dma_wait3A_255 = arith.constant 0 : i32
        %dma_wait3A_256 = arith.constant 0 : i32
        %dma_wait3A_257 = tpu.memref_slice %arg12[%dma_wait3A_255, %dma_wait3A_256] : memref<10240x128xf32, #tpu.memory_space<vmem_shared>> -> memref<10240x128xf32, #tpu.memory_space<vmem_shared>>
        tpu.wait_indirect_dma semaphore(%run_scoped3A_245 : memref<!tpu.dma_semaphore, #tpu.memory_space<semaphore_mem>>) src(%arg11 : memref<128x128xf32, #tpu.memory_space<vmem>>) dst(%dma_wait3A_257 : memref<10240x128xf32, #tpu.memory_space<vmem_shared>>)
        tpu.yield
      }) : () -> ()
      %add3A_224 = arith.constant 7 : i32
      %add3A_225 = arith.addi %mul3A_102, %add3A_224 : i32
      %min3A_226 = arith.constant 79 : i32
      %min3A_227 = arith.minsi %add3A_225, %min3A_226 : i32
      %dma_start3A_228 = arith.constant 0 : i32
      %dma_start3A_229 = arith.constant 0 : i32
      %dma_start3A_230 = tpu.memref_slice %arg3[%add3A, %min3A_227, %dma_start3A_228, %dma_start3A_229] : memref<32x80x2x128xi32, #tpu.memory_space<hbm>> -> memref<1x1x2x128xi32, #tpu.memory_space<hbm>>
      %dma_start3A_231 = tpu.memref_squeeze %dma_start3A_230 : memref<1x1x2x128xi32, #tpu.memory_space<hbm>> -> memref<2x128xi32, #tpu.memory_space<hbm>>
      %dma_start3A_232 = arith.constant 0 : i32
      %dma_start3A_233 = arith.constant 0 : i32
      %dma_start3A_234 = tpu.memref_slice %arg3[%add3A, %min3A_227, %dma_start3A_232, %dma_start3A_233] : memref<32x80x2x128xi32, #tpu.memory_space<hbm>> -> memref<1x1x2x128xi32, #tpu.memory_space<hbm>>
      %dma_start3A_235 = tpu.memref_squeeze %dma_start3A_234 : memref<1x1x2x128xi32, #tpu.memory_space<hbm>> -> memref<2x128xi32, #tpu.memory_space<hbm>>
      tpu.enqueue_dma source(%dma_start3A_235 : memref<2x128xi32, #tpu.memory_space<hbm>>) target(%arg9 : memref<2x128xi32, #tpu.memory_space<vmem>>) target_semaphore(%arg16 : memref<!tpu.dma_semaphore, #tpu.memory_space<semaphore_mem>>)
      %dma_wait3A_236 = arith.constant 0 : i32
      %dma_wait3A_237 = arith.constant 0 : i32
      %dma_wait3A_238 = arith.constant 0 : i32
      %dma_wait3A_239 = tpu.memref_slice %arg3[%add3A, %dma_wait3A_236, %dma_wait3A_237, %dma_wait3A_238] : memref<32x80x2x128xi32, #tpu.memory_space<hbm>> -> memref<1x1x2x128xi32, #tpu.memory_space<hbm>>
      %dma_wait3A_240 = tpu.memref_squeeze %dma_wait3A_239 : memref<1x1x2x128xi32, #tpu.memory_space<hbm>> -> memref<2x128xi32, #tpu.memory_space<hbm>>
      %dma_wait3A_241 = arith.constant 0 : i32
      %dma_wait3A_242 = arith.constant 0 : i32
      %dma_wait3A_243 = tpu.memref_slice %arg3[%add3A, %dma_wait3A_236, %dma_wait3A_241, %dma_wait3A_242] : memref<32x80x2x128xi32, #tpu.memory_space<hbm>> -> memref<1x1x2x128xi32, #tpu.memory_space<hbm>>
      %dma_wait3A_244 = tpu.memref_squeeze %dma_wait3A_243 : memref<1x1x2x128xi32, #tpu.memory_space<hbm>> -> memref<2x128xi32, #tpu.memory_space<hbm>>
      tpu.wait_dma2 semaphore(%arg14 : memref<!tpu.dma_semaphore, #tpu.memory_space<semaphore_mem>>) src(%dma_wait3A_244 : memref<2x128xi32, #tpu.memory_space<hbm>>) dst(%arg7 : memref<2x128xi32, #tpu.memory_space<vmem>>)
    }
    %scan3A_66 = arith.constant 20 : i32
    %dma_wait3A_67 = arith.constant 1 : i32
    %dma_wait3A_68 = arith.constant 0 : i32
    %dma_wait3A_69 = tpu.memref_slice %arg6[%dma_wait3A_67, %dma_wait3A_68] : memref<2x128xi32, #tpu.memory_space<vmem>> -> memref<1x128xi32, #tpu.memory_space<vmem>>
    %dma_wait3A_70 = tpu.memref_squeeze %dma_wait3A_69 : memref<1x128xi32, #tpu.memory_space<vmem>> -> memref<128xi32, #tpu.memory_space<vmem>>
    %dma_wait3A_71 = arith.constant 0 : i32
    %dma_wait3A_72 = arith.constant 0 : i32
    %dma_wait3A_73 = tpu.memref_slice %arg2[%dma_wait3A_71, %dma_wait3A_72] : memref<10000x128xf32, #tpu.memory_space<hbm>> -> memref<10000x128xf32, #tpu.memory_space<hbm>>
    tpu.wait_indirect_dma semaphore(%arg17 : memref<!tpu.dma_semaphore, #tpu.memory_space<semaphore_mem>>) src(%dma_wait3A_73 : memref<10000x128xf32, #tpu.memory_space<hbm>>) dst(%arg10 : memref<128x128xf32, #tpu.memory_space<vmem>>)
    %dma_wait3A_74 = arith.constant 0 : i32
    %dma_wait3A_75 = arith.constant 0 : i32
    %dma_wait3A_76 = arith.constant 0 : i32
    %dma_wait3A_77 = tpu.memref_slice %arg3[%add3A, %dma_wait3A_74, %dma_wait3A_75, %dma_wait3A_76] : memref<32x80x2x128xi32, #tpu.memory_space<hbm>> -> memref<1x1x2x128xi32, #tpu.memory_space<hbm>>
    %dma_wait3A_78 = tpu.memref_squeeze %dma_wait3A_77 : memref<1x1x2x128xi32, #tpu.memory_space<hbm>> -> memref<2x128xi32, #tpu.memory_space<hbm>>
    %dma_wait3A_79 = arith.constant 0 : i32
    %dma_wait3A_80 = arith.constant 0 : i32
    %dma_wait3A_81 = tpu.memref_slice %arg3[%add3A, %dma_wait3A_74, %dma_wait3A_79, %dma_wait3A_80] : memref<32x80x2x128xi32, #tpu.memory_space<hbm>> -> memref<1x1x2x128xi32, #tpu.memory_space<hbm>>
    %dma_wait3A_82 = tpu.memref_squeeze %dma_wait3A_81 : memref<1x1x2x128xi32, #tpu.memory_space<hbm>> -> memref<2x128xi32, #tpu.memory_space<hbm>>
    tpu.wait_dma2 semaphore(%arg15 : memref<!tpu.dma_semaphore, #tpu.memory_space<semaphore_mem>>) src(%dma_wait3A_82 : memref<2x128xi32, #tpu.memory_space<hbm>>) dst(%arg8 : memref<2x128xi32, #tpu.memory_space<vmem>>)
    %dma_wait3A_83 = arith.constant 0 : i32
    %dma_wait3A_84 = arith.constant 0 : i32
    %dma_wait3A_85 = arith.constant 0 : i32
    %dma_wait3A_86 = tpu.memref_slice %arg3[%add3A, %dma_wait3A_83, %dma_wait3A_84, %dma_wait3A_85] : memref<32x80x2x128xi32, #tpu.memory_space<hbm>> -> memref<1x1x2x128xi32, #tpu.memory_space<hbm>>
    %dma_wait3A_87 = tpu.memref_squeeze %dma_wait3A_86 : memref<1x1x2x128xi32, #tpu.memory_space<hbm>> -> memref<2x128xi32, #tpu.memory_space<hbm>>
    %dma_wait3A_88 = arith.constant 0 : i32
    %dma_wait3A_89 = arith.constant 0 : i32
    %dma_wait3A_90 = tpu.memref_slice %arg3[%add3A, %dma_wait3A_83, %dma_wait3A_88, %dma_wait3A_89] : memref<32x80x2x128xi32, #tpu.memory_space<hbm>> -> memref<1x1x2x128xi32, #tpu.memory_space<hbm>>
    %dma_wait3A_91 = tpu.memref_squeeze %dma_wait3A_90 : memref<1x1x2x128xi32, #tpu.memory_space<hbm>> -> memref<2x128xi32, #tpu.memory_space<hbm>>
    tpu.wait_dma2 semaphore(%arg16 : memref<!tpu.dma_semaphore, #tpu.memory_space<semaphore_mem>>) src(%dma_wait3A_91 : memref<2x128xi32, #tpu.memory_space<hbm>>) dst(%arg9 : memref<2x128xi32, #tpu.memory_space<vmem>>)
    %barrier3A_92 = arith.constant 0 : index
    tpu.barrier barrier_id(%barrier3A_92)
    %mul3A_93 = arith.constant 640 : i32
    %mul3A_94 = arith.muli %arg1, %mul3A_93 : i32
    %mul3A_95 = arith.constant 10240 : i32
    %mul3A_96 = arith.muli %arg0, %mul3A_95 : i32
    %mul3A_97 = arith.constant 640 : i32
    %mul3A_98 = arith.muli %arg1, %mul3A_97 : i32
    %add3A_99 = arith.addi %mul3A_96, %mul3A_98 : i32
    "tpu.region"() ({
      %run_scoped3A = tpu.sem_alloc : memref<!tpu.dma_semaphore, #tpu.memory_space<semaphore_mem>>
      %dma_start3A_100 = arith.constant 0 : i32
      %dma_start3A_101 = tpu.memref_slice %arg5[%add3A_99, %dma_start3A_100] : memref<20480x128xf32, #tpu.memory_space<hbm>> -> memref<640x128xf32, #tpu.memory_space<hbm>>
      %dma_start3A_102 = arith.constant 0 : i32
      %dma_start3A_103 = tpu.memref_slice %arg12[%mul3A_94, %dma_start3A_102] : memref<10240x128xf32, #tpu.memory_space<vmem_shared>> -> memref<640x128xf32, #tpu.memory_space<vmem_shared>>
      tpu.enqueue_dma source(%dma_start3A_103 : memref<640x128xf32, #tpu.memory_space<vmem_shared>>) target(%dma_start3A_101 : memref<640x128xf32, #tpu.memory_space<hbm>>) target_semaphore(%run_scoped3A : memref<!tpu.dma_semaphore, #tpu.memory_space<semaphore_mem>>)
      %dma_wait3A_104 = arith.constant 0 : i32
      %dma_wait3A_105 = tpu.memref_slice %arg5[%add3A_99, %dma_wait3A_104] : memref<20480x128xf32, #tpu.memory_space<hbm>> -> memref<640x128xf32, #tpu.memory_space<hbm>>
      %dma_wait3A_106 = arith.constant 0 : i32
      %dma_wait3A_107 = tpu.memref_slice %arg12[%mul3A_94, %dma_wait3A_106] : memref<10240x128xf32, #tpu.memory_space<vmem_shared>> -> memref<640x128xf32, #tpu.memory_space<vmem_shared>>
      tpu.wait_dma2 semaphore(%run_scoped3A : memref<!tpu.dma_semaphore, #tpu.memory_space<semaphore_mem>>) src(%dma_wait3A_107 : memref<640x128xf32, #tpu.memory_space<vmem_shared>>) dst(%dma_wait3A_105 : memref<640x128xf32, #tpu.memory_space<hbm>>)
      tpu.yield
    }) : () -> ()
    return
  }
}

module attributes {stable_mosaic.version = 14 : i64} {
  func.func @_dense_body(%arg0: i32, %arg1: memref<1000x128xf32, #tpu.memory_space<vmem>>, %arg2: memref<128x16xf32, #tpu.memory_space<vmem>>, %arg3: memref<1x16xf32, #tpu.memory_space<vmem>>, %arg4: memref<16x128xf32, #tpu.memory_space<vmem>>, %arg5: memref<1x128xf32, #tpu.memory_space<vmem>>, %arg6: memref<1000x128xf32, #tpu.memory_space<vmem>>) attributes {dimension_semantics = [#tpu.dimension_semantics<arbitrary>], iteration_bounds = array<i64: 10>, scalar_prefetch = 0 : i64, scratch_operands = 0 : i64, tpu.core_type = #tpu.core_type<tc>, window_params = [{transform_indices = @transform_0, window_bounds = array<i64: 1000, 128>}, {pipeline_mode = #tpu.pipeline_mode<synchronous>, transform_indices = @transform_1, window_bounds = array<i64: 128, 16>}, {pipeline_mode = #tpu.pipeline_mode<synchronous>, transform_indices = @transform_2, window_bounds = array<i64: 1, 16>}, {pipeline_mode = #tpu.pipeline_mode<synchronous>, transform_indices = @transform_3, window_bounds = array<i64: 16, 128>}, {pipeline_mode = #tpu.pipeline_mode<synchronous>, transform_indices = @transform_4, window_bounds = array<i64: 1, 128>}, {transform_indices = @transform_5, window_bounds = array<i64: 1000, 128>}]} {
    %get3A = arith.constant 0 : index
    %get3A_0 = arith.constant 0 : index
    %get3A_1 = vector.load %arg1[%get3A, %get3A_0] : memref<1000x128xf32, #tpu.memory_space<vmem>>, vector<1000x128xf32>
    %get3A_2 = arith.constant 0 : index
    %get3A_3 = arith.constant 0 : index
    %get3A_4 = vector.load %arg2[%get3A_2, %get3A_3] : memref<128x16xf32, #tpu.memory_space<vmem>>, vector<128x16xf32>
    %dot_general3A = arith.constant dense<0.000000e+00> : vector<1000x16xf32>
    %dot_general3A_5 = tpu.matmul %get3A_1, %get3A_4, %dot_general3A {dimension_numbers = #tpu.dot_dimension_numbers<[1], [0], [0], [1], [0, 0, 1, 1], [], []>, transpose_lhs_hint = false} : vector<1000x128xf32>, vector<128x16xf32>, vector<1000x16xf32> -> vector<1000x16xf32>
    %get3A_6 = arith.constant 0 : index
    %get3A_7 = arith.constant 0 : index
    %get3A_8 = vector.load %arg3[%get3A_6, %get3A_7] : memref<1x16xf32, #tpu.memory_space<vmem>>, vector<1x16xf32>
    %add3A = vector.broadcast %get3A_8 : vector<1x16xf32> to vector<1000x16xf32>
    %add3A_9 = arith.addf %dot_general3A_5, %add3A : vector<1000x16xf32>
    %max3A = arith.constant 0.000000e+00 : f32
    %max3A_10 = vector.broadcast %max3A : f32 to vector<1000x16xf32>
    %max3A_11 = arith.maximumf %add3A_9, %max3A_10 : vector<1000x16xf32>
    %get3A_12 = arith.constant 0 : index
    %get3A_13 = arith.constant 0 : index
    %get3A_14 = vector.load %arg4[%get3A_12, %get3A_13] : memref<16x128xf32, #tpu.memory_space<vmem>>, vector<16x128xf32>
    %dot_general3A_15 = arith.constant dense<0.000000e+00> : vector<1000x128xf32>
    %dot_general3A_16 = tpu.matmul %max3A_11, %get3A_14, %dot_general3A_15 {dimension_numbers = #tpu.dot_dimension_numbers<[1], [0], [0], [1], [0, 0, 1, 1], [], []>, transpose_lhs_hint = false} : vector<1000x16xf32>, vector<16x128xf32>, vector<1000x128xf32> -> vector<1000x128xf32>
    %get3A_17 = arith.constant 0 : index
    %get3A_18 = arith.constant 0 : index
    %get3A_19 = vector.load %arg5[%get3A_17, %get3A_18] : memref<1x128xf32, #tpu.memory_space<vmem>>, vector<1x128xf32>
    %add3A_20 = vector.broadcast %get3A_19 : vector<1x128xf32> to vector<1000x128xf32>
    %add3A_21 = arith.addf %dot_general3A_16, %add3A_20 : vector<1000x128xf32>
    %swap3A = arith.constant 0 : index
    %swap3A_22 = arith.constant 0 : index
    %swap3A_23 = vector.load %arg6[%swap3A, %swap3A_22] : memref<1000x128xf32, #tpu.memory_space<vmem>>, vector<1000x128xf32>
    tpu.vector_store %arg6[%swap3A, %swap3A_22], %add3A_21 {strides = array<i32>} : memref<1000x128xf32, #tpu.memory_space<vmem>>, vector<1000x128xf32>,
    return
  }
  func.func @transform_0(%arg0: i32) -> (i32, i32) {
    %c0_i32 = arith.constant 0 : i32
    %c0_i32_0 = arith.constant 0 : i32
    return %arg0, %c0_i32 : i32, i32
  }
  func.func @transform_1(%arg0: i32) -> (i32, i32) {
    %c0_i32 = arith.constant 0 : i32
    %c0_i32_0 = arith.constant 0 : i32
    %c0_i32_1 = arith.constant 0 : i32
    return %c0_i32, %c0_i32_0 : i32, i32
  }
  func.func @transform_2(%arg0: i32) -> (i32, i32) {
    %c0_i32 = arith.constant 0 : i32
    %c0_i32_0 = arith.constant 0 : i32
    %c0_i32_1 = arith.constant 0 : i32
    return %c0_i32, %c0_i32_0 : i32, i32
  }
  func.func @transform_3(%arg0: i32) -> (i32, i32) {
    %c0_i32 = arith.constant 0 : i32
    %c0_i32_0 = arith.constant 0 : i32
    %c0_i32_1 = arith.constant 0 : i32
    return %c0_i32, %c0_i32_0 : i32, i32
  }
  func.func @transform_4(%arg0: i32) -> (i32, i32) {
    %c0_i32 = arith.constant 0 : i32
    %c0_i32_0 = arith.constant 0 : i32
    %c0_i32_1 = arith.constant 0 : i32
    return %c0_i32, %c0_i32_0 : i32, i32
  }
  func.func @transform_5(%arg0: i32) -> (i32, i32) {
    %c0_i32 = arith.constant 0 : i32
    %c0_i32_0 = arith.constant 0 : i32
    return %arg0, %c0_i32 : i32, i32
  }
}

module attributes {stable_mosaic.version = 14 : i64} {
  func.func @_factors_body(%arg0: i32, %arg1: memref<1000x128xf32, #tpu.memory_space<vmem>>, %arg2: memref<1000x128xf32, #tpu.memory_space<vmem>>, %arg3: memref<1000x128xf32, #tpu.memory_space<vmem>>, %arg4: memref<1000x128xf32, #tpu.memory_space<vmem>>, %arg5: memref<1000x8xf32, #tpu.memory_space<vmem>>, %arg6: memref<1000x8xf32, #tpu.memory_space<vmem>>, %arg7: memref<1000x8xf32, #tpu.memory_space<vmem>>) attributes {dimension_semantics = [#tpu.dimension_semantics<arbitrary>], iteration_bounds = array<i64: 10>, scalar_prefetch = 0 : i64, scratch_operands = 0 : i64, tpu.core_type = #tpu.core_type<tc>, window_params = [{transform_indices = @transform_0, window_bounds = array<i64: 1000, 128>}, {transform_indices = @transform_1, window_bounds = array<i64: 1000, 128>}, {transform_indices = @transform_2, window_bounds = array<i64: 1000, 128>}, {transform_indices = @transform_3, window_bounds = array<i64: 1000, 128>}, {transform_indices = @transform_4, window_bounds = array<i64: 1000, 8>}, {transform_indices = @transform_5, window_bounds = array<i64: 1000, 8>}, {transform_indices = @transform_6, window_bounds = array<i64: 1000, 8>}]} {
    %get3A = arith.constant 0 : index
    %get3A_0 = arith.constant 0 : index
    %get3A_1 = vector.load %arg1[%get3A, %get3A_0] : memref<1000x128xf32, #tpu.memory_space<vmem>>, vector<1000x1xf32>
    %get3A_2 = arith.constant 0 : index
    %get3A_3 = arith.constant 0 : index
    %get3A_4 = vector.load %arg2[%get3A_2, %get3A_3] : memref<1000x128xf32, #tpu.memory_space<vmem>>, vector<1000x1xf32>
    %add3A = arith.addf %get3A_1, %get3A_4 : vector<1000x1xf32>
    %max3A = arith.constant 9.99999993E-9 : f32
    %max3A_5 = vector.broadcast %max3A : f32 to vector<1000x1xf32>
    %max3A_6 = arith.maximumf %add3A, %max3A_5 : vector<1000x1xf32>
    %pow3A = arith.constant -5.000000e-01 : f32
    %pow3A_7 = vector.broadcast %pow3A : f32 to vector<1000x1xf32>
    %pow3A_8 = math.powf %max3A_6, %pow3A_7 : vector<1000x1xf32>
    %div3A = arith.divf %add3A, %max3A_6 : vector<1000x1xf32>
    %add3A_9 = arith.constant 1.000000e-01 : f32
    %add3A_10 = vector.broadcast %add3A_9 : f32 to vector<1000x1xf32>
    %add3A_11 = arith.addf %div3A, %add3A_10 : vector<1000x1xf32>
    %div3A_12 = arith.constant 1.000000e+00 : f32
    %div3A_13 = vector.broadcast %div3A_12 : f32 to vector<1000x1xf32>
    %div3A_14 = arith.divf %div3A_13, %add3A_11 : vector<1000x1xf32>
    %mul3A = arith.constant 1.000000e-01 : f32
    %mul3A_15 = vector.broadcast %mul3A : f32 to vector<1000x1xf32>
    %mul3A_16 = arith.mulf %mul3A_15, %div3A_14 : vector<1000x1xf32>
    %get3A_17 = arith.constant 0 : index
    %get3A_18 = arith.constant 0 : index
    %get3A_19 = vector.load %arg3[%get3A_17, %get3A_18] : memref<1000x128xf32, #tpu.memory_space<vmem>>, vector<1000x128xf32>
    %mul3A_20 = vector.broadcast %pow3A_8 : vector<1000x1xf32> to vector<1000x128xf32>
    %mul3A_21 = arith.mulf %mul3A_20, %get3A_19 : vector<1000x128xf32>
    %swap3A = arith.constant 0 : index
    %swap3A_22 = arith.constant 0 : index
    %swap3A_23 = vector.load %arg4[%swap3A, %swap3A_22] : memref<1000x128xf32, #tpu.memory_space<vmem>>, vector<1000x128xf32>
    tpu.vector_store %arg4[%swap3A, %swap3A_22], %mul3A_21 {strides = array<i32>} : memref<1000x128xf32, #tpu.memory_space<vmem>>, vector<1000x128xf32>,
    %mul3A_24 = arith.mulf %div3A_14, %pow3A_8 : vector<1000x1xf32>
    %broadcast_in_dim3A = vector.shape_cast %mul3A_24 : vector<1000x1xf32> to vector<1000x1xf32>
    %broadcast_in_dim3A_25 = vector.broadcast %broadcast_in_dim3A : vector<1000x1xf32> to vector<1000x8xf32>
    %swap3A_26 = arith.constant 0 : index
    %swap3A_27 = arith.constant 0 : index
    %swap3A_28 = vector.load %arg5[%swap3A_26, %swap3A_27] : memref<1000x8xf32, #tpu.memory_space<vmem>>, vector<1000x8xf32>
    tpu.vector_store %arg5[%swap3A_26, %swap3A_27], %broadcast_in_dim3A_25 {strides = array<i32>} : memref<1000x8xf32, #tpu.memory_space<vmem>>, vector<1000x8xf32>,
    %broadcast_in_dim3A_29 = vector.shape_cast %mul3A_16 : vector<1000x1xf32> to vector<1000x1xf32>
    %broadcast_in_dim3A_30 = vector.broadcast %broadcast_in_dim3A_29 : vector<1000x1xf32> to vector<1000x8xf32>
    %swap3A_31 = arith.constant 0 : index
    %swap3A_32 = arith.constant 0 : index
    %swap3A_33 = vector.load %arg6[%swap3A_31, %swap3A_32] : memref<1000x8xf32, #tpu.memory_space<vmem>>, vector<1000x8xf32>
    tpu.vector_store %arg6[%swap3A_31, %swap3A_32], %broadcast_in_dim3A_30 {strides = array<i32>} : memref<1000x8xf32, #tpu.memory_space<vmem>>, vector<1000x8xf32>,
    %broadcast_in_dim3A_34 = vector.shape_cast %pow3A_8 : vector<1000x1xf32> to vector<1000x1xf32>
    %broadcast_in_dim3A_35 = vector.broadcast %broadcast_in_dim3A_34 : vector<1000x1xf32> to vector<1000x8xf32>
    %swap3A_36 = arith.constant 0 : index
    %swap3A_37 = arith.constant 0 : index
    %swap3A_38 = vector.load %arg7[%swap3A_36, %swap3A_37] : memref<1000x8xf32, #tpu.memory_space<vmem>>, vector<1000x8xf32>
    tpu.vector_store %arg7[%swap3A_36, %swap3A_37], %broadcast_in_dim3A_35 {strides = array<i32>} : memref<1000x8xf32, #tpu.memory_space<vmem>>, vector<1000x8xf32>,
    return
  }
  func.func @transform_0(%arg0: i32) -> (i32, i32) {
    %c0_i32 = arith.constant 0 : i32
    %c0_i32_0 = arith.constant 0 : i32
    return %arg0, %c0_i32 : i32, i32
  }
  func.func @transform_1(%arg0: i32) -> (i32, i32) {
    %c0_i32 = arith.constant 0 : i32
    %c0_i32_0 = arith.constant 0 : i32
    return %arg0, %c0_i32 : i32, i32
  }
  func.func @transform_2(%arg0: i32) -> (i32, i32) {
    %c0_i32 = arith.constant 0 : i32
    %c0_i32_0 = arith.constant 0 : i32
    return %arg0, %c0_i32 : i32, i32
  }
  func.func @transform_3(%arg0: i32) -> (i32, i32) {
    %c0_i32 = arith.constant 0 : i32
    %c0_i32_0 = arith.constant 0 : i32
    return %arg0, %c0_i32 : i32, i32
  }
  func.func @transform_4(%arg0: i32) -> (i32, i32) {
    %c0_i32 = arith.constant 0 : i32
    %c0_i32_0 = arith.constant 0 : i32
    return %arg0, %c0_i32 : i32, i32
  }
  func.func @transform_5(%arg0: i32) -> (i32, i32) {
    %c0_i32 = arith.constant 0 : i32
    %c0_i32_0 = arith.constant 0 : i32
    return %arg0, %c0_i32 : i32, i32
  }
  func.func @transform_6(%arg0: i32) -> (i32, i32) {
    %c0_i32 = arith.constant 0 : i32
    %c0_i32_0 = arith.constant 0 : i32
    return %arg0, %c0_i32 : i32, i32
  }
}

module attributes {stable_mosaic.version = 14 : i64} {
  func.func @_mid_body(%arg0: i32, %arg1: memref<1000x128xf32, #tpu.memory_space<vmem>>, %arg2: memref<1000x128xf32, #tpu.memory_space<vmem>>, %arg3: memref<1000x128xf32, #tpu.memory_space<vmem>>, %arg4: memref<1000x8xf32, #tpu.memory_space<vmem>>, %arg5: memref<1000x8xf32, #tpu.memory_space<vmem>>, %arg6: memref<1000x8xf32, #tpu.memory_space<vmem>>, %arg7: memref<1000x128xf32, #tpu.memory_space<vmem>>) attributes {dimension_semantics = [#tpu.dimension_semantics<arbitrary>], iteration_bounds = array<i64: 10>, scalar_prefetch = 0 : i64, scratch_operands = 0 : i64, tpu.core_type = #tpu.core_type<tc>, window_params = [{transform_indices = @transform_0, window_bounds = array<i64: 1000, 128>}, {transform_indices = @transform_1, window_bounds = array<i64: 1000, 128>}, {transform_indices = @transform_2, window_bounds = array<i64: 1000, 128>}, {transform_indices = @transform_3, window_bounds = array<i64: 1000, 8>}, {transform_indices = @transform_4, window_bounds = array<i64: 1000, 8>}, {transform_indices = @transform_5, window_bounds = array<i64: 1000, 8>}, {transform_indices = @transform_6, window_bounds = array<i64: 1000, 128>}]} {
    %get3A = arith.constant 0 : index
    %get3A_0 = arith.constant 0 : index
    %get3A_1 = vector.load %arg4[%get3A, %get3A_0] : memref<1000x8xf32, #tpu.memory_space<vmem>>, vector<1000x1xf32>
    %get3A_2 = arith.constant 0 : index
    %get3A_3 = arith.constant 0 : index
    %get3A_4 = vector.load %arg1[%get3A_2, %get3A_3] : memref<1000x128xf32, #tpu.memory_space<vmem>>, vector<1000x128xf32>
    %get3A_5 = arith.constant 0 : index
    %get3A_6 = arith.constant 0 : index
    %get3A_7 = vector.load %arg2[%get3A_5, %get3A_6] : memref<1000x128xf32, #tpu.memory_space<vmem>>, vector<1000x128xf32>
    %add3A = arith.addf %get3A_4, %get3A_7 : vector<1000x128xf32>
    %mul3A = vector.broadcast %get3A_1 : vector<1000x1xf32> to vector<1000x128xf32>
    %mul3A_8 = arith.mulf %mul3A, %add3A : vector<1000x128xf32>
    %get3A_9 = arith.constant 0 : index
    %get3A_10 = arith.constant 0 : index
    %get3A_11 = vector.load %arg5[%get3A_9, %get3A_10] : memref<1000x8xf32, #tpu.memory_space<vmem>>, vector<1000x1xf32>
    %get3A_12 = arith.constant 0 : index
    %get3A_13 = arith.constant 0 : index
    %get3A_14 = vector.load %arg3[%get3A_12, %get3A_13] : memref<1000x128xf32, #tpu.memory_space<vmem>>, vector<1000x128xf32>
    %mul3A_15 = vector.broadcast %get3A_11 : vector<1000x1xf32> to vector<1000x128xf32>
    %mul3A_16 = arith.mulf %mul3A_15, %get3A_14 : vector<1000x128xf32>
    %add3A_17 = arith.addf %mul3A_8, %mul3A_16 : vector<1000x128xf32>
    %get3A_18 = arith.constant 0 : index
    %get3A_19 = arith.constant 0 : index
    %get3A_20 = vector.load %arg6[%get3A_18, %get3A_19] : memref<1000x8xf32, #tpu.memory_space<vmem>>, vector<1000x1xf32>
    %mul3A_21 = vector.broadcast %get3A_20 : vector<1000x1xf32> to vector<1000x128xf32>
    %mul3A_22 = arith.mulf %mul3A_21, %add3A_17 : vector<1000x128xf32>
    %swap3A = arith.constant 0 : index
    %swap3A_23 = arith.constant 0 : index
    %swap3A_24 = vector.load %arg7[%swap3A, %swap3A_23] : memref<1000x128xf32, #tpu.memory_space<vmem>>, vector<1000x128xf32>
    tpu.vector_store %arg7[%swap3A, %swap3A_23], %mul3A_22 {strides = array<i32>} : memref<1000x128xf32, #tpu.memory_space<vmem>>, vector<1000x128xf32>,
    return
  }
  func.func @transform_0(%arg0: i32) -> (i32, i32) {
    %c0_i32 = arith.constant 0 : i32
    %c0_i32_0 = arith.constant 0 : i32
    return %arg0, %c0_i32 : i32, i32
  }
  func.func @transform_1(%arg0: i32) -> (i32, i32) {
    %c0_i32 = arith.constant 0 : i32
    %c0_i32_0 = arith.constant 0 : i32
    return %arg0, %c0_i32 : i32, i32
  }
  func.func @transform_2(%arg0: i32) -> (i32, i32) {
    %c0_i32 = arith.constant 0 : i32
    %c0_i32_0 = arith.constant 0 : i32
    return %arg0, %c0_i32 : i32, i32
  }
  func.func @transform_3(%arg0: i32) -> (i32, i32) {
    %c0_i32 = arith.constant 0 : i32
    %c0_i32_0 = arith.constant 0 : i32
    return %arg0, %c0_i32 : i32, i32
  }
  func.func @transform_4(%arg0: i32) -> (i32, i32) {
    %c0_i32 = arith.constant 0 : i32
    %c0_i32_0 = arith.constant 0 : i32
    return %arg0, %c0_i32 : i32, i32
  }
  func.func @transform_5(%arg0: i32) -> (i32, i32) {
    %c0_i32 = arith.constant 0 : i32
    %c0_i32_0 = arith.constant 0 : i32
    return %arg0, %c0_i32 : i32, i32
  }
  func.func @transform_6(%arg0: i32) -> (i32, i32) {
    %c0_i32 = arith.constant 0 : i32
    %c0_i32_0 = arith.constant 0 : i32
    return %arg0, %c0_i32 : i32, i32
  }
}

module attributes {stable_mosaic.version = 14 : i64} {
  func.func @_final_body(%arg0: i32, %arg1: memref<1000x128xf32, #tpu.memory_space<vmem>>, %arg2: memref<1000x128xf32, #tpu.memory_space<vmem>>, %arg3: memref<1000x128xf32, #tpu.memory_space<vmem>>, %arg4: memref<1000x8xf32, #tpu.memory_space<vmem>>, %arg5: memref<1000x8xf32, #tpu.memory_space<vmem>>, %arg6: memref<1000x128xf32, #tpu.memory_space<vmem>>) attributes {dimension_semantics = [#tpu.dimension_semantics<arbitrary>], iteration_bounds = array<i64: 10>, scalar_prefetch = 0 : i64, scratch_operands = 0 : i64, tpu.core_type = #tpu.core_type<tc>, window_params = [{transform_indices = @transform_0, window_bounds = array<i64: 1000, 128>}, {transform_indices = @transform_1, window_bounds = array<i64: 1000, 128>}, {transform_indices = @transform_2, window_bounds = array<i64: 1000, 128>}, {transform_indices = @transform_3, window_bounds = array<i64: 1000, 8>}, {transform_indices = @transform_4, window_bounds = array<i64: 1000, 8>}, {transform_indices = @transform_5, window_bounds = array<i64: 1000, 128>}]} {
    %get3A = arith.constant 0 : index
    %get3A_0 = arith.constant 0 : index
    %get3A_1 = vector.load %arg4[%get3A, %get3A_0] : memref<1000x8xf32, #tpu.memory_space<vmem>>, vector<1000x1xf32>
    %get3A_2 = arith.constant 0 : index
    %get3A_3 = arith.constant 0 : index
    %get3A_4 = vector.load %arg1[%get3A_2, %get3A_3] : memref<1000x128xf32, #tpu.memory_space<vmem>>, vector<1000x128xf32>
    %get3A_5 = arith.constant 0 : index
    %get3A_6 = arith.constant 0 : index
    %get3A_7 = vector.load %arg2[%get3A_5, %get3A_6] : memref<1000x128xf32, #tpu.memory_space<vmem>>, vector<1000x128xf32>
    %add3A = arith.addf %get3A_4, %get3A_7 : vector<1000x128xf32>
    %mul3A = vector.broadcast %get3A_1 : vector<1000x1xf32> to vector<1000x128xf32>
    %mul3A_8 = arith.mulf %mul3A, %add3A : vector<1000x128xf32>
    %get3A_9 = arith.constant 0 : index
    %get3A_10 = arith.constant 0 : index
    %get3A_11 = vector.load %arg5[%get3A_9, %get3A_10] : memref<1000x8xf32, #tpu.memory_space<vmem>>, vector<1000x1xf32>
    %get3A_12 = arith.constant 0 : index
    %get3A_13 = arith.constant 0 : index
    %get3A_14 = vector.load %arg3[%get3A_12, %get3A_13] : memref<1000x128xf32, #tpu.memory_space<vmem>>, vector<1000x128xf32>
    %mul3A_15 = vector.broadcast %get3A_11 : vector<1000x1xf32> to vector<1000x128xf32>
    %mul3A_16 = arith.mulf %mul3A_15, %get3A_14 : vector<1000x128xf32>
    %add3A_17 = arith.addf %mul3A_8, %mul3A_16 : vector<1000x128xf32>
    %reduce_max3A = arith.constant dense<0xFF800000> : vector<1000xf32>
    %reduce_max3A_18 = vector.multi_reduction <maximumf>, %add3A_17, %reduce_max3A [1] : vector<1000x128xf32> to vector<1000xf32>
    %broadcast_in_dim3A = vector.shape_cast %reduce_max3A_18 : vector<1000xf32> to vector<1000x1xf32>
    %sub3A = vector.broadcast %broadcast_in_dim3A : vector<1000x1xf32> to vector<1000x128xf32>
    %sub3A_19 = arith.subf %add3A_17, %sub3A : vector<1000x128xf32>
    %exp3A = math.exp %sub3A_19 : vector<1000x128xf32>
    %reduce_sum3A = arith.constant dense<0.000000e+00> : vector<1000xf32>
    %reduce_sum3A_20 = vector.multi_reduction <add>, %exp3A, %reduce_sum3A [1] : vector<1000x128xf32> to vector<1000xf32>
    %broadcast_in_dim3A_21 = vector.shape_cast %reduce_sum3A_20 : vector<1000xf32> to vector<1000x1xf32>
    %log3A = math.log %broadcast_in_dim3A_21 : vector<1000x1xf32>
    %sub3A_22 = vector.broadcast %log3A : vector<1000x1xf32> to vector<1000x128xf32>
    %sub3A_23 = arith.subf %sub3A_19, %sub3A_22 : vector<1000x128xf32>
    %swap3A = arith.constant 0 : index
    %swap3A_24 = arith.constant 0 : index
    %swap3A_25 = vector.load %arg6[%swap3A, %swap3A_24] : memref<1000x128xf32, #tpu.memory_space<vmem>>, vector<1000x128xf32>
    tpu.vector_store %arg6[%swap3A, %swap3A_24], %sub3A_23 {strides = array<i32>} : memref<1000x128xf32, #tpu.memory_space<vmem>>, vector<1000x128xf32>,
    return
  }
  func.func @transform_0(%arg0: i32) -> (i32, i32) {
    %c0_i32 = arith.constant 0 : i32
    %c0_i32_0 = arith.constant 0 : i32
    return %arg0, %c0_i32 : i32, i32
  }
  func.func @transform_1(%arg0: i32) -> (i32, i32) {
    %c0_i32 = arith.constant 0 : i32
    %c0_i32_0 = arith.constant 0 : i32
    return %arg0, %c0_i32 : i32, i32
  }
  func.func @transform_2(%arg0: i32) -> (i32, i32) {
    %c0_i32 = arith.constant 0 : i32
    %c0_i32_0 = arith.constant 0 : i32
    return %arg0, %c0_i32 : i32, i32
  }
  func.func @transform_3(%arg0: i32) -> (i32, i32) {
    %c0_i32 = arith.constant 0 : i32
    %c0_i32_0 = arith.constant 0 : i32
    return %arg0, %c0_i32 : i32, i32
  }
  func.func @transform_4(%arg0: i32) -> (i32, i32) {
    %c0_i32 = arith.constant 0 : i32
    %c0_i32_0 = arith.constant 0 : i32
    return %arg0, %c0_i32 : i32, i32
  }
  func.func @transform_5(%arg0: i32) -> (i32, i32) {
    %c0_i32 = arith.constant 0 : i32
    %c0_i32_0 = arith.constant 0 : i32
    return %arg0, %c0_i32 : i32, i32
  }
}

</mosaic_0001>

<sc_bundles>
// kernel: kernel.12.cloned.1.call-start
scs
__scs_entry_jumppad:
0x0: {  	(pc) =	sbr.rel $0x88, $3  }
0x1: {  	(tag) =	ssettag $0x0;
	lr =	simm.s32 $0x1  }
0x2: {  	[smem:$0x3F9B] =	sst lr;
	_ =	strace $0xD0000000  }
0x3: {  	_ = 	snop  }
0x4: {  	_ = 	snop  }
0x5: {  	_ = 	snop  }
0x6: {  	_ = 	snop  }
0x7: {  	_ = 	snop  }
__scs_overlays_trampoline_lowered:
0x8: {  	[smem:$0x3FAA] =	sst s0  }
0x9: {  	[smem:$0x3FAB] =	sst s1  }
0xa: {  	[smem:$0x3FAC] =	sst s2  }
0xb: {  	[smem:$0x3FAD] =	sst s3  }
0xc: {  	[smem:$0x3FAE] =	sst s4  }
0xd: {  	[smem:$0x3FAF] =	sst s5  }
0xe: {  	[smem:$0x3FB0] =	sst s6  }
0xf: {  	[smem:$0x3FB1] =	sst s7  }
0x10: {  	[smem:$0x3FB2] =	sst s8  }
0x11: {  	[smem:$0x3FB3] =	sst s9;
	s0 =	simm.s32 @!p0 $0x0  }
0x12: {  	s1 =	sld [smem:$0x3F99];
	s0 =	simm.s32 @p0 $0x1  }
0x13: {  	[smem:$0x3FB4] =	sst s0;
	s0 =	simm.s32 @!p1 $0x0  }
0x14: {  	s2 =	sld [smem:$0x3F98];
	s0 =	simm.s32 @p1 $0x1  }
0x15: {  	[smem:$0x3FB5] =	sst s0;
	s0 =	simm.s32 @!p2 $0x0  }
0x16: {  	s3 =	sld [smem:$0x3FDB];
	s0 =	simm.s32 @p2 $0x1  }
0x17: {  	s4 =	simm.s32 $0x1BF5;
	[smem:$0x3FB7] =	sst s0  }
0x18: {  	s0 =	sld [smem:$0x3F9A];
	_ =	swait.ge [sflag:s4], $0x0  }
0x19: {  	s7 =	sld [smem:$0x3F9B]  }
0x1a: {  	s8 =	sadd.s32 $0xFFFFE003, lr  }
0x1b: {  	s9 =	sadd.s32 $0xFFFFFEF7, lr;
	s5 =	simm.s32 $0xFFFFFFFF;
	p2 =	slt.u32 s8, $0xFFFFF086  }
0x1c: {  	p1 =	slt.u32 s9, $0xF7A;
	s5 =	simm.s32 @!p2 $0x0  }
0x1d: {  	s5 =	simm.s32 @p1 $0x1;
	p0 =	seq.s32 s7, s2  }
0x1e: {  	s7 =	smul.u32 @!p0 $0xF7A, s2;
	p2 =	seq.s32 @!p0 s5, $0x0  }
0x1f: {  	s9 =	smul.u32 $0xF7A, s1;
	s8 =	simm.s32 @!p0 $0x1BF5;
	p2 =	por !p2, p0  }
0x20: {  	[sflag:s8] =	ssyncset.s32 @!p0 $0xFFFFF086;
	s6 =	sadd.s32 @!p0 s3, s7;
	s7 =	simm.s32 @!p0 $0x108  }
0x21: {  	s3 =	sadd.s32 s3, s9;
	s6 =	sadd.s32 @!p0 $0x88, s6;
	s7 =	simm.s32 @p2 $0x1082  }
0x22: {  	[simem:s7], [sflag:s8] =	dma.local @!p0 [hbm:s6], $0xF7A  }
0x23: {  	s9 =	sor.u32 $0xD0000000, s2;
	s6 =	simm.s32 $0x108;
	_ =	swait.ge @!p0 [sflag:s8], $0x0  }
0x24: {  	s3 =	sadd.s32 $0x88, s3;
	s6 =	simm.s32 @!p1 $0x1082;
	[sflag:s4] =	ssyncset.s32 $0xFFFFF086  }
0x25: {  	[simem:s6], [sflag:s4] =	dma.local [hbm:s3], $0xF7A  }
0x26: {  	[smem:$0x3F9B] =	sst s1;
	(tag) =	ssettag s2;
	_ =	strace s9  }
0x27: {  	s1 =	sld [smem:$0x3FAB]  }
0x28: {  	s2 =	sld [smem:$0x3FAC]  }
0x29: {  	s4 =	sld [smem:$0x3FAE]  }
0x2a: {  	p0 =	seq.s32 s5, $0x0;
	s5 =	sld [smem:$0x3FAF]  }
0x2b: {  	s6 =	sld [smem:$0x3FB0]  }
0x2c: {  	s7 =	sld [smem:$0x3FB1]  }
0x2d: {  	s3 =	simm.s32 $0x108;
	s8 =	sld [smem:$0x3FB2]  }
0x2e: {  	s3 =	simm.s32 @!p0 $0x1082;
	s9 =	sld [smem:$0x3FB3]  }
0x2f: {  	lr =	sadd.s32 s0, s3;
	s0 =	sld [smem:$0x3FAA]  }
0x30: {  	s3 =	sld [smem:$0x3FAD]  }
0x31: {  	[smem:$0x3FB6] =	sst s10  }
0x32: {  	s10 =	sld [smem:$0x3FB4];
	_ =	sdelay $0x3  }
0x33: {  	p0 =	seq.s32 s10, $0x1;
	s10 =	sld [smem:$0x3FB6];
	_ =	sdelay $0x3  }
0x34: {  	[smem:$0x3FB6] =	sst s10  }
0x35: {  	s10 =	sld [smem:$0x3FB5];
	_ =	sdelay $0x3  }
0x36: {  	p1 =	seq.s32 s10, $0x1;
	s10 =	sld [smem:$0x3FB6];
	_ =	sdelay $0x3  }
0x37: {  	[smem:$0x3FB6] =	sst s10  }
0x38: {  	s10 =	sld [smem:$0x3FB7]  }
0x39: {  	_ = 	snop;
	(pc) =	sbr.ind lr, $3  }
0x3a: {  	_ = 	snop  }
0x3b: {  	_ = 	snop  }
0x3c: {  	p2 =	seq.s32 s10, $0x1;
	s10 =	sld [smem:$0x3FB6]  }
0x3d: {  	_ =	shalt  }
0x3e: {  	_ =	shalt  }
0x3f: {  	_ =	shalt  }
0x40: {  	_ =	shalt  }
0x41: {  	_ =	shalt  }
0x42: {  	_ =	shalt  }
0x43: {  	_ =	shalt  }
0x44: {  	_ =	shalt  }
0x45: {  	_ =	shalt  }
0x46: {  	_ =	shalt  }
0x47: {  	_ =	shalt  }
0x48: {  	_ =	shalt  }
0x49: {  	_ =	shalt  }
0x4a: {  	_ =	shalt  }
0x4b: {  	_ =	shalt  }
0x4c: {  	_ =	shalt  }
0x4d: {  	_ =	shalt  }
0x4e: {  	_ =	shalt  }
0x4f: {  	_ =	shalt  }
0x50: {  	_ =	shalt  }
0x51: {  	_ =	shalt  }
0x52: {  	_ =	shalt  }
0x53: {  	_ =	shalt  }
0x54: {  	_ =	shalt  }
0x55: {  	_ =	shalt  }
0x56: {  	_ =	shalt  }
0x57: {  	_ =	shalt  }
0x58: {  	_ =	shalt  }
0x59: {  	_ =	shalt  }
0x5a: {  	_ =	shalt  }
0x5b: {  	_ =	shalt  }
0x5c: {  	_ =	shalt  }
0x5d: {  	_ =	shalt  }
0x5e: {  	_ =	shalt  }
0x5f: {  	_ =	shalt  }
0x60: {  	_ =	shalt  }
0x61: {  	_ =	shalt  }
0x62: {  	_ =	shalt  }
0x63: {  	_ =	shalt  }
0x64: {  	_ =	shalt  }
0x65: {  	_ =	shalt  }
0x66: {  	_ =	shalt  }
0x67: {  	_ =	shalt  }
0x68: {  	_ =	shalt  }
0x69: {  	_ =	shalt  }
0x6a: {  	_ =	shalt  }
0x6b: {  	_ =	shalt  }
0x6c: {  	_ =	shalt  }
0x6d: {  	_ =	shalt  }
0x6e: {  	_ =	shalt  }
0x6f: {  	_ =	shalt  }
0x70: {  	_ =	shalt  }
0x71: {  	_ =	shalt  }
0x72: {  	_ =	shalt  }
0x73: {  	_ =	shalt  }
0x74: {  	_ =	shalt  }
0x75: {  	_ =	shalt  }
0x76: {  	_ =	shalt  }
0x77: {  	_ =	shalt  }
0x78: {  	_ =	shalt  }
0x79: {  	_ =	shalt  }
0x7a: {  	_ =	shalt  }
0x7b: {  	_ =	shalt  }
0x7c: {  	_ =	shalt  }
0x7d: {  	_ =	shalt  }
0x7e: {  	_ =	shalt  }
0x7f: {  	_ =	shalt  }
0x80: {  	_ =	shalt  }
0x81: {  	_ =	shalt  }
0x82: {  	_ =	shalt  }
0x83: {  	_ =	shalt  }
0x84: {  	_ =	shalt  }
0x85: {  	_ =	shalt  }
0x86: {  	_ =	shalt  }
0x87: {  	_ =	shalt  }
.Lfunc_end0:
.L_simem_size_0:
called_computation.1_lowered:
.L_overlay_start_0:
0x88: {  	s2 =	sld [smem:$0x3FD9]  }
0x89: {  	s3 =	sld [smem:$0x3FFE];
	_ =	sdelay $0x1  }
0x8a: {  	s1 =	srdreg.scid  }
0x8b: {  	s0 =	sand.u32 $0x1, s1  }
0x8c: {  	s17 =	sshll.u32 s0, $0xA;
	s2 =	sadd.s32 s3, s2  }
0x8d: {  	s2 =	sadd.s32 s2, s17  }
0x8e: {  	[smem:$0x3FC2] =	sst s2  }
0x8f: {  	_ = 	snop  }
0x90: {  	s2 =	sld [smem:$0x3FD0];
	(tm) =	ssettm $0x1  }
0x91: {  	s18 =	sld [smem:$0x3FFB];
	_ =	sdelay $0x3  }
0x92: {  	_ =	strace s18  }
0x93: {  	s3 =	sld [smem:$0x3FFC];
	_ =	sdelay $0x3  }
0x94: {  	_ =	strace s3  }
0x95: {  	s3 =	sld [smem:$0x3FFD];
	_ =	sdelay $0x3  }
0x96: {  	_ =	strace s3  }
0x97: {  	_ =	strace $0x8FFFFFFF  }
0x98: {  	s19 =	sld [smem:$0x3FDB];
	_ =	sdelay $0x1  }
0x99: {  	s4 =	simm.s32 $_scs_section_size  }
0x9a: {  	s5 =	simm.s32 $_size__tile_overlayer_lowered;
	s6 =	simm.s32 $_tile_overlayer_lowered  }
0x9b: {  	s22 =	simm.s32 $0x1BFF;
	s21 =	sshll.u32 s6, $0x1;
	s3 =	sadd.s32 s4, s19  }
0x9c: {  	s7 =	simm.s32 $0x0;
	s20 =	sshll.u32 s5, $0x1;
	s5 =	sadd.s32 s21, s3  }
0x9d: {  	[timem:s7], [sflag:s22] =	dma.local [hbm:s5], s20  }
0x9e: {  	_ =	swait.ge [sflag:s22], s20  }
0x9f: {  	s4 =	ssub.s32 $0x0, s20;
	[sflag:s22] =	ssyncset.done $0x0  }
0xa0: {  	[sflag:s22] =	ssyncadd.s32 s4;
	_ =	sdelay $0x1  }
0xa1: {  	s23 =	simm.s32 $0x1B8B  }
0xa2: {  	_ =	swait.ge [sflag:s23], $0x1  }
0xa3: {  	[sflag:s23] =	ssyncset.done $0x0  }
0xa4: {  	s25 =	simm.s32 $0x1B8E;
	s24 =	sld [smem:$0x3FFE];
	[sflag:s23] =	ssyncadd.s32 $0xFFFFFFFF  }
0xa5: {  	s26 =	simm.s32 $execute0_lowered;
	[smem:$0x3FD2] =	sst s25  }
0xa6: {  	s5 =	sshll.u32 s26, $0x1;
	_ =	strace $0x80000049;
	[dreg:$0x1] =	wrdreg $0xFFFFFFFF  }
0xa7: {  	s28 =	simm.s32 $_size_execute0_lowered;
	s3 =	sadd.s32 s3, s5;
	[dreg:$0x0] =	wrdreg $0x0  }
0xa8: {  	s5 =	sshll.u32 s28, $0x1;
	[dreg:$0x2] =	wrdreg s3  }
0xa9: {  	[dreg:$0x3] =	wrdreg s5  }
0xaa: {  	[dreg:$0x4] =	wrdreg $0xC0  }
0xab: {  	_ =	task [dreg:s7], $0x5FFFF  }
0xac: {  	[dreg:$0x1] =	wrdreg $0xFFFFFFFF  }
0xad: {  	[dreg:$0x0] =	wrdreg $0x60  }
0xae: {  	[dreg:$0x2] =	wrdreg s2  }
0xaf: {  	[dreg:$0x3] =	wrdreg s24  }
0xb0: {  	[dreg:$0x4] =	wrdreg $0x84000  }
0xb1: {  	[dreg:$0x5] =	wrdreg $0x9  }
0xb2: {  	_ =	task.clear_ibuf [dreg:s7], $0x6FFFF;
	_ =	strace $0x90000049  }
0xb3: {  	s29 =	simm.s32 $0x9;
	_ =	strace $0x8000004B  }
0xb4: {  	_ =	swait.ge [sflag:s29], $0x1  }
0xb5: {  	[sflag:s29] =	ssyncadd.s32 $0xFFFFFFFF  }
0xb6: {  	_ =	strace $0x9000004B  }
0xb7: {  	_ =	sfence  }
0xb8: {  	s30 =	sld [smem:$0x0];
	_ =	sdelay $0x2  }
0xb9: {  	s31 =	sshll.u32 s1, $0xD;
	s1 =	sshrl.u32 s1, $0x2  }
0xba: {  	s3 =	sand.u32 $0x4000, s31;
	s1 =	sadd.s32 s1, s30  }
0xbb: {  	s0 =	sor.u32 s3, s0;
	s1 =	sshll.u32 s1, $0x11  }
0xbc: {  	s0 =	sor.u32 s1, s0  }
0xbd: {  	s0 =	sadd.s32 $0x8F2B, s0  }
0xbe: {  	[sflag:s0] =	ssyncadd.remote.s32 $0x1  }
0xbf: {  	_ =	sfence.sel $0xFFFF  }
0xc0: {  	[dreg:$0x0] =	wrdreg $0xFFFFFFFF;
	(pc) =	sbr.abs _section_cstart, $3  }
0xc1: {  	[dreg:$0x1] =	wrdreg $0xFFFFFFFF  }
0xc2: {  	_ =	task.clear_ibuf [dreg:s7], $0x2FFFF;
	_ =	strace $0x9FFFFFFF  }
0xc3: {  	(tm) =	ssettm $0x7FFFFFFF  }
tec
execute0_lowered:
.L_overlay_start_1:
0x0: {  	(tag) =	ssettag $0x1  }
0x1: {  	s1 =	rddreg [dreg:$0x0]  }
0x2: {  	s0 =	rddreg [dreg:$0x1]  }
0x3: {  	s2 =	rddreg [dreg:$0x2]  }
0x4: {  	s4 =	simm.s32 $0x0;
	s3 =	srdreg.scid;
	s6 =	stileid.u32  }
0x5: {  	s15 =	simm.s32 $0x7;
	s16 =	simm.s32 $0x100;
	s17 =	simm.s32 $0x200  }
0x6: {  	s18 =	simm.s32 $0x300;
	s26 =	simm.s32 $0x180;
	s30 =	simm.s32 $0x280  }
0x7: {  	s31 =	simm.s32 $0x380;
	s28 =	simm.s32 $0x4;
	s29 =	simm.s32 $0x0  }
0x8: {  	[smem:$0x7FF] =	sst s4;
	s5 =	sadd.s32 $0x3A00, s0;
	s3 =	sand.u32 $0x1, s3  }
0x9: {  	s7 =	smul.u32 $0x2800, s6;
	s8 =	sadd.s32 $0x17A00, s0;
	s9 =	sshll.u32 s6, $0x1  }
0xa: {  	s20 =	smul.u32 $0x50000, s6;
	_ =	strace $0x8000004A;
	[dreg:$0xb] =	wrdreg s8  }
0xb: {  	s23 =	sshll.u32 s6, $0x6;
	s19 =	smul.u32 $0x28000, s3;
	[dreg:$0x8] =	wrdreg s26  }
0xc: {  	s10 =	ssub.s32 $0x2, s3;
	s3 =	sor.u32 s3, s9;
	[dreg:$0x9] =	wrdreg s30  }
0xd: {  	[dreg:$0xa] =	wrdreg s31;
	s26 =	simm.s32 $0x6;
	s21 =	sshrl.u32 s10, $0x1  }
0xe: {  	s3 =	smul.u32 $0x5000, s3;
	s22 =	sshrl.u32 s20, $0x2;
	s20 =	simm.s32 $0x80  }
0xf: {  	s7 =	sadd.s32 s7, s19;
	s13 =	ssub.s32 s10, s21;
	s14 =	sadd.s32 s22, s2  }
0x10: {  	s19 =	simm.s32 $0x1;
	s21 =	simm.s32 $0x400;
	s22 =	simm.s32 $0x2  }
0x11: {  	s0 =	sadd.s32 s7, s0;
	s24 =	sshrl.u32 s3, $0x3;
	s25 =	sor.u32 $0x400, s3  }
0x12: {  	s7 =	sor.u32 $0x1C07, s23;
	s11 =	sor.u32 $0x500, s3;
	[dreg:$0x4] =	wrdreg s25  }
0x13: {  	s12 =	sor.u32 $0x600, s3;
	s3 =	sor.u32 $0x700, s3;
	[dreg:$0x5] =	wrdreg s11  }
0x14: {  	s13 =	smax.u32 s13, $0x1;
	s14 =	sshrl.u32 s14, $0x3;
	[dreg:$0x6] =	wrdreg s12  }
0x15: {  	s23 =	simm.s32 $0x4400;
	s8 =	sadd.s32 s5, s24;
	[dreg:$0x7] =	wrdreg s3  }
0x16: {  	s12 =	sadd.s32 $0xB8600, s0;
	s24 =	simm.s32 $0x5;
	s25 =	simm.s32 $0x3  }
0x17: {  	s9 =	sadd.s32 $0x20, s8;
	s10 =	sadd.s32 $0x40, s8;
	s11 =	sadd.s32 $0x60, s8  }
.LBB2_1:
0x18: {  	s0 =	rddreg [dreg:$0xb]  }
0x19: {  	[spmem:s14], [sflag:s7] =	dma.local [hbm:s0], $0x2800  }
0x1a: {  	_ =	swait.ge [sflag:s15], $0x2800  }
0x1b: {  	[sflag:s15] =	ssyncset.done $0x0  }
0x1c: {  	[sflag:s15] =	ssyncadd.s32 $0xFFFFD800  }
0x1d: {  	[tilespmem:s4], [sflag:$0x1] =	stream.linear.gather [hbm4b:s8+s4], $0x100, $0x38;
	[tilespmem:$0x1C400] =	vst v63  }
0x1e: {  	_ = 	snop  }
0x1f: {  	[tilespmem:s16], [sflag:$0x2] =	stream.linear.gather [hbm4b:s9+s4], $0x100, $0x38;
	[tilespmem:$0x1C400] =	vst v63  }
0x20: {  	_ = 	snop  }
0x21: {  	[tilespmem:s17], [sflag:$0x3] =	stream.linear.gather [hbm4b:s10+s4], $0x100, $0x38;
	[tilespmem:$0x1C400] =	vst v63  }
0x22: {  	_ = 	snop  }
0x23: {  	[tilespmem:s18], [sflag:$0x4] =	stream.linear.gather [hbm4b:s11+s4], $0x100, $0x38;
	[tilespmem:$0x1C400] =	vst v63  }
0x24: {  	[bflag:$0x0] =	sbarrier.arrive $0xFFFF  }
0x25: {  	_ =	swait.ge [sflag:s19], $0x100  }
0x26: {  	[sflag:s19] =	ssyncset.done $0x0  }
0x27: {  	[sflag:s19] =	ssyncadd.s32 $0xFFFFFF00  }
0x28: {  	[tilespmem:s21], [sflag:$0x5] =	stream.indirect.gather [hbm4b:s1+s20], $0x80, s20, s20, $0xb8;
	[tilespmem:$0x1C400] =	vst v63  }
0x29: {  	_ =	swait.ge [sflag:s22], $0x100  }
0x2a: {  	[sflag:s22] =	ssyncset.done $0x0  }
0x2b: {  	s3 =	rddreg [dreg:$0x8];
	[sflag:s22] =	ssyncadd.s32 $0xFFFFFF00  }
0x2c: {  	[tilespmem:s23], [sflag:$0x6] =	stream.indirect.gather [hbm4b:s1+s20], $0x80, s3, s20, $0xb8;
	[tilespmem:$0x1C400] =	vst v63  }
0x2d: {  	_ =	swait.ge [sflag:s24], $0x4000  }
0x2e: {  	[sflag:s24] =	ssyncset.done $0x0  }
0x2f: {  	[sflag:s24] =	ssyncadd.s32 $0xFFFFC000  }
0x30: {  	[spmem:s2] =	stream.indirect.scatter.add.f32 [tilespmem:s21], [sflag:$0x7], $0x80, s4, s20, $0xb8;
	[tilespmem:$0x1C400] =	vst v63  }
0x31: {  	s3 =	smin.u32 s4, $0x4B;
	_ =	swait.ge [sflag:s15], $0x4000  }
0x32: {  	s3 =	sshll.u32 s3, $0x8;
	s6 =	rddreg [dreg:$0x4]  }
0x33: {  	s0 =	sadd.s32 s3, s6  }
0x34: {  	[sflag:s15] =	ssyncset.done $0x0;
	s0 =	sshrl.u32 s0, $0x3  }
0x35: {  	[sflag:s15] =	ssyncadd.s32 $0xFFFFC000;
	s0 =	sadd.s32 s5, s0  }
0x36: {  	[tilespmem:s4], [sflag:$0x1] =	stream.linear.gather [hbm4b:s0+s4], $0x100, $0x38;
	[tilespmem:$0x1C400] =	vst v63  }
0x37: {  	_ =	swait.ge [sflag:s25], $0x100  }
0x38: {  	[sflag:s25] =	ssyncset.done $0x0  }
0x39: {  	s3 =	rddreg [dreg:$0x9];
	[sflag:s25] =	ssyncadd.s32 $0xFFFFFF00  }
0x3a: {  	[tilespmem:s21], [sflag:$0x5] =	stream.indirect.gather [hbm4b:s1+s20], $0x80, s3, s20, $0xb8;
	[tilespmem:$0x1C400] =	vst v63  }
0x3b: {  	_ =	swait.ge [sflag:s26], $0x4000  }
0x3c: {  	[sflag:s26] =	ssyncset.done $0x0  }
0x3d: {  	[sflag:s26] =	ssyncadd.s32 $0xFFFFC000  }
0x3e: {  	[spmem:s2] =	stream.indirect.scatter.add.f32 [tilespmem:s23], [sflag:$0x7], $0x80, s16, s20, $0xb8;
	[tilespmem:$0x1C400] =	vst v63  }
0x3f: {  	s6 =	smin.u32 s4, $0x4A;
	_ =	swait.ge [sflag:s15], $0x4000  }
0x40: {  	s3 =	sshll.u32 s6, $0x8;
	s0 =	rddreg [dreg:$0x5]  }
0x41: {  	s0 =	sadd.s32 s3, s0  }
0x42: {  	[sflag:s15] =	ssyncset.done $0x0;
	s0 =	sshrl.u32 s0, $0x3  }
0x43: {  	[sflag:s15] =	ssyncadd.s32 $0xFFFFC000;
	s0 =	sadd.s32 s5, s0  }
0x44: {  	[tilespmem:s16], [sflag:$0x2] =	stream.linear.gather [hbm4b:s0+s4], $0x100, $0x38;
	[tilespmem:$0x1C400] =	vst v63  }
0x45: {  	_ =	swait.ge [sflag:s28], $0x100  }
0x46: {  	[sflag:s28] =	ssyncset.done $0x0  }
0x47: {  	s3 =	rddreg [dreg:$0xa];
	[sflag:s28] =	ssyncadd.s32 $0xFFFFFF00  }
0x48: {  	[tilespmem:s23], [sflag:$0x6] =	stream.indirect.gather [hbm4b:s1+s20], $0x80, s3, s20, $0xb8;
	[tilespmem:$0x1C400] =	vst v63  }
0x49: {  	_ =	swait.ge [sflag:s24], $0x4000  }
0x4a: {  	[sflag:s24] =	ssyncset.done $0x0  }
0x4b: {  	[sflag:s24] =	ssyncadd.s32 $0xFFFFC000  }
0x4c: {  	[spmem:s2] =	stream.indirect.scatter.add.f32 [tilespmem:s21], [sflag:$0x7], $0x80, s17, s20, $0xb8;
	[tilespmem:$0x1C400] =	vst v63  }
0x4d: {  	s6 =	smin.u32 s4, $0x49;
	_ =	swait.ge [sflag:s15], $0x4000  }
0x4e: {  	s3 =	sshll.u32 s6, $0x8;
	s0 =	rddreg [dreg:$0x6]  }
0x4f: {  	s0 =	sadd.s32 s3, s0  }
0x50: {  	[sflag:s15] =	ssyncset.done $0x0;
	s0 =	sshrl.u32 s0, $0x3  }
0x51: {  	[sflag:s15] =	ssyncadd.s32 $0xFFFFC000;
	s0 =	sadd.s32 s5, s0  }
0x52: {  	[tilespmem:s17], [sflag:$0x3] =	stream.linear.gather [hbm4b:s0+s4], $0x100, $0x38;
	[tilespmem:$0x1C400] =	vst v63  }
0x53: {  	_ =	swait.ge [sflag:s19], $0x100  }
0x54: {  	[sflag:s19] =	ssyncset.done $0x0  }
0x55: {  	[sflag:s19] =	ssyncadd.s32 $0xFFFFFF00  }
0x56: {  	[tilespmem:s21], [sflag:$0x5] =	stream.indirect.gather [hbm4b:s1+s20], $0x80, s20, s20, $0xb8;
	[tilespmem:$0x1C400] =	vst v63  }
0x57: {  	_ =	swait.ge [sflag:s26], $0x4000  }
0x58: {  	[sflag:s26] =	ssyncset.done $0x0  }
0x59: {  	[sflag:s26] =	ssyncadd.s32 $0xFFFFC000  }
0x5a: {  	[spmem:s2] =	stream.indirect.scatter.add.f32 [tilespmem:s23], [sflag:$0x7], $0x80, s18, s20, $0xb8;
	[tilespmem:$0x1C400] =	vst v63  }
0x5b: {  	s6 =	smin.u32 s4, $0x48;
	_ =	swait.ge [sflag:s15], $0x4000  }
0x5c: {  	s3 =	sshll.u32 s6, $0x8;
	s0 =	rddreg [dreg:$0x7]  }
0x5d: {  	s0 =	sadd.s32 s3, s0  }
0x5e: {  	[sflag:s15] =	ssyncset.done $0x0;
	s0 =	sshrl.u32 s0, $0x3  }
0x5f: {  	[sflag:s15] =	ssyncadd.s32 $0xFFFFC000;
	s0 =	sadd.s32 s5, s0  }
0x60: {  	[tilespmem:s18], [sflag:$0x4] =	stream.linear.gather [hbm4b:s0+s4], $0x100, $0x38;
	[tilespmem:$0x1C400] =	vst v63  }
0x61: {  	s30 =	simm.s32 $0x4;
	_ =	swait.ge [sflag:s22], $0x100  }
0x62: {  	s31 =	simm.s32 $0x8;
	s3 =	rddreg [dreg:$0x8];
	[sflag:s22] =	ssyncset.done $0x0  }
.LBB2_2:
0x63: {  	[sflag:s22] =	ssyncadd.s32 $0xFFFFFF00  }
0x64: {  	[tilespmem:s23], [sflag:$0x6] =	stream.indirect.gather [hbm4b:s1+s20], $0x80, s3, s20, $0xb8;
	[tilespmem:$0x1C400] =	vst v63  }
0x65: {  	_ =	swait.ge [sflag:s24], $0x4000  }
0x66: {  	[sflag:s24] =	ssyncset.done $0x0  }
0x67: {  	[sflag:s24] =	ssyncadd.s32 $0xFFFFC000  }
0x68: {  	[spmem:s2] =	stream.indirect.scatter.add.f32 [tilespmem:s21], [sflag:$0x7], $0x80, s4, s20, $0xb8;
	[tilespmem:$0x1C400] =	vst v63  }
0x69: {  	s6 =	smin.u32 s30, $0x4B;
	_ =	swait.ge [sflag:s15], $0x4000  }
0x6a: {  	s6 =	sshll.u32 s6, $0x8;
	s3 =	rddreg [dreg:$0x4]  }
0x6b: {  	s3 =	sadd.s32 s6, s3  }
0x6c: {  	[sflag:s15] =	ssyncset.done $0x0;
	s3 =	sshrl.u32 s3, $0x3  }
0x6d: {  	[sflag:s15] =	ssyncadd.s32 $0xFFFFC000;
	s3 =	sadd.s32 s5, s3  }
0x6e: {  	[tilespmem:s4], [sflag:$0x1] =	stream.linear.gather [hbm4b:s3+s4], $0x100, $0x38;
	[tilespmem:$0x1C400] =	vst v63  }
0x6f: {  	_ =	swait.ge [sflag:s25], $0x100  }
0x70: {  	[sflag:s25] =	ssyncset.done $0x0  }
0x71: {  	s6 =	rddreg [dreg:$0x9];
	[sflag:s25] =	ssyncadd.s32 $0xFFFFFF00  }
0x72: {  	[tilespmem:s21], [sflag:$0x5] =	stream.indirect.gather [hbm4b:s1+s20], $0x80, s6, s20, $0xb8;
	[tilespmem:$0x1C400] =	vst v63  }
0x73: {  	_ =	swait.ge [sflag:s26], $0x4000  }
0x74: {  	[sflag:s26] =	ssyncset.done $0x0  }
0x75: {  	[sflag:s26] =	ssyncadd.s32 $0xFFFFC000  }
0x76: {  	[spmem:s2] =	stream.indirect.scatter.add.f32 [tilespmem:s23], [sflag:$0x7], $0x80, s16, s20, $0xb8;
	[tilespmem:$0x1C400] =	vst v63  }
0x77: {  	s6 =	smin.u32 s30, $0x4A;
	_ =	swait.ge [sflag:s15], $0x4000  }
0x78: {  	s6 =	sshll.u32 s6, $0x8;
	s3 =	rddreg [dreg:$0x5]  }
0x79: {  	s3 =	sadd.s32 s6, s3  }
0x7a: {  	[sflag:s15] =	ssyncset.done $0x0;
	s3 =	sshrl.u32 s3, $0x3  }
0x7b: {  	[sflag:s15] =	ssyncadd.s32 $0xFFFFC000;
	s3 =	sadd.s32 s5, s3  }
0x7c: {  	[tilespmem:s16], [sflag:$0x2] =	stream.linear.gather [hbm4b:s3+s4], $0x100, $0x38;
	[tilespmem:$0x1C400] =	vst v63  }
0x7d: {  	_ =	swait.ge [sflag:s28], $0x100  }
0x7e: {  	[sflag:s28] =	ssyncset.done $0x0  }
0x7f: {  	s6 =	rddreg [dreg:$0xa];
	[sflag:s28] =	ssyncadd.s32 $0xFFFFFF00  }
0x80: {  	[tilespmem:s23], [sflag:$0x6] =	stream.indirect.gather [hbm4b:s1+s20], $0x80, s6, s20, $0xb8;
	[tilespmem:$0x1C400] =	vst v63  }
0x81: {  	_ =	swait.ge [sflag:s24], $0x4000  }
0x82: {  	[sflag:s24] =	ssyncset.done $0x0  }
0x83: {  	[sflag:s24] =	ssyncadd.s32 $0xFFFFC000  }
0x84: {  	[spmem:s2] =	stream.indirect.scatter.add.f32 [tilespmem:s21], [sflag:$0x7], $0x80, s17, s20, $0xb8;
	[tilespmem:$0x1C400] =	vst v63  }
0x85: {  	s6 =	smin.u32 s30, $0x49;
	_ =	swait.ge [sflag:s15], $0x4000  }
0x86: {  	s6 =	sshll.u32 s6, $0x8;
	s3 =	rddreg [dreg:$0x6]  }
0x87: {  	s3 =	sadd.s32 s6, s3  }
0x88: {  	[sflag:s15] =	ssyncset.done $0x0;
	s3 =	sshrl.u32 s3, $0x3  }
0x89: {  	[sflag:s15] =	ssyncadd.s32 $0xFFFFC000;
	s3 =	sadd.s32 s5, s3  }
0x8a: {  	[tilespmem:s17], [sflag:$0x3] =	stream.linear.gather [hbm4b:s3+s4], $0x100, $0x38;
	[tilespmem:$0x1C400] =	vst v63  }
0x8b: {  	_ =	swait.ge [sflag:s19], $0x100  }
0x8c: {  	[sflag:s19] =	ssyncset.done $0x0  }
0x8d: {  	[sflag:s19] =	ssyncadd.s32 $0xFFFFFF00  }
0x8e: {  	[tilespmem:s21], [sflag:$0x5] =	stream.indirect.gather [hbm4b:s1+s20], $0x80, s20, s20, $0xb8;
	[tilespmem:$0x1C400] =	vst v63  }
0x8f: {  	_ =	swait.ge [sflag:s26], $0x4000  }
0x90: {  	[sflag:s26] =	ssyncset.done $0x0  }
0x91: {  	[sflag:s26] =	ssyncadd.s32 $0xFFFFC000  }
0x92: {  	[spmem:s2] =	stream.indirect.scatter.add.f32 [tilespmem:s23], [sflag:$0x7], $0x80, s18, s20, $0xb8;
	[tilespmem:$0x1C400] =	vst v63  }
0x93: {  	s6 =	smin.u32 s30, $0x48;
	_ =	swait.ge [sflag:s15], $0x4000  }
0x94: {  	s0 =	smov.u32 s31;
	s6 =	sshll.u32 s6, $0x8;
	s3 =	rddreg [dreg:$0x7]  }
0x95: {  	p0 =	sne.s32 s31, $0x4C;
	s30 =	smov.u32 s0;
	s0 =	sadd.s32 s6, s3  }
.Ltmp0:
0x96: {  	[sflag:s15] =	ssyncset.done $0x0;
	s0 =	sshrl.u32 s0, $0x3;
	(pc) =	sbr.rel @p0 .LBB2_2-.Ltmp0, $4  }
0x97: {  	[sflag:s15] =	ssyncadd.s32 $0xFFFFC000;
	s0 =	sadd.s32 s5, s0  }
0x98: {  	[tilespmem:s18], [sflag:$0x4] =	stream.linear.gather [hbm4b:s0+s4], $0x100, $0x38;
	[tilespmem:$0x1C400] =	vst v63  }
0x99: {  	_ =	swait.ge [sflag:s22], $0x100  }
0x9a: {  	s31 =	sadd.s32 $0x4, s31;
	s3 =	rddreg [dreg:$0x8];
	[sflag:s22] =	ssyncset.done $0x0  }
0x9b: {  	[sflag:s22] =	ssyncadd.s32 $0xFFFFFF00  }
0x9c: {  	[tilespmem:s23], [sflag:$0x6] =	stream.indirect.gather [hbm4b:s1+s20], $0x80, s3, s20, $0xb8;
	[tilespmem:$0x1C400] =	vst v63  }
0x9d: {  	_ =	swait.ge [sflag:s24], $0x4000  }
0x9e: {  	[sflag:s24] =	ssyncset.done $0x0  }
0x9f: {  	[sflag:s24] =	ssyncadd.s32 $0xFFFFC000  }
0xa0: {  	[spmem:s2] =	stream.indirect.scatter.add.f32 [tilespmem:s21], [sflag:$0x7], $0x80, s4, s20, $0xb8;
	[tilespmem:$0x1C400] =	vst v63  }
0xa1: {  	s31 =	smin.u32 s30, $0x4B;
	_ =	swait.ge [sflag:s15], $0x4000  }
0xa2: {  	s3 =	sshll.u32 s31, $0x8;
	s0 =	rddreg [dreg:$0x4]  }
0xa3: {  	s0 =	sadd.s32 s3, s0  }
0xa4: {  	[sflag:s15] =	ssyncset.done $0x0;
	s0 =	sshrl.u32 s0, $0x3  }
0xa5: {  	[sflag:s15] =	ssyncadd.s32 $0xFFFFC000;
	s0 =	sadd.s32 s5, s0  }
0xa6: {  	[tilespmem:s4], [sflag:$0x1] =	stream.linear.gather [hbm4b:s0+s4], $0x100, $0x38;
	[tilespmem:$0x1C400] =	vst v63  }
0xa7: {  	_ =	swait.ge [sflag:s25], $0x100  }
0xa8: {  	[sflag:s25] =	ssyncset.done $0x0  }
0xa9: {  	s3 =	rddreg [dreg:$0x9];
	[sflag:s25] =	ssyncadd.s32 $0xFFFFFF00  }
0xaa: {  	[tilespmem:s21], [sflag:$0x5] =	stream.indirect.gather [hbm4b:s1+s20], $0x80, s3, s20, $0xb8;
	[tilespmem:$0x1C400] =	vst v63  }
0xab: {  	_ =	swait.ge [sflag:s26], $0x4000  }
0xac: {  	[sflag:s26] =	ssyncset.done $0x0  }
0xad: {  	[sflag:s26] =	ssyncadd.s32 $0xFFFFC000  }
0xae: {  	[spmem:s2] =	stream.indirect.scatter.add.f32 [tilespmem:s23], [sflag:$0x7], $0x80, s16, s20, $0xb8;
	[tilespmem:$0x1C400] =	vst v63  }
0xaf: {  	s31 =	smin.u32 s30, $0x4A;
	_ =	swait.ge [sflag:s15], $0x4000  }
0xb0: {  	s3 =	sshll.u32 s31, $0x8;
	s6 =	rddreg [dreg:$0x5]  }
0xb1: {  	s0 =	sadd.s32 s3, s6  }
0xb2: {  	[sflag:s15] =	ssyncset.done $0x0;
	s0 =	sshrl.u32 s0, $0x3  }
0xb3: {  	[sflag:s15] =	ssyncadd.s32 $0xFFFFC000;
	s0 =	sadd.s32 s5, s0  }
0xb4: {  	[tilespmem:s16], [sflag:$0x2] =	stream.linear.gather [hbm4b:s0+s4], $0x100, $0x38;
	[tilespmem:$0x1C400] =	vst v63  }
0xb5: {  	_ =	swait.ge [sflag:s28], $0x100  }
0xb6: {  	[sflag:s28] =	ssyncset.done $0x0  }
0xb7: {  	s3 =	rddreg [dreg:$0xa];
	[sflag:s28] =	ssyncadd.s32 $0xFFFFFF00  }
0xb8: {  	[tilespmem:s23], [sflag:$0x6] =	stream.indirect.gather [hbm4b:s1+s20], $0x80, s3, s20, $0xb8;
	[tilespmem:$0x1C400] =	vst v63  }
0xb9: {  	_ =	swait.ge [sflag:s24], $0x4000  }
0xba: {  	[sflag:s24] =	ssyncset.done $0x0  }
0xbb: {  	[sflag:s24] =	ssyncadd.s32 $0xFFFFC000  }
0xbc: {  	[spmem:s2] =	stream.indirect.scatter.add.f32 [tilespmem:s21], [sflag:$0x7], $0x80, s17, s20, $0xb8;
	[tilespmem:$0x1C400] =	vst v63  }
0xbd: {  	s31 =	smin.u32 s30, $0x49;
	_ =	swait.ge [sflag:s15], $0x4000  }
0xbe: {  	s3 =	sshll.u32 s31, $0x8;
	s6 =	rddreg [dreg:$0x6]  }
0xbf: {  	s0 =	sadd.s32 s3, s6  }
0xc0: {  	[sflag:s15] =	ssyncset.done $0x0;
	s0 =	sshrl.u32 s0, $0x3  }
0xc1: {  	[sflag:s15] =	ssyncadd.s32 $0xFFFFC000;
	s0 =	sadd.s32 s5, s0  }
0xc2: {  	[tilespmem:s17], [sflag:$0x3] =	stream.linear.gather [hbm4b:s0+s4], $0x100, $0x38;
	[tilespmem:$0x1C400] =	vst v63  }
0xc3: {  	_ =	swait.ge [sflag:s19], $0x100  }
0xc4: {  	[sflag:s19] =	ssyncset.done $0x0  }
0xc5: {  	[sflag:s19] =	ssyncadd.s32 $0xFFFFFF00  }
0xc6: {  	[tilespmem:s21], [sflag:$0x5] =	stream.indirect.gather [hbm4b:s1+s20], $0x80, s20, s20, $0xb8;
	[tilespmem:$0x1C400] =	vst v63  }
0xc7: {  	_ =	swait.ge [sflag:s26], $0x4000  }
0xc8: {  	[sflag:s26] =	ssyncset.done $0x0  }
0xc9: {  	[sflag:s26] =	ssyncadd.s32 $0xFFFFC000  }
0xca: {  	[spmem:s2] =	stream.indirect.scatter.add.f32 [tilespmem:s23], [sflag:$0x7], $0x80, s18, s20, $0xb8;
	[tilespmem:$0x1C400] =	vst v63  }
0xcb: {  	s31 =	smin.u32 s30, $0x48;
	_ =	swait.ge [sflag:s15], $0x4000  }
0xcc: {  	s3 =	sshll.u32 s31, $0x8;
	s6 =	rddreg [dreg:$0x7]  }
0xcd: {  	s0 =	sadd.s32 s3, s6  }
0xce: {  	[sflag:s15] =	ssyncset.done $0x0;
	s0 =	sshrl.u32 s0, $0x3  }
0xcf: {  	[sflag:s15] =	ssyncadd.s32 $0xFFFFC000;
	s0 =	sadd.s32 s5, s0  }
0xd0: {  	[tilespmem:s18], [sflag:$0x4] =	stream.linear.gather [hbm4b:s0+s4], $0x100, $0x38;
	[tilespmem:$0x1C400] =	vst v63  }
0xd1: {  	_ =	swait.ge [sflag:s22], $0x100  }
0xd2: {  	[sflag:s22] =	ssyncset.done $0x0  }
0xd3: {  	[sflag:s22] =	ssyncadd.s32 $0xFFFFFF00  }
0xd4: {  	_ =	swait.ge [sflag:s24], $0x4000  }
0xd5: {  	[sflag:s24] =	ssyncset.done $0x0  }
0xd6: {  	[sflag:s24] =	ssyncadd.s32 $0xFFFFC000  }
0xd7: {  	_ =	swait.ge [sflag:s25], $0x100  }
0xd8: {  	[sflag:s25] =	ssyncset.done $0x0  }
0xd9: {  	[sflag:s25] =	ssyncadd.s32 $0xFFFFFF00  }
0xda: {  	_ =	swait.ge [sflag:s28], $0x100  }
0xdb: {  	s29 =	sadd.s32 $0x1, s29;
	[sflag:s28] =	ssyncset.done $0x0  }
0xdc: {  	p0 =	sne.s32 s29, s13;
	[sflag:s28] =	ssyncadd.s32 $0xFFFFFF00  }
.Ltmp1:
0xdd: {  	[bflag:$0x0] =	sbarrier.arrive $0xFFFF;
	(pc) =	sbr.rel @p0 .LBB2_1-.Ltmp1, $4  }
0xde: {  	[hbm:s12], [sflag:s7] =	dma.local [spmem:s14], $0x2800  }
0xdf: {  	_ =	swait.ge [sflag:s15], $0x2800  }
0xe0: {  	[sflag:s15] =	ssyncset.done $0x0  }
0xe1: {  	[sflag:s15] =	ssyncadd.s32 $0xFFFFD800  }
0xe2: {  	_ =	sfence.sel $0x180000  }
0xe3: {  	[bflag:$0x0] =	sbarrier.arrive $0xFFFF  }
0xe4: {  	_ =	strace $0x9000004A  }
0xe5: {  	s0 =	stileid.u32;
	[bflag:$0x2] =	sbarrier.arrive $0xFFFF  }
0xe6: {  	p0 =	sne.s32 s0, $0x0;
	s0 =	rddreg [dreg:$0x3]  }
0xe7: {  	s0 =	sadd.s32 @!p0 $0x100000, s0  }
0xe8: {  	[sflag:s0] =	ssyncadd.tile.s32 @!p0 $0x1;
	_ =	shalt  }
.Lfunc_end2:
_tile_overlayer_lowered:
.L_overlay_start_2:
0xe9: {  	(tag) =	ssettag $0x2  }
0xea: {  	s0 =	rddreg [dreg:$0x0];
	s2 =	stileid.u32  }
0xeb: {  	s1 =	rddreg [dreg:$0x1];
	p0 =	sne.s32 s2, $0x0  }
0xec: {  	s3 =	rddreg [dreg:$0x2];
	[bflag:$0x3] =	sbarrier.arrive $0xFFFF;
	s2 =	simm.s32 @!p0 $0x1C07  }
0xed: {  	[timem:s3], [sflag:s2] =	dma.local @!p0 [hbm:s0], s1  }
0xee: {  	s0 =	simm.s32 @!p0 $0x7  }
0xef: {  	_ =	swait.ge @!p0 [sflag:s0], s1  }
0xf0: {  	s1 =	ssub.s32 @!p0 $0x0, s1;
	[sflag:s0] =	ssyncset.done @!p0 $0x0  }
0xf1: {  	[sflag:s0] =	ssyncadd.s32 @!p0 s1  }
0xf2: {  	[bflag:$0x3] =	sbarrier.arrive $0xFFFF  }
0xf3: {  	_ =	shalt  }

// kernel: kernel.15.cloned.1.call-start
scs
__scs_entry_jumppad:
0x0: {  	(pc) =	sbr.rel $0x88, $3  }
0x1: {  	(tag) =	ssettag $0x0;
	lr =	simm.s32 $0x1  }
0x2: {  	[smem:$0x3F9B] =	sst lr;
	_ =	strace $0xD0000000  }
0x3: {  	_ = 	snop  }
0x4: {  	_ = 	snop  }
0x5: {  	_ = 	snop  }
0x6: {  	_ = 	snop  }
0x7: {  	_ = 	snop  }
__scs_overlays_trampoline_lowered:
0x8: {  	[smem:$0x3FAA] =	sst s0  }
0x9: {  	[smem:$0x3FAB] =	sst s1  }
0xa: {  	[smem:$0x3FAC] =	sst s2  }
0xb: {  	[smem:$0x3FAD] =	sst s3  }
0xc: {  	[smem:$0x3FAE] =	sst s4  }
0xd: {  	[smem:$0x3FAF] =	sst s5  }
0xe: {  	[smem:$0x3FB0] =	sst s6  }
0xf: {  	[smem:$0x3FB1] =	sst s7  }
0x10: {  	[smem:$0x3FB2] =	sst s8  }
0x11: {  	[smem:$0x3FB3] =	sst s9;
	s0 =	simm.s32 @!p0 $0x0  }
0x12: {  	s1 =	sld [smem:$0x3F99];
	s0 =	simm.s32 @p0 $0x1  }
0x13: {  	[smem:$0x3FB4] =	sst s0;
	s0 =	simm.s32 @!p1 $0x0  }
0x14: {  	s2 =	sld [smem:$0x3F98];
	s0 =	simm.s32 @p1 $0x1  }
0x15: {  	[smem:$0x3FB5] =	sst s0;
	s0 =	simm.s32 @!p2 $0x0  }
0x16: {  	s3 =	sld [smem:$0x3FDB];
	s0 =	simm.s32 @p2 $0x1  }
0x17: {  	s4 =	simm.s32 $0x1BF5;
	[smem:$0x3FB7] =	sst s0  }
0x18: {  	s0 =	sld [smem:$0x3F9A];
	_ =	swait.ge [sflag:s4], $0x0  }
0x19: {  	s7 =	sld [smem:$0x3F9B]  }
0x1a: {  	s8 =	sadd.s32 $0xFFFFE003, lr  }
0x1b: {  	s9 =	sadd.s32 $0xFFFFFEF7, lr;
	s5 =	simm.s32 $0xFFFFFFFF;
	p2 =	slt.u32 s8, $0xFFFFF086  }
0x1c: {  	p1 =	slt.u32 s9, $0xF7A;
	s5 =	simm.s32 @!p2 $0x0  }
0x1d: {  	s5 =	simm.s32 @p1 $0x1;
	p0 =	seq.s32 s7, s2  }
0x1e: {  	s7 =	smul.u32 @!p0 $0xF7A, s2;
	p2 =	seq.s32 @!p0 s5, $0x0  }
0x1f: {  	s9 =	smul.u32 $0xF7A, s1;
	s8 =	simm.s32 @!p0 $0x1BF5;
	p2 =	por !p2, p0  }
0x20: {  	[sflag:s8] =	ssyncset.s32 @!p0 $0xFFFFF086;
	s6 =	sadd.s32 @!p0 s3, s7;
	s7 =	simm.s32 @!p0 $0x108  }
0x21: {  	s3 =	sadd.s32 s3, s9;
	s6 =	sadd.s32 @!p0 $0x88, s6;
	s7 =	simm.s32 @p2 $0x1082  }
0x22: {  	[simem:s7], [sflag:s8] =	dma.local @!p0 [hbm:s6], $0xF7A  }
0x23: {  	s9 =	sor.u32 $0xD0000000, s2;
	s6 =	simm.s32 $0x108;
	_ =	swait.ge @!p0 [sflag:s8], $0x0  }
0x24: {  	s3 =	sadd.s32 $0x88, s3;
	s6 =	simm.s32 @!p1 $0x1082;
	[sflag:s4] =	ssyncset.s32 $0xFFFFF086  }
0x25: {  	[simem:s6], [sflag:s4] =	dma.local [hbm:s3], $0xF7A  }
0x26: {  	[smem:$0x3F9B] =	sst s1;
	(tag) =	ssettag s2;
	_ =	strace s9  }
0x27: {  	s1 =	sld [smem:$0x3FAB]  }
0x28: {  	s2 =	sld [smem:$0x3FAC]  }
0x29: {  	s4 =	sld [smem:$0x3FAE]  }
0x2a: {  	p0 =	seq.s32 s5, $0x0;
	s5 =	sld [smem:$0x3FAF]  }
0x2b: {  	s6 =	sld [smem:$0x3FB0]  }
0x2c: {  	s7 =	sld [smem:$0x3FB1]  }
0x2d: {  	s3 =	simm.s32 $0x108;
	s8 =	sld [smem:$0x3FB2]  }
0x2e: {  	s3 =	simm.s32 @!p0 $0x1082;
	s9 =	sld [smem:$0x3FB3]  }
0x2f: {  	lr =	sadd.s32 s0, s3;
	s0 =	sld [smem:$0x3FAA]  }
0x30: {  	s3 =	sld [smem:$0x3FAD]  }
0x31: {  	[smem:$0x3FB6] =	sst s10  }
0x32: {  	s10 =	sld [smem:$0x3FB4];
	_ =	sdelay $0x3  }
0x33: {  	p0 =	seq.s32 s10, $0x1;
	s10 =	sld [smem:$0x3FB6];
	_ =	sdelay $0x3  }
0x34: {  	[smem:$0x3FB6] =	sst s10  }
0x35: {  	s10 =	sld [smem:$0x3FB5];
	_ =	sdelay $0x3  }
0x36: {  	p1 =	seq.s32 s10, $0x1;
	s10 =	sld [smem:$0x3FB6];
	_ =	sdelay $0x3  }
0x37: {  	[smem:$0x3FB6] =	sst s10  }
0x38: {  	s10 =	sld [smem:$0x3FB7]  }
0x39: {  	_ = 	snop;
	(pc) =	sbr.ind lr, $3  }
0x3a: {  	_ = 	snop  }
0x3b: {  	_ = 	snop  }
0x3c: {  	p2 =	seq.s32 s10, $0x1;
	s10 =	sld [smem:$0x3FB6]  }
0x3d: {  	_ =	shalt  }
0x3e: {  	_ =	shalt  }
0x3f: {  	_ =	shalt  }
0x40: {  	_ =	shalt  }
0x41: {  	_ =	shalt  }
0x42: {  	_ =	shalt  }
0x43: {  	_ =	shalt  }
0x44: {  	_ =	shalt  }
0x45: {  	_ =	shalt  }
0x46: {  	_ =	shalt  }
0x47: {  	_ =	shalt  }
0x48: {  	_ =	shalt  }
0x49: {  	_ =	shalt  }
0x4a: {  	_ =	shalt  }
0x4b: {  	_ =	shalt  }
0x4c: {  	_ =	shalt  }
0x4d: {  	_ =	shalt  }
0x4e: {  	_ =	shalt  }
0x4f: {  	_ =	shalt  }
0x50: {  	_ =	shalt  }
0x51: {  	_ =	shalt  }
0x52: {  	_ =	shalt  }
0x53: {  	_ =	shalt  }
0x54: {  	_ =	shalt  }
0x55: {  	_ =	shalt  }
0x56: {  	_ =	shalt  }
0x57: {  	_ =	shalt  }
0x58: {  	_ =	shalt  }
0x59: {  	_ =	shalt  }
0x5a: {  	_ =	shalt  }
0x5b: {  	_ =	shalt  }
0x5c: {  	_ =	shalt  }
0x5d: {  	_ =	shalt  }
0x5e: {  	_ =	shalt  }
0x5f: {  	_ =	shalt  }
0x60: {  	_ =	shalt  }
0x61: {  	_ =	shalt  }
0x62: {  	_ =	shalt  }
0x63: {  	_ =	shalt  }
0x64: {  	_ =	shalt  }
0x65: {  	_ =	shalt  }
0x66: {  	_ =	shalt  }
0x67: {  	_ =	shalt  }
0x68: {  	_ =	shalt  }
0x69: {  	_ =	shalt  }
0x6a: {  	_ =	shalt  }
0x6b: {  	_ =	shalt  }
0x6c: {  	_ =	shalt  }
0x6d: {  	_ =	shalt  }
0x6e: {  	_ =	shalt  }
0x6f: {  	_ =	shalt  }
0x70: {  	_ =	shalt  }
0x71: {  	_ =	shalt  }
0x72: {  	_ =	shalt  }
0x73: {  	_ =	shalt  }
0x74: {  	_ =	shalt  }
0x75: {  	_ =	shalt  }
0x76: {  	_ =	shalt  }
0x77: {  	_ =	shalt  }
0x78: {  	_ =	shalt  }
0x79: {  	_ =	shalt  }
0x7a: {  	_ =	shalt  }
0x7b: {  	_ =	shalt  }
0x7c: {  	_ =	shalt  }
0x7d: {  	_ =	shalt  }
0x7e: {  	_ =	shalt  }
0x7f: {  	_ =	shalt  }
0x80: {  	_ =	shalt  }
0x81: {  	_ =	shalt  }
0x82: {  	_ =	shalt  }
0x83: {  	_ =	shalt  }
0x84: {  	_ =	shalt  }
0x85: {  	_ =	shalt  }
0x86: {  	_ =	shalt  }
0x87: {  	_ =	shalt  }
.Lfunc_end0:
.L_simem_size_0:
called_computation.2_lowered:
.L_overlay_start_0:
0x88: {  	s2 =	sld [smem:$0x3FD9]  }
0x89: {  	s3 =	sld [smem:$0x3FFE];
	_ =	sdelay $0x1  }
0x8a: {  	s1 =	srdreg.scid  }
0x8b: {  	s0 =	sand.u32 $0x1, s1  }
0x8c: {  	s17 =	sshll.u32 s0, $0xA;
	s2 =	sadd.s32 s3, s2  }
0x8d: {  	s2 =	sadd.s32 s2, s17  }
0x8e: {  	[smem:$0x3FC2] =	sst s2  }
0x8f: {  	_ = 	snop  }
0x90: {  	s2 =	sld [smem:$0x3FD0];
	(tm) =	ssettm $0x1  }
0x91: {  	s18 =	sld [smem:$0x3FFB];
	_ =	sdelay $0x3  }
0x92: {  	_ =	strace s18  }
0x93: {  	s3 =	sld [smem:$0x3FFC];
	_ =	sdelay $0x3  }
0x94: {  	_ =	strace s3  }
0x95: {  	s3 =	sld [smem:$0x3FFD];
	_ =	sdelay $0x3  }
0x96: {  	_ =	strace s3  }
0x97: {  	_ =	strace $0x8FFFFFFF  }
0x98: {  	s19 =	sld [smem:$0x3FDB];
	_ =	sdelay $0x1  }
0x99: {  	s4 =	simm.s32 $_scs_section_size  }
0x9a: {  	s5 =	simm.s32 $_size__tile_overlayer_lowered;
	s6 =	simm.s32 $_tile_overlayer_lowered  }
0x9b: {  	s22 =	simm.s32 $0x1BFF;
	s21 =	sshll.u32 s6, $0x1;
	s3 =	sadd.s32 s4, s19  }
0x9c: {  	s7 =	simm.s32 $0x0;
	s20 =	sshll.u32 s5, $0x1;
	s5 =	sadd.s32 s21, s3  }
0x9d: {  	[timem:s7], [sflag:s22] =	dma.local [hbm:s5], s20  }
0x9e: {  	_ =	swait.ge [sflag:s22], s20  }
0x9f: {  	s4 =	ssub.s32 $0x0, s20;
	[sflag:s22] =	ssyncset.done $0x0  }
0xa0: {  	[sflag:s22] =	ssyncadd.s32 s4;
	_ =	sdelay $0x1  }
0xa1: {  	s23 =	simm.s32 $0x1B8B  }
0xa2: {  	_ =	swait.ge [sflag:s23], $0x1  }
0xa3: {  	[sflag:s23] =	ssyncset.done $0x0  }
0xa4: {  	s25 =	simm.s32 $0x1B8E;
	s24 =	sld [smem:$0x3FFE];
	[sflag:s23] =	ssyncadd.s32 $0xFFFFFFFF  }
0xa5: {  	s26 =	simm.s32 $execute0_lowered;
	[smem:$0x3FD2] =	sst s25  }
0xa6: {  	s5 =	sshll.u32 s26, $0x1;
	_ =	strace $0x8000004C;
	[dreg:$0x1] =	wrdreg $0xFFFFFFFF  }
0xa7: {  	s28 =	simm.s32 $_size_execute0_lowered;
	s3 =	sadd.s32 s3, s5;
	[dreg:$0x0] =	wrdreg $0x0  }
0xa8: {  	s5 =	sshll.u32 s28, $0x1;
	[dreg:$0x2] =	wrdreg s3  }
0xa9: {  	[dreg:$0x3] =	wrdreg s5  }
0xaa: {  	[dreg:$0x4] =	wrdreg $0xC0  }
0xab: {  	_ =	task [dreg:s7], $0x5FFFF  }
0xac: {  	[dreg:$0x1] =	wrdreg $0xFFFFFFFF  }
0xad: {  	[dreg:$0x0] =	wrdreg $0x60  }
0xae: {  	[dreg:$0x2] =	wrdreg s2  }
0xaf: {  	[dreg:$0x3] =	wrdreg s24  }
0xb0: {  	[dreg:$0x4] =	wrdreg $0x84000  }
0xb1: {  	[dreg:$0x5] =	wrdreg $0x9  }
0xb2: {  	_ =	task.clear_ibuf [dreg:s7], $0x6FFFF;
	_ =	strace $0x9000004C  }
0xb3: {  	s29 =	simm.s32 $0x9;
	_ =	strace $0x8000004E  }
0xb4: {  	_ =	swait.ge [sflag:s29], $0x1  }
0xb5: {  	[sflag:s29] =	ssyncadd.s32 $0xFFFFFFFF  }
0xb6: {  	_ =	strace $0x9000004E  }
0xb7: {  	_ =	sfence  }
0xb8: {  	s30 =	sld [smem:$0x0];
	_ =	sdelay $0x2  }
0xb9: {  	s31 =	sshll.u32 s1, $0xD;
	s1 =	sshrl.u32 s1, $0x2  }
0xba: {  	s3 =	sand.u32 $0x4000, s31;
	s1 =	sadd.s32 s1, s30  }
0xbb: {  	s0 =	sor.u32 s3, s0;
	s1 =	sshll.u32 s1, $0x11  }
0xbc: {  	s0 =	sor.u32 s1, s0  }
0xbd: {  	s0 =	sadd.s32 $0x8F2B, s0  }
0xbe: {  	[sflag:s0] =	ssyncadd.remote.s32 $0x1  }
0xbf: {  	_ =	sfence.sel $0xFFFF  }
0xc0: {  	[dreg:$0x0] =	wrdreg $0xFFFFFFFF;
	(pc) =	sbr.abs _section_cstart, $3  }
0xc1: {  	[dreg:$0x1] =	wrdreg $0xFFFFFFFF  }
0xc2: {  	_ =	task.clear_ibuf [dreg:s7], $0x2FFFF;
	_ =	strace $0x9FFFFFFF  }
0xc3: {  	(tm) =	ssettm $0x7FFFFFFF  }
tec
execute0_lowered:
.L_overlay_start_1:
0x0: {  	(tag) =	ssettag $0x1  }
0x1: {  	s1 =	rddreg [dreg:$0x0]  }
0x2: {  	s0 =	rddreg [dreg:$0x1]  }
0x3: {  	s2 =	rddreg [dreg:$0x2]  }
0x4: {  	s4 =	simm.s32 $0x0;
	s3 =	srdreg.scid;
	s6 =	stileid.u32  }
0x5: {  	s15 =	simm.s32 $0x7;
	s16 =	simm.s32 $0x100;
	s17 =	simm.s32 $0x200  }
0x6: {  	s18 =	simm.s32 $0x300;
	s26 =	simm.s32 $0x180;
	s30 =	simm.s32 $0x280  }
0x7: {  	s31 =	simm.s32 $0x380;
	s28 =	simm.s32 $0x4;
	s29 =	simm.s32 $0x0  }
0x8: {  	[smem:$0x7FF] =	sst s4;
	s5 =	sadd.s32 $0x3A00, s0;
	s3 =	sand.u32 $0x1, s3  }
0x9: {  	s7 =	smul.u32 $0x2800, s6;
	s8 =	sadd.s32 $0x17A00, s0;
	s9 =	sshll.u32 s6, $0x1  }
0xa: {  	s20 =	smul.u32 $0x50000, s6;
	_ =	strace $0x8000004D;
	[dreg:$0xb] =	wrdreg s8  }
0xb: {  	s23 =	sshll.u32 s6, $0x6;
	s19 =	smul.u32 $0x28000, s3;
	[dreg:$0x8] =	wrdreg s26  }
0xc: {  	s10 =	ssub.s32 $0x2, s3;
	s3 =	sor.u32 s3, s9;
	[dreg:$0x9] =	wrdreg s30  }
0xd: {  	[dreg:$0xa] =	wrdreg s31;
	s26 =	simm.s32 $0x6;
	s21 =	sshrl.u32 s10, $0x1  }
0xe: {  	s3 =	smul.u32 $0x5000, s3;
	s22 =	sshrl.u32 s20, $0x2;
	s20 =	simm.s32 $0x80  }
0xf: {  	s7 =	sadd.s32 s7, s19;
	s13 =	ssub.s32 s10, s21;
	s14 =	sadd.s32 s22, s2  }
0x10: {  	s19 =	simm.s32 $0x1;
	s21 =	simm.s32 $0x400;
	s22 =	simm.s32 $0x2  }
0x11: {  	s0 =	sadd.s32 s7, s0;
	s24 =	sshrl.u32 s3, $0x3;
	s25 =	sor.u32 $0x400, s3  }
0x12: {  	s7 =	sor.u32 $0x1C07, s23;
	s11 =	sor.u32 $0x500, s3;
	[dreg:$0x4] =	wrdreg s25  }
0x13: {  	s12 =	sor.u32 $0x600, s3;
	s3 =	sor.u32 $0x700, s3;
	[dreg:$0x5] =	wrdreg s11  }
0x14: {  	s13 =	smax.u32 s13, $0x1;
	s14 =	sshrl.u32 s14, $0x3;
	[dreg:$0x6] =	wrdreg s12  }
0x15: {  	s23 =	simm.s32 $0x4400;
	s8 =	sadd.s32 s5, s24;
	[dreg:$0x7] =	wrdreg s3  }
0x16: {  	s12 =	sadd.s32 $0x68600, s0;
	s24 =	simm.s32 $0x5;
	s25 =	simm.s32 $0x3  }
0x17: {  	s9 =	sadd.s32 $0x20, s8;
	s10 =	sadd.s32 $0x40, s8;
	s11 =	sadd.s32 $0x60, s8  }
.LBB2_1:
0x18: {  	s0 =	rddreg [dreg:$0xb]  }
0x19: {  	[spmem:s14], [sflag:s7] =	dma.local [hbm:s0], $0x2800  }
0x1a: {  	_ =	swait.ge [sflag:s15], $0x2800  }
0x1b: {  	[sflag:s15] =	ssyncset.done $0x0  }
0x1c: {  	[sflag:s15] =	ssyncadd.s32 $0xFFFFD800  }
0x1d: {  	[tilespmem:s4], [sflag:$0x1] =	stream.linear.gather [hbm4b:s8+s4], $0x100, $0x38;
	[tilespmem:$0x1C400] =	vst v63  }
0x1e: {  	_ = 	snop  }
0x1f: {  	[tilespmem:s16], [sflag:$0x2] =	stream.linear.gather [hbm4b:s9+s4], $0x100, $0x38;
	[tilespmem:$0x1C400] =	vst v63  }
0x20: {  	_ = 	snop  }
0x21: {  	[tilespmem:s17], [sflag:$0x3] =	stream.linear.gather [hbm4b:s10+s4], $0x100, $0x38;
	[tilespmem:$0x1C400] =	vst v63  }
0x22: {  	_ = 	snop  }
0x23: {  	[tilespmem:s18], [sflag:$0x4] =	stream.linear.gather [hbm4b:s11+s4], $0x100, $0x38;
	[tilespmem:$0x1C400] =	vst v63  }
0x24: {  	[bflag:$0x0] =	sbarrier.arrive $0xFFFF  }
0x25: {  	_ =	swait.ge [sflag:s19], $0x100  }
0x26: {  	[sflag:s19] =	ssyncset.done $0x0  }
0x27: {  	[sflag:s19] =	ssyncadd.s32 $0xFFFFFF00  }
0x28: {  	[tilespmem:s21], [sflag:$0x5] =	stream.indirect.gather [hbm4b:s1+s20], $0x80, s20, s20, $0xb8;
	[tilespmem:$0x1C400] =	vst v63  }
0x29: {  	_ =	swait.ge [sflag:s22], $0x100  }
0x2a: {  	[sflag:s22] =	ssyncset.done $0x0  }
0x2b: {  	s3 =	rddreg [dreg:$0x8];
	[sflag:s22] =	ssyncadd.s32 $0xFFFFFF00  }
0x2c: {  	[tilespmem:s23], [sflag:$0x6] =	stream.indirect.gather [hbm4b:s1+s20], $0x80, s3, s20, $0xb8;
	[tilespmem:$0x1C400] =	vst v63  }
0x2d: {  	_ =	swait.ge [sflag:s24], $0x4000  }
0x2e: {  	[sflag:s24] =	ssyncset.done $0x0  }
0x2f: {  	[sflag:s24] =	ssyncadd.s32 $0xFFFFC000  }
0x30: {  	[spmem:s2] =	stream.indirect.scatter.add.f32 [tilespmem:s21], [sflag:$0x7], $0x80, s4, s20, $0xb8;
	[tilespmem:$0x1C400] =	vst v63  }
0x31: {  	s3 =	smin.u32 s4, $0x4B;
	_ =	swait.ge [sflag:s15], $0x4000  }
0x32: {  	s3 =	sshll.u32 s3, $0x8;
	s6 =	rddreg [dreg:$0x4]  }
0x33: {  	s0 =	sadd.s32 s3, s6  }
0x34: {  	[sflag:s15] =	ssyncset.done $0x0;
	s0 =	sshrl.u32 s0, $0x3  }
0x35: {  	[sflag:s15] =	ssyncadd.s32 $0xFFFFC000;
	s0 =	sadd.s32 s5, s0  }
0x36: {  	[tilespmem:s4], [sflag:$0x1] =	stream.linear.gather [hbm4b:s0+s4], $0x100, $0x38;
	[tilespmem:$0x1C400] =	vst v63  }
0x37: {  	_ =	swait.ge [sflag:s25], $0x100  }
0x38: {  	[sflag:s25] =	ssyncset.done $0x0  }
0x39: {  	s3 =	rddreg [dreg:$0x9];
	[sflag:s25] =	ssyncadd.s32 $0xFFFFFF00  }
0x3a: {  	[tilespmem:s21], [sflag:$0x5] =	stream.indirect.gather [hbm4b:s1+s20], $0x80, s3, s20, $0xb8;
	[tilespmem:$0x1C400] =	vst v63  }
0x3b: {  	_ =	swait.ge [sflag:s26], $0x4000  }
0x3c: {  	[sflag:s26] =	ssyncset.done $0x0  }
0x3d: {  	[sflag:s26] =	ssyncadd.s32 $0xFFFFC000  }
0x3e: {  	[spmem:s2] =	stream.indirect.scatter.add.f32 [tilespmem:s23], [sflag:$0x7], $0x80, s16, s20, $0xb8;
	[tilespmem:$0x1C400] =	vst v63  }
0x3f: {  	s6 =	smin.u32 s4, $0x4A;
	_ =	swait.ge [sflag:s15], $0x4000  }
0x40: {  	s3 =	sshll.u32 s6, $0x8;
	s0 =	rddreg [dreg:$0x5]  }
0x41: {  	s0 =	sadd.s32 s3, s0  }
0x42: {  	[sflag:s15] =	ssyncset.done $0x0;
	s0 =	sshrl.u32 s0, $0x3  }
0x43: {  	[sflag:s15] =	ssyncadd.s32 $0xFFFFC000;
	s0 =	sadd.s32 s5, s0  }
0x44: {  	[tilespmem:s16], [sflag:$0x2] =	stream.linear.gather [hbm4b:s0+s4], $0x100, $0x38;
	[tilespmem:$0x1C400] =	vst v63  }
0x45: {  	_ =	swait.ge [sflag:s28], $0x100  }
0x46: {  	[sflag:s28] =	ssyncset.done $0x0  }
0x47: {  	s3 =	rddreg [dreg:$0xa];
	[sflag:s28] =	ssyncadd.s32 $0xFFFFFF00  }
0x48: {  	[tilespmem:s23], [sflag:$0x6] =	stream.indirect.gather [hbm4b:s1+s20], $0x80, s3, s20, $0xb8;
	[tilespmem:$0x1C400] =	vst v63  }
0x49: {  	_ =	swait.ge [sflag:s24], $0x4000  }
0x4a: {  	[sflag:s24] =	ssyncset.done $0x0  }
0x4b: {  	[sflag:s24] =	ssyncadd.s32 $0xFFFFC000  }
0x4c: {  	[spmem:s2] =	stream.indirect.scatter.add.f32 [tilespmem:s21], [sflag:$0x7], $0x80, s17, s20, $0xb8;
	[tilespmem:$0x1C400] =	vst v63  }
0x4d: {  	s6 =	smin.u32 s4, $0x49;
	_ =	swait.ge [sflag:s15], $0x4000  }
0x4e: {  	s3 =	sshll.u32 s6, $0x8;
	s0 =	rddreg [dreg:$0x6]  }
0x4f: {  	s0 =	sadd.s32 s3, s0  }
0x50: {  	[sflag:s15] =	ssyncset.done $0x0;
	s0 =	sshrl.u32 s0, $0x3  }
0x51: {  	[sflag:s15] =	ssyncadd.s32 $0xFFFFC000;
	s0 =	sadd.s32 s5, s0  }
0x52: {  	[tilespmem:s17], [sflag:$0x3] =	stream.linear.gather [hbm4b:s0+s4], $0x100, $0x38;
	[tilespmem:$0x1C400] =	vst v63  }
0x53: {  	_ =	swait.ge [sflag:s19], $0x100  }
0x54: {  	[sflag:s19] =	ssyncset.done $0x0  }
0x55: {  	[sflag:s19] =	ssyncadd.s32 $0xFFFFFF00  }
0x56: {  	[tilespmem:s21], [sflag:$0x5] =	stream.indirect.gather [hbm4b:s1+s20], $0x80, s20, s20, $0xb8;
	[tilespmem:$0x1C400] =	vst v63  }
0x57: {  	_ =	swait.ge [sflag:s26], $0x4000  }
0x58: {  	[sflag:s26] =	ssyncset.done $0x0  }
0x59: {  	[sflag:s26] =	ssyncadd.s32 $0xFFFFC000  }
0x5a: {  	[spmem:s2] =	stream.indirect.scatter.add.f32 [tilespmem:s23], [sflag:$0x7], $0x80, s18, s20, $0xb8;
	[tilespmem:$0x1C400] =	vst v63  }
0x5b: {  	s6 =	smin.u32 s4, $0x48;
	_ =	swait.ge [sflag:s15], $0x4000  }
0x5c: {  	s3 =	sshll.u32 s6, $0x8;
	s0 =	rddreg [dreg:$0x7]  }
0x5d: {  	s0 =	sadd.s32 s3, s0  }
0x5e: {  	[sflag:s15] =	ssyncset.done $0x0;
	s0 =	sshrl.u32 s0, $0x3  }
0x5f: {  	[sflag:s15] =	ssyncadd.s32 $0xFFFFC000;
	s0 =	sadd.s32 s5, s0  }
0x60: {  	[tilespmem:s18], [sflag:$0x4] =	stream.linear.gather [hbm4b:s0+s4], $0x100, $0x38;
	[tilespmem:$0x1C400] =	vst v63  }
0x61: {  	s30 =	simm.s32 $0x4;
	_ =	swait.ge [sflag:s22], $0x100  }
0x62: {  	s31 =	simm.s32 $0x8;
	s3 =	rddreg [dreg:$0x8];
	[sflag:s22] =	ssyncset.done $0x0  }
.LBB2_2:
0x63: {  	[sflag:s22] =	ssyncadd.s32 $0xFFFFFF00  }
0x64: {  	[tilespmem:s23], [sflag:$0x6] =	stream.indirect.gather [hbm4b:s1+s20], $0x80, s3, s20, $0xb8;
	[tilespmem:$0x1C400] =	vst v63  }
0x65: {  	_ =	swait.ge [sflag:s24], $0x4000  }
0x66: {  	[sflag:s24] =	ssyncset.done $0x0  }
0x67: {  	[sflag:s24] =	ssyncadd.s32 $0xFFFFC000  }
0x68: {  	[spmem:s2] =	stream.indirect.scatter.add.f32 [tilespmem:s21], [sflag:$0x7], $0x80, s4, s20, $0xb8;
	[tilespmem:$0x1C400] =	vst v63  }
0x69: {  	s6 =	smin.u32 s30, $0x4B;
	_ =	swait.ge [sflag:s15], $0x4000  }
0x6a: {  	s6 =	sshll.u32 s6, $0x8;
	s3 =	rddreg [dreg:$0x4]  }
0x6b: {  	s3 =	sadd.s32 s6, s3  }
0x6c: {  	[sflag:s15] =	ssyncset.done $0x0;
	s3 =	sshrl.u32 s3, $0x3  }
0x6d: {  	[sflag:s15] =	ssyncadd.s32 $0xFFFFC000;
	s3 =	sadd.s32 s5, s3  }
0x6e: {  	[tilespmem:s4], [sflag:$0x1] =	stream.linear.gather [hbm4b:s3+s4], $0x100, $0x38;
	[tilespmem:$0x1C400] =	vst v63  }
0x6f: {  	_ =	swait.ge [sflag:s25], $0x100  }
0x70: {  	[sflag:s25] =	ssyncset.done $0x0  }
0x71: {  	s6 =	rddreg [dreg:$0x9];
	[sflag:s25] =	ssyncadd.s32 $0xFFFFFF00  }
0x72: {  	[tilespmem:s21], [sflag:$0x5] =	stream.indirect.gather [hbm4b:s1+s20], $0x80, s6, s20, $0xb8;
	[tilespmem:$0x1C400] =	vst v63  }
0x73: {  	_ =	swait.ge [sflag:s26], $0x4000  }
0x74: {  	[sflag:s26] =	ssyncset.done $0x0  }
0x75: {  	[sflag:s26] =	ssyncadd.s32 $0xFFFFC000  }
0x76: {  	[spmem:s2] =	stream.indirect.scatter.add.f32 [tilespmem:s23], [sflag:$0x7], $0x80, s16, s20, $0xb8;
	[tilespmem:$0x1C400] =	vst v63  }
0x77: {  	s6 =	smin.u32 s30, $0x4A;
	_ =	swait.ge [sflag:s15], $0x4000  }
0x78: {  	s6 =	sshll.u32 s6, $0x8;
	s3 =	rddreg [dreg:$0x5]  }
0x79: {  	s3 =	sadd.s32 s6, s3  }
0x7a: {  	[sflag:s15] =	ssyncset.done $0x0;
	s3 =	sshrl.u32 s3, $0x3  }
0x7b: {  	[sflag:s15] =	ssyncadd.s32 $0xFFFFC000;
	s3 =	sadd.s32 s5, s3  }
0x7c: {  	[tilespmem:s16], [sflag:$0x2] =	stream.linear.gather [hbm4b:s3+s4], $0x100, $0x38;
	[tilespmem:$0x1C400] =	vst v63  }
0x7d: {  	_ =	swait.ge [sflag:s28], $0x100  }
0x7e: {  	[sflag:s28] =	ssyncset.done $0x0  }
0x7f: {  	s6 =	rddreg [dreg:$0xa];
	[sflag:s28] =	ssyncadd.s32 $0xFFFFFF00  }
0x80: {  	[tilespmem:s23], [sflag:$0x6] =	stream.indirect.gather [hbm4b:s1+s20], $0x80, s6, s20, $0xb8;
	[tilespmem:$0x1C400] =	vst v63  }
0x81: {  	_ =	swait.ge [sflag:s24], $0x4000  }
0x82: {  	[sflag:s24] =	ssyncset.done $0x0  }
0x83: {  	[sflag:s24] =	ssyncadd.s32 $0xFFFFC000  }
0x84: {  	[spmem:s2] =	stream.indirect.scatter.add.f32 [tilespmem:s21], [sflag:$0x7], $0x80, s17, s20, $0xb8;
	[tilespmem:$0x1C400] =	vst v63  }
0x85: {  	s6 =	smin.u32 s30, $0x49;
	_ =	swait.ge [sflag:s15], $0x4000  }
0x86: {  	s6 =	sshll.u32 s6, $0x8;
	s3 =	rddreg [dreg:$0x6]  }
0x87: {  	s3 =	sadd.s32 s6, s3  }
0x88: {  	[sflag:s15] =	ssyncset.done $0x0;
	s3 =	sshrl.u32 s3, $0x3  }
0x89: {  	[sflag:s15] =	ssyncadd.s32 $0xFFFFC000;
	s3 =	sadd.s32 s5, s3  }
0x8a: {  	[tilespmem:s17], [sflag:$0x3] =	stream.linear.gather [hbm4b:s3+s4], $0x100, $0x38;
	[tilespmem:$0x1C400] =	vst v63  }
0x8b: {  	_ =	swait.ge [sflag:s19], $0x100  }
0x8c: {  	[sflag:s19] =	ssyncset.done $0x0  }
0x8d: {  	[sflag:s19] =	ssyncadd.s32 $0xFFFFFF00  }
0x8e: {  	[tilespmem:s21], [sflag:$0x5] =	stream.indirect.gather [hbm4b:s1+s20], $0x80, s20, s20, $0xb8;
	[tilespmem:$0x1C400] =	vst v63  }
0x8f: {  	_ =	swait.ge [sflag:s26], $0x4000  }
0x90: {  	[sflag:s26] =	ssyncset.done $0x0  }
0x91: {  	[sflag:s26] =	ssyncadd.s32 $0xFFFFC000  }
0x92: {  	[spmem:s2] =	stream.indirect.scatter.add.f32 [tilespmem:s23], [sflag:$0x7], $0x80, s18, s20, $0xb8;
	[tilespmem:$0x1C400] =	vst v63  }
0x93: {  	s6 =	smin.u32 s30, $0x48;
	_ =	swait.ge [sflag:s15], $0x4000  }
0x94: {  	s0 =	smov.u32 s31;
	s6 =	sshll.u32 s6, $0x8;
	s3 =	rddreg [dreg:$0x7]  }
0x95: {  	p0 =	sne.s32 s31, $0x4C;
	s30 =	smov.u32 s0;
	s0 =	sadd.s32 s6, s3  }
.Ltmp0:
0x96: {  	[sflag:s15] =	ssyncset.done $0x0;
	s0 =	sshrl.u32 s0, $0x3;
	(pc) =	sbr.rel @p0 .LBB2_2-.Ltmp0, $4  }
0x97: {  	[sflag:s15] =	ssyncadd.s32 $0xFFFFC000;
	s0 =	sadd.s32 s5, s0  }
0x98: {  	[tilespmem:s18], [sflag:$0x4] =	stream.linear.gather [hbm4b:s0+s4], $0x100, $0x38;
	[tilespmem:$0x1C400] =	vst v63  }
0x99: {  	_ =	swait.ge [sflag:s22], $0x100  }
0x9a: {  	s31 =	sadd.s32 $0x4, s31;
	s3 =	rddreg [dreg:$0x8];
	[sflag:s22] =	ssyncset.done $0x0  }
0x9b: {  	[sflag:s22] =	ssyncadd.s32 $0xFFFFFF00  }
0x9c: {  	[tilespmem:s23], [sflag:$0x6] =	stream.indirect.gather [hbm4b:s1+s20], $0x80, s3, s20, $0xb8;
	[tilespmem:$0x1C400] =	vst v63  }
0x9d: {  	_ =	swait.ge [sflag:s24], $0x4000  }
0x9e: {  	[sflag:s24] =	ssyncset.done $0x0  }
0x9f: {  	[sflag:s24] =	ssyncadd.s32 $0xFFFFC000  }
0xa0: {  	[spmem:s2] =	stream.indirect.scatter.add.f32 [tilespmem:s21], [sflag:$0x7], $0x80, s4, s20, $0xb8;
	[tilespmem:$0x1C400] =	vst v63  }
0xa1: {  	s31 =	smin.u32 s30, $0x4B;
	_ =	swait.ge [sflag:s15], $0x4000  }
0xa2: {  	s3 =	sshll.u32 s31, $0x8;
	s0 =	rddreg [dreg:$0x4]  }
0xa3: {  	s0 =	sadd.s32 s3, s0  }
0xa4: {  	[sflag:s15] =	ssyncset.done $0x0;
	s0 =	sshrl.u32 s0, $0x3  }
0xa5: {  	[sflag:s15] =	ssyncadd.s32 $0xFFFFC000;
	s0 =	sadd.s32 s5, s0  }
0xa6: {  	[tilespmem:s4], [sflag:$0x1] =	stream.linear.gather [hbm4b:s0+s4], $0x100, $0x38;
	[tilespmem:$0x1C400] =	vst v63  }
0xa7: {  	_ =	swait.ge [sflag:s25], $0x100  }
0xa8: {  	[sflag:s25] =	ssyncset.done $0x0  }
0xa9: {  	s3 =	rddreg [dreg:$0x9];
	[sflag:s25] =	ssyncadd.s32 $0xFFFFFF00  }
0xaa: {  	[tilespmem:s21], [sflag:$0x5] =	stream.indirect.gather [hbm4b:s1+s20], $0x80, s3, s20, $0xb8;
	[tilespmem:$0x1C400] =	vst v63  }
0xab: {  	_ =	swait.ge [sflag:s26], $0x4000  }
0xac: {  	[sflag:s26] =	ssyncset.done $0x0  }
0xad: {  	[sflag:s26] =	ssyncadd.s32 $0xFFFFC000  }
0xae: {  	[spmem:s2] =	stream.indirect.scatter.add.f32 [tilespmem:s23], [sflag:$0x7], $0x80, s16, s20, $0xb8;
	[tilespmem:$0x1C400] =	vst v63  }
0xaf: {  	s31 =	smin.u32 s30, $0x4A;
	_ =	swait.ge [sflag:s15], $0x4000  }
0xb0: {  	s3 =	sshll.u32 s31, $0x8;
	s6 =	rddreg [dreg:$0x5]  }
0xb1: {  	s0 =	sadd.s32 s3, s6  }
0xb2: {  	[sflag:s15] =	ssyncset.done $0x0;
	s0 =	sshrl.u32 s0, $0x3  }
0xb3: {  	[sflag:s15] =	ssyncadd.s32 $0xFFFFC000;
	s0 =	sadd.s32 s5, s0  }
0xb4: {  	[tilespmem:s16], [sflag:$0x2] =	stream.linear.gather [hbm4b:s0+s4], $0x100, $0x38;
	[tilespmem:$0x1C400] =	vst v63  }
0xb5: {  	_ =	swait.ge [sflag:s28], $0x100  }
0xb6: {  	[sflag:s28] =	ssyncset.done $0x0  }
0xb7: {  	s3 =	rddreg [dreg:$0xa];
	[sflag:s28] =	ssyncadd.s32 $0xFFFFFF00  }
0xb8: {  	[tilespmem:s23], [sflag:$0x6] =	stream.indirect.gather [hbm4b:s1+s20], $0x80, s3, s20, $0xb8;
	[tilespmem:$0x1C400] =	vst v63  }
0xb9: {  	_ =	swait.ge [sflag:s24], $0x4000  }
0xba: {  	[sflag:s24] =	ssyncset.done $0x0  }
0xbb: {  	[sflag:s24] =	ssyncadd.s32 $0xFFFFC000  }
0xbc: {  	[spmem:s2] =	stream.indirect.scatter.add.f32 [tilespmem:s21], [sflag:$0x7], $0x80, s17, s20, $0xb8;
	[tilespmem:$0x1C400] =	vst v63  }
0xbd: {  	s31 =	smin.u32 s30, $0x49;
	_ =	swait.ge [sflag:s15], $0x4000  }
0xbe: {  	s3 =	sshll.u32 s31, $0x8;
	s6 =	rddreg [dreg:$0x6]  }
0xbf: {  	s0 =	sadd.s32 s3, s6  }
0xc0: {  	[sflag:s15] =	ssyncset.done $0x0;
	s0 =	sshrl.u32 s0, $0x3  }
0xc1: {  	[sflag:s15] =	ssyncadd.s32 $0xFFFFC000;
	s0 =	sadd.s32 s5, s0  }
0xc2: {  	[tilespmem:s17], [sflag:$0x3] =	stream.linear.gather [hbm4b:s0+s4], $0x100, $0x38;
	[tilespmem:$0x1C400] =	vst v63  }
0xc3: {  	_ =	swait.ge [sflag:s19], $0x100  }
0xc4: {  	[sflag:s19] =	ssyncset.done $0x0  }
0xc5: {  	[sflag:s19] =	ssyncadd.s32 $0xFFFFFF00  }
0xc6: {  	[tilespmem:s21], [sflag:$0x5] =	stream.indirect.gather [hbm4b:s1+s20], $0x80, s20, s20, $0xb8;
	[tilespmem:$0x1C400] =	vst v63  }
0xc7: {  	_ =	swait.ge [sflag:s26], $0x4000  }
0xc8: {  	[sflag:s26] =	ssyncset.done $0x0  }
0xc9: {  	[sflag:s26] =	ssyncadd.s32 $0xFFFFC000  }
0xca: {  	[spmem:s2] =	stream.indirect.scatter.add.f32 [tilespmem:s23], [sflag:$0x7], $0x80, s18, s20, $0xb8;
	[tilespmem:$0x1C400] =	vst v63  }
0xcb: {  	s31 =	smin.u32 s30, $0x48;
	_ =	swait.ge [sflag:s15], $0x4000  }
0xcc: {  	s3 =	sshll.u32 s31, $0x8;
	s6 =	rddreg [dreg:$0x7]  }
0xcd: {  	s0 =	sadd.s32 s3, s6  }
0xce: {  	[sflag:s15] =	ssyncset.done $0x0;
	s0 =	sshrl.u32 s0, $0x3  }
0xcf: {  	[sflag:s15] =	ssyncadd.s32 $0xFFFFC000;
	s0 =	sadd.s32 s5, s0  }
0xd0: {  	[tilespmem:s18], [sflag:$0x4] =	stream.linear.gather [hbm4b:s0+s4], $0x100, $0x38;
	[tilespmem:$0x1C400] =	vst v63  }
0xd1: {  	_ =	swait.ge [sflag:s22], $0x100  }
0xd2: {  	[sflag:s22] =	ssyncset.done $0x0  }
0xd3: {  	[sflag:s22] =	ssyncadd.s32 $0xFFFFFF00  }
0xd4: {  	_ =	swait.ge [sflag:s24], $0x4000  }
0xd5: {  	[sflag:s24] =	ssyncset.done $0x0  }
0xd6: {  	[sflag:s24] =	ssyncadd.s32 $0xFFFFC000  }
0xd7: {  	_ =	swait.ge [sflag:s25], $0x100  }
0xd8: {  	[sflag:s25] =	ssyncset.done $0x0  }
0xd9: {  	[sflag:s25] =	ssyncadd.s32 $0xFFFFFF00  }
0xda: {  	_ =	swait.ge [sflag:s28], $0x100  }
0xdb: {  	s29 =	sadd.s32 $0x1, s29;
	[sflag:s28] =	ssyncset.done $0x0  }
0xdc: {  	p0 =	sne.s32 s29, s13;
	[sflag:s28] =	ssyncadd.s32 $0xFFFFFF00  }
.Ltmp1:
0xdd: {  	[bflag:$0x0] =	sbarrier.arrive $0xFFFF;
	(pc) =	sbr.rel @p0 .LBB2_1-.Ltmp1, $4  }
0xde: {  	[hbm:s12], [sflag:s7] =	dma.local [spmem:s14], $0x2800  }
0xdf: {  	_ =	swait.ge [sflag:s15], $0x2800  }
0xe0: {  	[sflag:s15] =	ssyncset.done $0x0  }
0xe1: {  	[sflag:s15] =	ssyncadd.s32 $0xFFFFD800  }
0xe2: {  	_ =	sfence.sel $0x180000  }
0xe3: {  	[bflag:$0x0] =	sbarrier.arrive $0xFFFF  }
0xe4: {  	_ =	strace $0x9000004D  }
0xe5: {  	s0 =	stileid.u32;
	[bflag:$0x2] =	sbarrier.arrive $0xFFFF  }
0xe6: {  	p0 =	sne.s32 s0, $0x0;
	s0 =	rddreg [dreg:$0x3]  }
0xe7: {  	s0 =	sadd.s32 @!p0 $0x100000, s0  }
0xe8: {  	[sflag:s0] =	ssyncadd.tile.s32 @!p0 $0x1;
	_ =	shalt  }
.Lfunc_end2:
_tile_overlayer_lowered:
.L_overlay_start_2:
0xe9: {  	(tag) =	ssettag $0x2  }
0xea: {  	s0 =	rddreg [dreg:$0x0];
	s2 =	stileid.u32  }
0xeb: {  	s1 =	rddreg [dreg:$0x1];
	p0 =	sne.s32 s2, $0x0  }
0xec: {  	s3 =	rddreg [dreg:$0x2];
	[bflag:$0x3] =	sbarrier.arrive $0xFFFF;
	s2 =	simm.s32 @!p0 $0x1C07  }
0xed: {  	[timem:s3], [sflag:s2] =	dma.local @!p0 [hbm:s0], s1  }
0xee: {  	s0 =	simm.s32 @!p0 $0x7  }
0xef: {  	_ =	swait.ge @!p0 [sflag:s0], s1  }
0xf0: {  	s1 =	ssub.s32 @!p0 $0x0, s1;
	[sflag:s0] =	ssyncset.done @!p0 $0x0  }
0xf1: {  	[sflag:s0] =	ssyncadd.s32 @!p0 s1  }
0xf2: {  	[bflag:$0x3] =	sbarrier.arrive $0xFFFF  }
0xf3: {  	_ =	shalt  }

// kernel: kernel.9.cloned.1.call-start
scs
__scs_entry_jumppad:
0x0: {  	(pc) =	sbr.rel $0x88, $3  }
0x1: {  	(tag) =	ssettag $0x0;
	lr =	simm.s32 $0x1  }
0x2: {  	[smem:$0x3F9B] =	sst lr;
	_ =	strace $0xD0000000  }
0x3: {  	_ = 	snop  }
0x4: {  	_ = 	snop  }
0x5: {  	_ = 	snop  }
0x6: {  	_ = 	snop  }
0x7: {  	_ = 	snop  }
__scs_overlays_trampoline_lowered:
0x8: {  	[smem:$0x3FAA] =	sst s0  }
0x9: {  	[smem:$0x3FAB] =	sst s1  }
0xa: {  	[smem:$0x3FAC] =	sst s2  }
0xb: {  	[smem:$0x3FAD] =	sst s3  }
0xc: {  	[smem:$0x3FAE] =	sst s4  }
0xd: {  	[smem:$0x3FAF] =	sst s5  }
0xe: {  	[smem:$0x3FB0] =	sst s6  }
0xf: {  	[smem:$0x3FB1] =	sst s7  }
0x10: {  	[smem:$0x3FB2] =	sst s8  }
0x11: {  	[smem:$0x3FB3] =	sst s9;
	s0 =	simm.s32 @!p0 $0x0  }
0x12: {  	s1 =	sld [smem:$0x3F99];
	s0 =	simm.s32 @p0 $0x1  }
0x13: {  	[smem:$0x3FB4] =	sst s0;
	s0 =	simm.s32 @!p1 $0x0  }
0x14: {  	s2 =	sld [smem:$0x3F98];
	s0 =	simm.s32 @p1 $0x1  }
0x15: {  	[smem:$0x3FB5] =	sst s0;
	s0 =	simm.s32 @!p2 $0x0  }
0x16: {  	s3 =	sld [smem:$0x3FDB];
	s0 =	simm.s32 @p2 $0x1  }
0x17: {  	s4 =	simm.s32 $0x1BF5;
	[smem:$0x3FB7] =	sst s0  }
0x18: {  	s0 =	sld [smem:$0x3F9A];
	_ =	swait.ge [sflag:s4], $0x0  }
0x19: {  	s7 =	sld [smem:$0x3F9B]  }
0x1a: {  	s8 =	sadd.s32 $0xFFFFE003, lr  }
0x1b: {  	s9 =	sadd.s32 $0xFFFFFEF7, lr;
	s5 =	simm.s32 $0xFFFFFFFF;
	p2 =	slt.u32 s8, $0xFFFFF086  }
0x1c: {  	p1 =	slt.u32 s9, $0xF7A;
	s5 =	simm.s32 @!p2 $0x0  }
0x1d: {  	s5 =	simm.s32 @p1 $0x1;
	p0 =	seq.s32 s7, s2  }
0x1e: {  	s7 =	smul.u32 @!p0 $0xF7A, s2;
	p2 =	seq.s32 @!p0 s5, $0x0  }
0x1f: {  	s9 =	smul.u32 $0xF7A, s1;
	s8 =	simm.s32 @!p0 $0x1BF5;
	p2 =	por !p2, p0  }
0x20: {  	[sflag:s8] =	ssyncset.s32 @!p0 $0xFFFFF086;
	s6 =	sadd.s32 @!p0 s3, s7;
	s7 =	simm.s32 @!p0 $0x108  }
0x21: {  	s3 =	sadd.s32 s3, s9;
	s6 =	sadd.s32 @!p0 $0x88, s6;
	s7 =	simm.s32 @p2 $0x1082  }
0x22: {  	[simem:s7], [sflag:s8] =	dma.local @!p0 [hbm:s6], $0xF7A  }
0x23: {  	s9 =	sor.u32 $0xD0000000, s2;
	s6 =	simm.s32 $0x108;
	_ =	swait.ge @!p0 [sflag:s8], $0x0  }
0x24: {  	s3 =	sadd.s32 $0x88, s3;
	s6 =	simm.s32 @!p1 $0x1082;
	[sflag:s4] =	ssyncset.s32 $0xFFFFF086  }
0x25: {  	[simem:s6], [sflag:s4] =	dma.local [hbm:s3], $0xF7A  }
0x26: {  	[smem:$0x3F9B] =	sst s1;
	(tag) =	ssettag s2;
	_ =	strace s9  }
0x27: {  	s1 =	sld [smem:$0x3FAB]  }
0x28: {  	s2 =	sld [smem:$0x3FAC]  }
0x29: {  	s4 =	sld [smem:$0x3FAE]  }
0x2a: {  	p0 =	seq.s32 s5, $0x0;
	s5 =	sld [smem:$0x3FAF]  }
0x2b: {  	s6 =	sld [smem:$0x3FB0]  }
0x2c: {  	s7 =	sld [smem:$0x3FB1]  }
0x2d: {  	s3 =	simm.s32 $0x108;
	s8 =	sld [smem:$0x3FB2]  }
0x2e: {  	s3 =	simm.s32 @!p0 $0x1082;
	s9 =	sld [smem:$0x3FB3]  }
0x2f: {  	lr =	sadd.s32 s0, s3;
	s0 =	sld [smem:$0x3FAA]  }
0x30: {  	s3 =	sld [smem:$0x3FAD]  }
0x31: {  	[smem:$0x3FB6] =	sst s10  }
0x32: {  	s10 =	sld [smem:$0x3FB4];
	_ =	sdelay $0x3  }
0x33: {  	p0 =	seq.s32 s10, $0x1;
	s10 =	sld [smem:$0x3FB6];
	_ =	sdelay $0x3  }
0x34: {  	[smem:$0x3FB6] =	sst s10  }
0x35: {  	s10 =	sld [smem:$0x3FB5];
	_ =	sdelay $0x3  }
0x36: {  	p1 =	seq.s32 s10, $0x1;
	s10 =	sld [smem:$0x3FB6];
	_ =	sdelay $0x3  }
0x37: {  	[smem:$0x3FB6] =	sst s10  }
0x38: {  	s10 =	sld [smem:$0x3FB7]  }
0x39: {  	_ = 	snop;
	(pc) =	sbr.ind lr, $3  }
0x3a: {  	_ = 	snop  }
0x3b: {  	_ = 	snop  }
0x3c: {  	p2 =	seq.s32 s10, $0x1;
	s10 =	sld [smem:$0x3FB6]  }
0x3d: {  	_ =	shalt  }
0x3e: {  	_ =	shalt  }
0x3f: {  	_ =	shalt  }
0x40: {  	_ =	shalt  }
0x41: {  	_ =	shalt  }
0x42: {  	_ =	shalt  }
0x43: {  	_ =	shalt  }
0x44: {  	_ =	shalt  }
0x45: {  	_ =	shalt  }
0x46: {  	_ =	shalt  }
0x47: {  	_ =	shalt  }
0x48: {  	_ =	shalt  }
0x49: {  	_ =	shalt  }
0x4a: {  	_ =	shalt  }
0x4b: {  	_ =	shalt  }
0x4c: {  	_ =	shalt  }
0x4d: {  	_ =	shalt  }
0x4e: {  	_ =	shalt  }
0x4f: {  	_ =	shalt  }
0x50: {  	_ =	shalt  }
0x51: {  	_ =	shalt  }
0x52: {  	_ =	shalt  }
0x53: {  	_ =	shalt  }
0x54: {  	_ =	shalt  }
0x55: {  	_ =	shalt  }
0x56: {  	_ =	shalt  }
0x57: {  	_ =	shalt  }
0x58: {  	_ =	shalt  }
0x59: {  	_ =	shalt  }
0x5a: {  	_ =	shalt  }
0x5b: {  	_ =	shalt  }
0x5c: {  	_ =	shalt  }
0x5d: {  	_ =	shalt  }
0x5e: {  	_ =	shalt  }
0x5f: {  	_ =	shalt  }
0x60: {  	_ =	shalt  }
0x61: {  	_ =	shalt  }
0x62: {  	_ =	shalt  }
0x63: {  	_ =	shalt  }
0x64: {  	_ =	shalt  }
0x65: {  	_ =	shalt  }
0x66: {  	_ =	shalt  }
0x67: {  	_ =	shalt  }
0x68: {  	_ =	shalt  }
0x69: {  	_ =	shalt  }
0x6a: {  	_ =	shalt  }
0x6b: {  	_ =	shalt  }
0x6c: {  	_ =	shalt  }
0x6d: {  	_ =	shalt  }
0x6e: {  	_ =	shalt  }
0x6f: {  	_ =	shalt  }
0x70: {  	_ =	shalt  }
0x71: {  	_ =	shalt  }
0x72: {  	_ =	shalt  }
0x73: {  	_ =	shalt  }
0x74: {  	_ =	shalt  }
0x75: {  	_ =	shalt  }
0x76: {  	_ =	shalt  }
0x77: {  	_ =	shalt  }
0x78: {  	_ =	shalt  }
0x79: {  	_ =	shalt  }
0x7a: {  	_ =	shalt  }
0x7b: {  	_ =	shalt  }
0x7c: {  	_ =	shalt  }
0x7d: {  	_ =	shalt  }
0x7e: {  	_ =	shalt  }
0x7f: {  	_ =	shalt  }
0x80: {  	_ =	shalt  }
0x81: {  	_ =	shalt  }
0x82: {  	_ =	shalt  }
0x83: {  	_ =	shalt  }
0x84: {  	_ =	shalt  }
0x85: {  	_ =	shalt  }
0x86: {  	_ =	shalt  }
0x87: {  	_ =	shalt  }
.Lfunc_end0:
.L_simem_size_0:
called_computation_lowered:
.L_overlay_start_0:
0x88: {  	s2 =	sld [smem:$0x3FD9]  }
0x89: {  	s3 =	sld [smem:$0x3FFE];
	_ =	sdelay $0x1  }
0x8a: {  	s1 =	srdreg.scid  }
0x8b: {  	s0 =	sand.u32 $0x1, s1  }
0x8c: {  	s17 =	sshll.u32 s0, $0xA;
	s2 =	sadd.s32 s3, s2  }
0x8d: {  	s2 =	sadd.s32 s2, s17  }
0x8e: {  	[smem:$0x3FC2] =	sst s2  }
0x8f: {  	_ = 	snop  }
0x90: {  	s2 =	sld [smem:$0x3FD0];
	(tm) =	ssettm $0x1  }
0x91: {  	s18 =	sld [smem:$0x3FFB];
	_ =	sdelay $0x3  }
0x92: {  	_ =	strace s18  }
0x93: {  	s3 =	sld [smem:$0x3FFC];
	_ =	sdelay $0x3  }
0x94: {  	_ =	strace s3  }
0x95: {  	s3 =	sld [smem:$0x3FFD];
	_ =	sdelay $0x3  }
0x96: {  	_ =	strace s3  }
0x97: {  	_ =	strace $0x8FFFFFFF  }
0x98: {  	s19 =	sld [smem:$0x3FDB];
	_ =	sdelay $0x1  }
0x99: {  	s4 =	simm.s32 $_scs_section_size  }
0x9a: {  	s5 =	simm.s32 $_size__tile_overlayer_lowered;
	s6 =	simm.s32 $_tile_overlayer_lowered  }
0x9b: {  	s22 =	simm.s32 $0x1BFF;
	s21 =	sshll.u32 s6, $0x1;
	s3 =	sadd.s32 s4, s19  }
0x9c: {  	s7 =	simm.s32 $0x0;
	s20 =	sshll.u32 s5, $0x1;
	s5 =	sadd.s32 s21, s3  }
0x9d: {  	[timem:s7], [sflag:s22] =	dma.local [hbm:s5], s20  }
0x9e: {  	_ =	swait.ge [sflag:s22], s20  }
0x9f: {  	s4 =	ssub.s32 $0x0, s20;
	[sflag:s22] =	ssyncset.done $0x0  }
0xa0: {  	[sflag:s22] =	ssyncadd.s32 s4;
	_ =	sdelay $0x1  }
0xa1: {  	s23 =	simm.s32 $0x1B8B  }
0xa2: {  	_ =	swait.ge [sflag:s23], $0x1  }
0xa3: {  	[sflag:s23] =	ssyncset.done $0x0  }
0xa4: {  	s25 =	simm.s32 $0x1B8E;
	s24 =	sld [smem:$0x3FFE];
	[sflag:s23] =	ssyncadd.s32 $0xFFFFFFFF  }
0xa5: {  	s26 =	simm.s32 $execute0_lowered;
	[smem:$0x3FD2] =	sst s25  }
0xa6: {  	s5 =	sshll.u32 s26, $0x1;
	_ =	strace $0x80000046;
	[dreg:$0x1] =	wrdreg $0xFFFFFFFF  }
0xa7: {  	s28 =	simm.s32 $_size_execute0_lowered;
	s3 =	sadd.s32 s3, s5;
	[dreg:$0x0] =	wrdreg $0x0  }
0xa8: {  	s5 =	sshll.u32 s28, $0x1;
	[dreg:$0x2] =	wrdreg s3  }
0xa9: {  	[dreg:$0x3] =	wrdreg s5  }
0xaa: {  	[dreg:$0x4] =	wrdreg $0xC0  }
0xab: {  	_ =	task [dreg:s7], $0x5FFFF  }
0xac: {  	[dreg:$0x1] =	wrdreg $0xFFFFFFFF  }
0xad: {  	[dreg:$0x0] =	wrdreg $0x60  }
0xae: {  	[dreg:$0x2] =	wrdreg s24  }
0xaf: {  	[dreg:$0x3] =	wrdreg s2  }
0xb0: {  	[dreg:$0x4] =	wrdreg $0x42000  }
0xb1: {  	[dreg:$0x5] =	wrdreg $0x9  }
0xb2: {  	_ =	task.clear_ibuf [dreg:s7], $0x6FFFF;
	_ =	strace $0x90000046  }
0xb3: {  	s29 =	simm.s32 $0x9;
	_ =	strace $0x80000048  }
0xb4: {  	_ =	swait.ge [sflag:s29], $0x1  }
0xb5: {  	[sflag:s29] =	ssyncadd.s32 $0xFFFFFFFF  }
0xb6: {  	_ =	strace $0x90000048  }
0xb7: {  	_ =	sfence  }
0xb8: {  	s30 =	sld [smem:$0x0];
	_ =	sdelay $0x2  }
0xb9: {  	s31 =	sshll.u32 s1, $0xD;
	s1 =	sshrl.u32 s1, $0x2  }
0xba: {  	s3 =	sand.u32 $0x4000, s31;
	s1 =	sadd.s32 s1, s30  }
0xbb: {  	s0 =	sor.u32 s3, s0;
	s1 =	sshll.u32 s1, $0x11  }
0xbc: {  	s0 =	sor.u32 s1, s0  }
0xbd: {  	s0 =	sadd.s32 $0x8F2B, s0  }
0xbe: {  	[sflag:s0] =	ssyncadd.remote.s32 $0x1  }
0xbf: {  	_ =	sfence.sel $0xFFFF  }
0xc0: {  	[dreg:$0x0] =	wrdreg $0xFFFFFFFF;
	(pc) =	sbr.abs _section_cstart, $3  }
0xc1: {  	[dreg:$0x1] =	wrdreg $0xFFFFFFFF  }
0xc2: {  	_ =	task.clear_ibuf [dreg:s7], $0x2FFFF;
	_ =	strace $0x9FFFFFFF  }
0xc3: {  	(tm) =	ssettm $0x7FFFFFFF  }
tec
execute0_lowered:
.L_overlay_start_1:
0x0: {  	(tag) =	ssettag $0x1  }
0x1: {  	s6 =	rddreg [dreg:$0x0]  }
0x2: {  	s1 =	rddreg [dreg:$0x1]  }
0x3: {  	s2 =	rddreg [dreg:$0x2]  }
0x4: {  	s0 =	rddreg [dreg:$0x3];
	s4 =	simm.s32 $0x0;
	s5 =	srdreg.scid  }
0x5: {  	s3 =	stileid.u32;
	s17 =	simm.s32 $0x200;
	s18 =	simm.s32 $0x100  }
0x6: {  	s19 =	simm.s32 $0x1;
	s20 =	simm.s32 $0x80;
	s21 =	simm.s32 $0x2  }
0x7: {  	s22 =	simm.s32 $0x0;
	[smem:$0x7FF] =	sst s4;
	s8 =	smul.u32 $0x2800, s3  }
0x8: {  	s14 =	sadd.s32 $0x3A00, s6;
	s7 =	sand.u32 $0x1, s5;
	s12 =	smul.u32 $0x50000, s3  }
0x9: {  	s5 =	sadd.s32 $0x17A00, s6;
	s10 =	sshll.u32 s3, $0x1;
	s24 =	smul.u32 $0xA000, s3  }
0xa: {  	s29 =	sshll.u32 s3, $0x6;
	_ =	strace $0x80000047;
	s9 =	smul.u32 $0x28000, s7  }
0xb: {  	s11 =	ssub.s32 $0x2, s7;
	s10 =	sor.u32 s7, s10;
	s28 =	smul.u32 $0x5000, s7  }
0xc: {  	s7 =	sor.u32 $0x1C03, s29;
	s23 =	sshrl.u32 s11, $0x1;
	s10 =	smul.u32 $0x5000, s10  }
0xd: {  	s25 =	sshrl.u32 s12, $0x2;
	s8 =	sadd.s32 s8, s9;
	s11 =	ssub.s32 s11, s23  }
0xe: {  	s15 =	sadd.s32 s25, s2;
	s30 =	sadd.s32 s28, s24;
	s13 =	sadd.s32 s8, s6  }
0xf: {  	s26 =	sshrl.u32 s10, $0x3;
	s10 =	smax.u32 s11, $0x1;
	s31 =	sor.u32 $0x200, s30  }
0x10: {  	s16 =	sor.u32 $0x300, s30;
	s15 =	sshrl.u32 s15, $0x3;
	s6 =	sadd.s32 s14, s26  }
0x11: {  	s9 =	sadd.s32 $0x1A200, s13;
	s13 =	sshrl.u32 s31, $0x3;
	s16 =	sshrl.u32 s16, $0x3  }
0x12: {  	s8 =	sadd.s32 $0x20, s6;
	s11 =	sadd.s32 $0x9E0, s6;
	s12 =	sadd.s32 $0x9C0, s6  }
0x13: {  	s13 =	sadd.s32 s13, s14;
	s14 =	sadd.s32 s16, s14;
	s16 =	simm.s32 $0x3  }
.LBB2_1:
0x14: {  	[spmem:s15], [sflag:s7] =	dma.local [hbm:s5], $0x2800  }
0x15: {  	_ =	swait.ge [sflag:s16], $0x2800  }
0x16: {  	[sflag:s16] =	ssyncset.done $0x0  }
0x17: {  	[sflag:s16] =	ssyncadd.s32 $0xFFFFD800  }
0x18: {  	[tilespmem:s17], [sflag:$0x3] =	stream.linear.gather [hbm4b:s1+s4], $0x4000, $0x38;
	[tilespmem:$0x18200] =	vst v63  }
0x19: {  	_ =	swait.ge [sflag:s16], $0x4000  }
0x1a: {  	[sflag:s16] =	ssyncset.done $0x0  }
0x1b: {  	[sflag:s16] =	ssyncadd.s32 $0xFFFFC000  }
0x1c: {  	[tilespmem:s4], [sflag:$0x1] =	stream.linear.gather [hbm4b:s6+s4], $0x100, $0x38;
	[tilespmem:$0x18200] =	vst v63  }
0x1d: {  	_ = 	snop  }
0x1e: {  	[tilespmem:s18], [sflag:$0x2] =	stream.linear.gather [hbm4b:s8+s4], $0x100, $0x38;
	[tilespmem:$0x18200] =	vst v63  }
0x1f: {  	[bflag:$0x0] =	sbarrier.arrive $0xFFFF  }
0x20: {  	_ =	swait.ge [sflag:s19], $0x100  }
0x21: {  	[sflag:s19] =	ssyncset.done $0x0  }
0x22: {  	[sflag:s19] =	ssyncadd.s32 $0xFFFFFF00  }
0x23: {  	[spmem:s2] =	stream.indirect.scatter.add.f32 [tilespmem:s17], [sflag:$0x3], $0x80, s4, s20, $0xb8;
	[tilespmem:$0x18200] =	vst v63  }
0x24: {  	_ =	swait.ge [sflag:s16], $0x4000  }
0x25: {  	[sflag:s16] =	ssyncset.done $0x0  }
0x26: {  	s23 =	sadd.s32 $0x0, s13;
	[sflag:s16] =	ssyncadd.s32 $0xFFFFC000  }
0x27: {  	[tilespmem:s4], [sflag:$0x1] =	stream.linear.gather [hbm4b:s23+s4], $0x100, $0x38;
	[tilespmem:$0x18200] =	vst v63  }
0x28: {  	_ =	swait.ge [sflag:s21], $0x100  }
0x29: {  	[sflag:s21] =	ssyncset.done $0x0  }
0x2a: {  	[sflag:s21] =	ssyncadd.s32 $0xFFFFFF00  }
0x2b: {  	[spmem:s2] =	stream.indirect.scatter.add.f32 [tilespmem:s17], [sflag:$0x3], $0x80, s18, s20, $0xb8;
	[tilespmem:$0x18200] =	vst v63  }
0x2c: {  	_ =	swait.ge [sflag:s16], $0x4000  }
0x2d: {  	[sflag:s16] =	ssyncset.done $0x0  }
0x2e: {  	s24 =	sadd.s32 $0x0, s14;
	s23 =	simm.s32 $0x40;
	[sflag:s16] =	ssyncadd.s32 $0xFFFFC000  }
.LBB2_2:
0x2f: {  	[tilespmem:s18], [sflag:$0x2] =	stream.linear.gather [hbm4b:s24+s4], $0x100, $0x38;
	[tilespmem:$0x18200] =	vst v63  }
0x30: {  	s24 =	smov.u32 s23  }
0x31: {  	p0 =	sne.s32 s23, $0x940;
	s23 =	sadd.s32 $0x40, s23;
	_ =	swait.ge [sflag:s19], $0x100  }
0x32: {  	[sflag:s19] =	ssyncset.done $0x0  }
0x33: {  	[sflag:s19] =	ssyncadd.s32 $0xFFFFFF00  }
0x34: {  	[spmem:s2] =	stream.indirect.scatter.add.f32 [tilespmem:s17], [sflag:$0x3], $0x80, s4, s20, $0xb8;
	[tilespmem:$0x18200] =	vst v63  }
0x35: {  	_ =	swait.ge [sflag:s16], $0x4000  }
0x36: {  	[sflag:s16] =	ssyncset.done $0x0  }
0x37: {  	s25 =	sadd.s32 s24, s13;
	[sflag:s16] =	ssyncadd.s32 $0xFFFFC000  }
0x38: {  	[tilespmem:s4], [sflag:$0x1] =	stream.linear.gather [hbm4b:s25+s4], $0x100, $0x38;
	[tilespmem:$0x18200] =	vst v63  }
0x39: {  	_ =	swait.ge [sflag:s21], $0x100  }
0x3a: {  	[sflag:s21] =	ssyncset.done $0x0  }
.Ltmp0:
0x3b: {  	[sflag:s21] =	ssyncadd.s32 $0xFFFFFF00;
	(pc) =	sbr.rel @p0 .LBB2_2-.Ltmp0, $4  }
0x3c: {  	[spmem:s2] =	stream.indirect.scatter.add.f32 [tilespmem:s17], [sflag:$0x3], $0x80, s18, s20, $0xb8;
	[tilespmem:$0x18200] =	vst v63  }
0x3d: {  	_ =	swait.ge [sflag:s16], $0x4000  }
0x3e: {  	[sflag:s16] =	ssyncset.done $0x0  }
0x3f: {  	s24 =	sadd.s32 s24, s14;
	[sflag:s16] =	ssyncadd.s32 $0xFFFFC000  }
0x40: {  	[tilespmem:s18], [sflag:$0x2] =	stream.linear.gather [hbm4b:s24+s4], $0x100, $0x38;
	[tilespmem:$0x18200] =	vst v63  }
0x41: {  	_ =	swait.ge [sflag:s19], $0x100  }
0x42: {  	[sflag:s19] =	ssyncset.done $0x0  }
0x43: {  	[sflag:s19] =	ssyncadd.s32 $0xFFFFFF00  }
0x44: {  	[spmem:s2] =	stream.indirect.scatter.add.f32 [tilespmem:s17], [sflag:$0x3], $0x80, s4, s20, $0xb8;
	[tilespmem:$0x18200] =	vst v63  }
0x45: {  	_ =	swait.ge [sflag:s16], $0x4000  }
0x46: {  	[sflag:s16] =	ssyncset.done $0x0  }
0x47: {  	[sflag:s16] =	ssyncadd.s32 $0xFFFFC000  }
0x48: {  	[tilespmem:s4], [sflag:$0x1] =	stream.linear.gather [hbm4b:s12+s4], $0x100, $0x38;
	[tilespmem:$0x18200] =	vst v63  }
0x49: {  	_ =	swait.ge [sflag:s21], $0x100  }
0x4a: {  	[sflag:s21] =	ssyncset.done $0x0  }
0x4b: {  	[sflag:s21] =	ssyncadd.s32 $0xFFFFFF00  }
0x4c: {  	[spmem:s2] =	stream.indirect.scatter.add.f32 [tilespmem:s17], [sflag:$0x3], $0x80, s18, s20, $0xb8;
	[tilespmem:$0x18200] =	vst v63  }
0x4d: {  	_ =	swait.ge [sflag:s16], $0x4000  }
0x4e: {  	[sflag:s16] =	ssyncset.done $0x0  }
0x4f: {  	[sflag:s16] =	ssyncadd.s32 $0xFFFFC000  }
0x50: {  	[tilespmem:s18], [sflag:$0x2] =	stream.linear.gather [hbm4b:s11+s4], $0x100, $0x38;
	[tilespmem:$0x18200] =	vst v63  }
0x51: {  	_ =	swait.ge [sflag:s19], $0x100  }
0x52: {  	[sflag:s19] =	ssyncset.done $0x0  }
0x53: {  	[sflag:s19] =	ssyncadd.s32 $0xFFFFFF00  }
0x54: {  	[spmem:s2] =	stream.indirect.scatter.add.f32 [tilespmem:s17], [sflag:$0x3], $0x80, s4, s20, $0xb8;
	[tilespmem:$0x18200] =	vst v63  }
0x55: {  	_ =	swait.ge [sflag:s16], $0x4000  }
0x56: {  	[sflag:s16] =	ssyncset.done $0x0  }
0x57: {  	[sflag:s16] =	ssyncadd.s32 $0xFFFFC000  }
0x58: {  	[tilespmem:s4], [sflag:$0x1] =	stream.linear.gather [hbm4b:s11+s4], $0x100, $0x38;
	[tilespmem:$0x18200] =	vst v63  }
0x59: {  	_ =	swait.ge [sflag:s21], $0x100  }
0x5a: {  	[sflag:s21] =	ssyncset.done $0x0  }
0x5b: {  	[sflag:s21] =	ssyncadd.s32 $0xFFFFFF00  }
0x5c: {  	[spmem:s2] =	stream.indirect.scatter.add.f32 [tilespmem:s17], [sflag:$0x3], $0x80, s18, s20, $0xb8;
	[tilespmem:$0x18200] =	vst v63  }
0x5d: {  	_ =	swait.ge [sflag:s16], $0x4000  }
0x5e: {  	[sflag:s16] =	ssyncset.done $0x0  }
0x5f: {  	[sflag:s16] =	ssyncadd.s32 $0xFFFFC000  }
0x60: {  	[tilespmem:s18], [sflag:$0x2] =	stream.linear.gather [hbm4b:s11+s4], $0x100, $0x38;
	[tilespmem:$0x18200] =	vst v63  }
0x61: {  	_ =	swait.ge [sflag:s19], $0x100  }
0x62: {  	[sflag:s19] =	ssyncset.done $0x0  }
0x63: {  	[sflag:s19] =	ssyncadd.s32 $0xFFFFFF00  }
0x64: {  	_ =	swait.ge [sflag:s21], $0x100  }
0x65: {  	s22 =	sadd.s32 $0x1, s22;
	[sflag:s21] =	ssyncset.done $0x0  }
0x66: {  	p0 =	sne.s32 s22, s10;
	[sflag:s21] =	ssyncadd.s32 $0xFFFFFF00  }
.Ltmp1:
0x67: {  	[bflag:$0x0] =	sbarrier.arrive $0xFFFF;
	(pc) =	sbr.rel @p0 .LBB2_1-.Ltmp1, $4  }
0x68: {  	[hbm:s9], [sflag:s7] =	dma.local [spmem:s15], $0x2800  }
0x69: {  	_ =	swait.ge [sflag:s16], $0x2800  }
0x6a: {  	[sflag:s16] =	ssyncset.done $0x0  }
0x6b: {  	[sflag:s16] =	ssyncadd.s32 $0xFFFFD800  }
0x6c: {  	_ =	sfence.sel $0x180000  }
0x6d: {  	[bflag:$0x0] =	sbarrier.arrive $0xFFFF  }
0x6e: {  	p0 =	sne.s32 s3, $0x0;
	_ =	strace $0x90000047  }
0x6f: {  	s0 =	sadd.s32 @!p0 $0x100000, s0;
	[bflag:$0x2] =	sbarrier.arrive $0xFFFF  }
0x70: {  	[sflag:s0] =	ssyncadd.tile.s32 @!p0 $0x1;
	_ =	shalt  }
.Lfunc_end2:
_tile_overlayer_lowered:
.L_overlay_start_2:
0x71: {  	(tag) =	ssettag $0x2  }
0x72: {  	s0 =	rddreg [dreg:$0x0];
	s2 =	stileid.u32  }
0x73: {  	s1 =	rddreg [dreg:$0x1];
	p0 =	sne.s32 s2, $0x0  }
0x74: {  	s3 =	rddreg [dreg:$0x2];
	[bflag:$0x3] =	sbarrier.arrive $0xFFFF;
	s2 =	simm.s32 @!p0 $0x1C03  }
0x75: {  	[timem:s3], [sflag:s2] =	dma.local @!p0 [hbm:s0], s1  }
0x76: {  	s0 =	simm.s32 @!p0 $0x3  }
0x77: {  	_ =	swait.ge @!p0 [sflag:s0], s1  }
0x78: {  	s1 =	ssub.s32 @!p0 $0x0, s1;
	[sflag:s0] =	ssyncset.done @!p0 $0x0  }
0x79: {  	[sflag:s0] =	ssyncadd.s32 @!p0 s1  }
0x7a: {  	[bflag:$0x3] =	sbarrier.arrive $0xFFFF  }
0x7b: {  	_ =	shalt  }

</sc_bundles>
